<compile_context>
chip_gen: v7x
topology: tpu7x:2x2x1
jax: 0.10.2.dev20260603
libtpu: 0.0.44.dev20260713+nightly
codegen_flags: <defaults>
</compile_context>

<pallas_src>
import functools

import jax
import jax.numpy as jnp
from jax import lax
from jax.experimental import pallas as pl
from jax.experimental.pallas import tpu as pltpu
from jax.experimental.pallas import tpu_sc as plsc

N = 50000
E = 800000
NX = 48
VX = 8
NE = 16
VE = 4
H = 32
FV0 = NX
FV1 = NX + 3 * VX
F = FV1

RA = 512
GA = 98
NPAD = GA * RA
RB = 1600
GB = E // RB

NC = 2
NS = 16
HALF = NPAD // 2
TROWS = HALF // NS

EPW = E // (NC * NS)
GSUP = 384
NFULL_G = EPW // GSUP
EPT = E // NS
SCH = 96
NCH_S = EPT // SCH
SREM = EPT - NCH_S * SCH

_f32 = jnp.float32


def _gvp_weights(Wh, Wmu, Wm_w, nv, ns_in):
    I3 = jnp.eye(3, dtype=_f32)
    A = jnp.kron(Wh.T, I3)
    B = jnp.kron(Wmu.T, I3)
    mv = Wmu.shape[0]
    GH = jnp.kron(jnp.eye(H, dtype=_f32), jnp.ones((3, 1), _f32))
    GM = jnp.kron(jnp.eye(mv, dtype=_f32), jnp.ones((3, 1), _f32))
    EM = jnp.kron(jnp.eye(mv, dtype=_f32), jnp.ones((1, 3), _f32))
    W1 = Wm_w.T[:ns_in]
    W2 = Wm_w.T[ns_in:]
    return A, B, GH, GM, EM, W1, W2


def _gvp_block(s, V, A, B, GH, GM, EM, W1, W2, b):
    dot = functools.partial(jnp.dot, preferred_element_type=_f32)
    Vh = dot(V, A)
    Vmu = dot(Vh, B)
    sh = jnp.sqrt(dot(Vh * Vh, GH))
    vmu = jnp.sqrt(dot(Vmu * Vmu, GM))
    s_ = jnp.maximum(dot(s, W1) + dot(sh, W2) + b, 0.0)
    V_ = dot(jnp.maximum(vmu, 0.0), EM) * Vmu
    return s_, V_


def _layernorm(s, w, b):
    mu = jnp.mean(s, axis=-1, keepdims=True)
    var = jnp.mean((s - mu) ** 2, axis=-1, keepdims=True)
    return (s - mu) * lax.rsqrt(var + 1e-5) * w + b


def _node_kernel(x_ref, A_ref, B_ref, GH_ref, GM_ref, EM_ref, W1_ref, W2_ref,
                 bm_ref, lnw_ref, lnb_ref, na_ref, fro_ref, acc_ref):
    pid = pl.program_id(0)
    x = x_ref[...]
    s = x[:, :NX]
    V = x[:, NX:]
    s_, V_ = _gvp_block(s, V, A_ref[...], B_ref[...], GH_ref[...], GM_ref[...],
                        EM_ref[...], W1_ref[...], W2_ref[...], bm_ref[...])
    s_node = s_ + s
    V_node = V_ + V
    s_ln = _layernorm(s_node, lnw_ref[...], lnb_ref[...])
    rows = pid * RA + lax.broadcasted_iota(jnp.int32, (RA, 1), 0)
    valid = rows < N
    s_ln = jnp.where(valid, s_ln, 0.0)
    V_node = jnp.where(valid, V_node, 0.0)
    na_ref[...] = jnp.concatenate([s_ln, V_node], axis=-1)

    @pl.when(pid == 0)
    def _():
        acc_ref[0] = 0.0

    acc_ref[0] += jnp.sum(V_node * V_node)

    @pl.when(pid == GA - 1)
    def _():
        fro_ref[0, 0] = acc_ref[0]


def _node_pass(node_attrs, A, B, GH, GM, EM, W1, W2, bm, lnw, lnb):
    full = lambda r, c: pl.BlockSpec((r, c), lambda i: (0, 0))
    return pl.pallas_call(
        _node_kernel,
        grid=(GA,),
        in_specs=[
            pl.BlockSpec((RA, FV1), lambda i: (i, 0)),
            full(3 * VX, 3 * H), full(3 * H, 3 * VX), full(3 * H, H),
            full(3 * VX, VX), full(VX, 3 * VX), full(NX, NX), full(H, NX),
            full(1, NX), full(1, NX), full(1, NX),
        ],
        out_specs=[
            pl.BlockSpec((RA, F), lambda i: (i, 0)),
            pl.BlockSpec(memory_space=pltpu.SMEM),
        ],
        out_shape=[
            jax.ShapeDtypeStruct((NPAD, F), _f32),
            jax.ShapeDtypeStruct((1, 1), _f32),
        ],
        scratch_shapes=[pltpu.SMEM((1,), _f32)],
    )(node_attrs, A, B, GH, GM, EM, W1, W2, bm, lnw, lnb)


def _gather_pass(idx1, na):
    mesh = plsc.VectorSubcoreMesh(core_axis_name="c", subcore_axis_name="s")

    @functools.partial(
        pl.kernel,
        out_type=jax.ShapeDtypeStruct((E, F), _f32),
        mesh=mesh,
        compiler_params=pltpu.CompilerParams(use_tc_tiling_on_sc=False),
        scratch_types=[
            pltpu.VMEM((EPW,), jnp.int32),
            pltpu.VMEM((GSUP, F), _f32),
            pltpu.VMEM((GSUP, F), _f32),
            pltpu.SemaphoreType.DMA,
            pltpu.SemaphoreType.DMA,
        ],
    )
    def _gather(idx_hbm, na_hbm, g_hbm, idx_v, rows_a, rows_b, sem_a, sem_b):
        wid = lax.axis_index("s") * NC + lax.axis_index("c")
        ebase = pl.multiple_of(wid * EPW, 8)
        pltpu.sync_copy(idx_hbm.at[pl.ds(ebase, EPW)], idx_v)

        def _roff(i):
            return pl.multiple_of(jnp.minimum(i * GSUP, EPW - GSUP), 8)

        def fire(i, rows_v, sem):
            roff = _roff(i)
            for b in range(GSUP // 128):
                pltpu.async_copy(
                    na_hbm.at[idx_v.at[pl.ds(roff + b * 128, 128)]],
                    rows_v.at[pl.ds(b * 128, 128)], sem)

        def drain_write(i, rows_v, sem):
            pltpu.make_async_copy(na_hbm.at[pl.ds(0, GSUP)],
                                  rows_v, sem).wait()
            pltpu.sync_copy(rows_v, g_hbm.at[pl.ds(ebase + _roff(i), GSUP)])

        fire(0, rows_a, sem_a)
        fire(1, rows_b, sem_b)

        def body(r, carry):
            drain_write(2 * r, rows_a, sem_a)
            fire(2 * r + 2, rows_a, sem_a)
            drain_write(2 * r + 1, rows_b, sem_b)
            fire(2 * r + 3, rows_b, sem_b)
            return carry

        lax.fori_loop(0, NFULL_G // 2, body, 0)
        drain_write(NFULL_G - 1, rows_a, sem_a)
        drain_write(NFULL_G, rows_b, sem_b)

    return _gather(idx1, na)


def _sqrt_nn(y):
    return y * lax.rsqrt(y + 1e-30)


def _gvp_split(gs, gv, eas, eav, Ag, Ae_, B, GH, GM, EM, W1g, W1e, W2, b):
    dot = functools.partial(jnp.dot, preferred_element_type=_f32)
    Vh = dot(gv, Ag) + dot(eav, Ae_)
    Vmu = dot(Vh, B)
    sh = _sqrt_nn(dot(Vh * Vh, GH))
    vmu = _sqrt_nn(dot(Vmu * Vmu, GM))
    s_ = jnp.maximum(dot(gs, W1g) + dot(eas, W1e) + dot(sh, W2) + b, 0.0)
    V_ = dot(jnp.maximum(vmu, 0.0), EM) * Vmu
    return s_, V_


def _edge_kernel(g_ref, ea_ref,
                 Amg_ref, Ame_ref, Bm_ref, GHm_ref, GMm_ref, EMm_ref,
                 W1mg_ref, W1me_ref, W2m_ref, bm_ref,
                 Aeg_ref, Aee_ref, Be_ref, GHe_ref, GMe_ref, EMe_ref,
                 W1eg_ref, W1ee_ref, W2e_ref, be_ref,
                 hij_ref, hije_ref):
    g = g_ref[...]
    ea = ea_ref[...]
    gs, gv = g[:, :NX], g[:, NX:FV1]
    eas, eav = ea[:, :NE], ea[:, NE:]
    s_h, V_h = _gvp_split(gs, gv, eas, eav, Amg_ref[...], Ame_ref[...],
                          Bm_ref[...], GHm_ref[...], GMm_ref[...], EMm_ref[...],
                          W1mg_ref[...], W1me_ref[...], W2m_ref[...], bm_ref[...])
    hij_ref[...] = jnp.concatenate([s_h, V_h], axis=-1)
    s_e, V_e = _gvp_split(gs, gv, eas, eav, Aeg_ref[...], Aee_ref[...],
                          Be_ref[...], GHe_ref[...], GMe_ref[...], EMe_ref[...],
                          W1eg_ref[...], W1ee_ref[...], W2e_ref[...], be_ref[...])
    hije_ref[...] = jnp.concatenate([s_e, V_e], axis=-1)


def _edge_pass(g, edge_attrs, wm, we):
    full = lambda a: pl.BlockSpec(a.shape, lambda i: (0,) * a.ndim)
    return pl.pallas_call(
        _edge_kernel,
        grid=(GB,),
        in_specs=[pl.BlockSpec((RB, F), lambda i: (i, 0)),
                  pl.BlockSpec((RB, NE + 3 * VE), lambda i: (i, 0))]
                 + [full(a) for a in wm] + [full(a) for a in we],
        out_specs=[pl.BlockSpec((RB, FV1), lambda i: (i, 0)),
                   pl.BlockSpec((RB, NE + 3 * VE), lambda i: (i, 0))],
        out_shape=[jax.ShapeDtypeStruct((E, FV1), _f32),
                   jax.ShapeDtypeStruct((E, NE + 3 * VE), _f32)],
    )(g, edge_attrs, *wm, *we)


RT = 2000
RT_R = 8
GT = E // (RT * RT_R)


def _transpose_kernel(x_ref, w_ref):
    for r in range(RT_R):
        w_ref[pl.ds(r * RT, RT), :] = jnp.swapaxes(x_ref[:, r, :], 0, 1)


def _transpose_pass(hij_flat3):
    return pl.pallas_call(
        _transpose_kernel,
        grid=(GT,),
        in_specs=[pl.BlockSpec((FV1, RT_R, RT), lambda i: (0, i, 0))],
        out_specs=pl.BlockSpec((RT_R * RT, F), lambda i: (i, 0)),
        out_shape=jax.ShapeDtypeStruct((E, F), _f32),
    )(hij_flat3)


def _scatter_pass(idx0, hij, zeros):
    mesh = plsc.VectorSubcoreMesh(core_axis_name="c", subcore_axis_name="s")

    @functools.partial(
        pl.kernel,
        out_type=jax.ShapeDtypeStruct((NPAD, F), _f32),
        mesh=mesh,
        compiler_params=pltpu.CompilerParams(use_tc_tiling_on_sc=False),
        scratch_types=[
            pltpu.VMEM((SCH,), jnp.int32),
            pltpu.VMEM((1, SCH), jnp.int32),
            pltpu.VMEM((1, SCH), jnp.int32),
            pltpu.VMEM((1, SREM), jnp.int32),
            pltpu.VMEM((SCH, F), _f32),
            pltpu.VMEM((SCH, F), _f32),
            pltpu.SemaphoreType.DMA,
            pltpu.SemaphoreType.DMA,
            pltpu.VMEM_SHARED((HALF + 1, F), _f32),
        ],
    )
    def _scatter(idx_hbm, hij_hbm, zeros_hbm, acc_hbm,
                 idxd_v, idxl_a, idxl_b, idxr_v, rows_a, rows_b,
                 sem_a, sem_b, spmem):
        core = lax.axis_index("c")
        tile = lax.axis_index("s")
        nbase = core * HALF
        pltpu.sync_copy(zeros_hbm, spmem.at[pl.ds(tile * TROWS, TROWS)])

        @pl.when(tile == 0)
        def _():
            pltpu.sync_copy(zeros_hbm.at[pl.ds(0, 1)],
                            spmem.at[pl.ds(HALF, 1)])

        plsc.subcore_barrier()

        ebase = pl.multiple_of(tile * EPT, 8)

        def _local_idx(j, out_ref, jo):
            v = idxd_v[pl.ds(j * 16, 16)]
            t = v - nbase
            ok = (t >= 0) & (t < HALF)
            t = jnp.where(ok, t, HALF)
            out_ref[0, pl.ds(jo * 16, 16)] = t

        def _drain(rows_v, sem):
            pltpu.make_async_copy(hij_hbm.at[pl.ds(0, SCH)],
                                  rows_v, sem).wait()

        def _chunk(i, idxl_v, rows_v, sem, wait_first):
            if wait_first:
                _drain(rows_v, sem)
            off = pl.multiple_of(ebase + i * SCH, 8)
            pltpu.sync_copy(idx_hbm.at[pl.ds(off, SCH)], idxd_v)
            for j in range(SCH // 16):
                _local_idx(j, idxl_v, j)
            pltpu.sync_copy(hij_hbm.at[pl.ds(off, SCH)], rows_v)
            pltpu.async_copy(rows_v, spmem.at[idxl_v.at[0]], sem, add=True)

        _chunk(0, idxl_a, rows_a, sem_a, False)
        _chunk(1, idxl_b, rows_b, sem_b, False)

        def body(r, carry):
            _chunk(2 * r + 2, idxl_a, rows_a, sem_a, True)
            _chunk(2 * r + 3, idxl_b, rows_b, sem_b, True)
            return carry

        lax.fori_loop(0, (NCH_S - 2) // 2, body, 0)
        if NCH_S % 2 == 1:
            _chunk(NCH_S - 1, idxl_a, rows_a, sem_a, True)
        _drain(rows_a, sem_a)
        _drain(rows_b, sem_b)

        roff = pl.multiple_of(ebase + NCH_S * SCH, 8)
        pltpu.sync_copy(idx_hbm.at[pl.ds(roff, SREM)],
                        idxd_v.at[pl.ds(0, SREM)])
        for j in range(SREM // 16):
            _local_idx(j, idxr_v, j)
        pltpu.sync_copy(hij_hbm.at[pl.ds(roff, SREM)],
                        rows_a.at[pl.ds(0, SREM)])
        pltpu.sync_copy(rows_a.at[pl.ds(0, SREM)],
                        spmem.at[idxr_v.at[0]], add=True)

        plsc.subcore_barrier()
        pltpu.sync_copy(
            spmem.at[pl.ds(tile * TROWS, TROWS)],
            acc_hbm.at[pl.ds(nbase + tile * TROWS, TROWS)])

    return _scatter(idx0, hij, zeros)


def _vred_kernel(c1_ref, acc_ref, na_ref, out_ref, sum_ref):
    pid = pl.program_id(0)
    Vu = acc_ref[...][:, FV0:FV1] * (1.0 / 30.0) \
        + na_ref[...][:, FV0:FV1] * c1_ref[0, 0]

    @pl.when(pid == 0)
    def _():
        sum_ref[0] = 0.0

    sum_ref[0] += jnp.sum(Vu * Vu)

    @pl.when(pid == GA - 1)
    def _():
        out_ref[0, 0] = sum_ref[0]


def _vred_pass(c1, acc, na):
    return pl.pallas_call(
        _vred_kernel,
        grid=(GA,),
        in_specs=[pl.BlockSpec(memory_space=pltpu.SMEM),
                  pl.BlockSpec((RA, F), lambda i: (i, 0)),
                  pl.BlockSpec((RA, F), lambda i: (i, 0))],
        out_specs=pl.BlockSpec(memory_space=pltpu.SMEM),
        out_shape=jax.ShapeDtypeStruct((1, 1), _f32),
        scratch_shapes=[pltpu.SMEM((1,), _f32)],
    )(c1, acc, na)


def _finish_kernel(c1_ref, c2_ref, acc_ref, na_ref, lnw_ref, lnb_ref, out_ref):
    c1 = c1_ref[0, 0]
    c2 = c2_ref[0, 0]
    acc = acc_ref[...]
    na = na_ref[...]
    s_u = acc[:, :NX] * (1.0 / 30.0) + na[:, :NX]
    s_u = _layernorm(s_u, lnw_ref[...], lnb_ref[...])
    Vu = acc[:, FV0:FV1] * (1.0 / 30.0) + na[:, FV0:FV1] * c1
    out_s = na[:, :NX] + s_u
    out_V = na[:, FV0:FV1] * c1 + Vu * c2
    out_ref[...] = jnp.concatenate([out_s, out_V], axis=-1)


def _finish_pass(c1, c2, acc, na, lnw, lnb):
    full = lambda r, c: pl.BlockSpec((r, c), lambda i: (0, 0))
    return pl.pallas_call(
        _finish_kernel,
        grid=(GA,),
        in_specs=[pl.BlockSpec(memory_space=pltpu.SMEM),
                  pl.BlockSpec(memory_space=pltpu.SMEM),
                  pl.BlockSpec((RA, F), lambda i: (i, 0)),
                  pl.BlockSpec((RA, F), lambda i: (i, 0)),
                  full(1, NX), full(1, NX)],
        out_specs=pl.BlockSpec((RA, F), lambda i: (i, 0)),
        out_shape=jax.ShapeDtypeStruct((NPAD, F), _f32),
    )(c1, c2, acc, na, lnw, lnb)


def kernel(node_attrs, edge_attrs, edge_idx, Wh_v, Wmu_v, Wm_w_v, Wm_b_v,
           Wh_ve, Wmu_ve, Wm_w_ve, Wm_b_ve, Wh_e, Wmu_e, Wm_w_e, Wm_b_e,
           ln_w, ln_b):
    Av, Bv, GHv, GMv, EMv, W1v, W2v = _gvp_weights(Wh_v, Wmu_v, Wm_w_v, VX, NX)
    Am, Bm, GHm, GMm, EMm, W1m, W2m = _gvp_weights(
        Wh_ve, Wmu_ve, Wm_w_ve, VX + VE, NX + NE)
    Ae, Be, GHe, GMe, EMe, W1e, W2e = _gvp_weights(
        Wh_e, Wmu_e, Wm_w_e, VX + VE, NX + NE)
    bv = Wm_b_v.reshape(1, -1)
    bm = Wm_b_ve.reshape(1, -1)
    be = Wm_b_e.reshape(1, -1)
    lnw = ln_w.reshape(1, -1)
    lnb = ln_b.reshape(1, -1)

    na, s1 = _node_pass(node_attrs, Av, Bv, GHv, GMv, EMv, W1v, W2v,
                        bv, lnw, lnb)
    c1 = jnp.sqrt(jnp.float32(VX)) * lax.rsqrt(jnp.sqrt(s1) + 0.0)

    g = _gather_pass(edge_idx[1], na)

    wm = (Am[:3 * VX] * c1, Am[3 * VX:], Bm, GHm, GMm, EMm,
          W1m[:NX], W1m[NX:], W2m, bm)
    we = (Ae[:3 * VX] * c1, Ae[3 * VX:], Be, GHe, GMe, EMe,
          W1e[:NX], W1e[NX:], W2e, be)
    hij, hij_e = _edge_pass(g, edge_attrs, wm, we)
    w_mat = _transpose_pass(hij.reshape(-1).reshape(FV1, E // RT, RT))

    zeros = jnp.zeros((TROWS, F), _f32)
    acc = _scatter_pass(edge_idx[0], w_mat, zeros)

    s2 = _vred_pass(c1, acc, na)
    c2 = jnp.sqrt(jnp.float32(VX)) * lax.rsqrt(jnp.sqrt(s2) + 0.0)

    out1 = _finish_pass(c1, c2, acc, na, lnw, lnb)
    return out1[:N, :FV1], hij_e

# --- scband reference (transcript-rebuilt; emitter-appended) ---
"""Pipeline reference for scband-gvp-mpnn-7937099563208 (READ-ONLY COPY).

The authoritative reference and input builder live on the scoring server;
editing this copy changes nothing except your own understanding.
"""

import jax, jax.numpy as jnp
import numpy as np

N = 50000
E = 800000
NX = 48
VX = 8
NE = 16
VE = 4
H = 32
NODE_DIM = NX + 3 * VX
EDGE_DIM = NE + 3 * VE


def setup_inputs(seed: int = 0):
    key = jax.random.key(seed)
    ks = jax.random.split(key, 16)
    inp = {}
    inp['node_attrs'] = jax.random.normal(ks[0], (N, NODE_DIM), dtype=jnp.float32)
    inp['edge_attrs'] = jax.random.normal(ks[1], (E, EDGE_DIM), dtype=jnp.float32)
    inp['edge_idx'] = jax.random.randint(ks[2], (2, E), 0, N, dtype=jnp.int32)
    inp['Wh_v'] = jax.random.normal(ks[3], (H, VX), dtype=jnp.float32) * 0.25
    inp['Wmu_v'] = jax.random.normal(ks[4], (VX, H), dtype=jnp.float32) * 0.25
    inp['Wm_w_v'] = jax.random.normal(ks[5], (NX, NX + H), dtype=jnp.float32) * 0.05
    inp['Wm_b_v'] = jnp.zeros((NX,), dtype=jnp.float32)
    inp['Wh_ve'] = jax.random.normal(ks[6], (H, VX + VE), dtype=jnp.float32) * 0.25
    inp['Wmu_ve'] = jax.random.normal(ks[7], (VX, H), dtype=jnp.float32) * 0.25
    inp['Wm_w_ve'] = jax.random.normal(ks[8], (NX, NX + NE + H), dtype=jnp.float32) * 0.05
    inp['Wm_b_ve'] = jnp.zeros((NX,), dtype=jnp.float32)
    inp['Wh_e'] = jax.random.normal(ks[9], (H, VX + VE), dtype=jnp.float32) * 0.25
    inp['Wmu_e'] = jax.random.normal(ks[10], (VE, H), dtype=jnp.float32) * 0.25
    inp['Wm_w_e'] = jax.random.normal(ks[11], (NE, NX + NE + H), dtype=jnp.float32) * 0.05
    inp['Wm_b_e'] = jnp.zeros((NE,), dtype=jnp.float32)
    inp['ln_w'] = jnp.ones((NX,), dtype=jnp.float32)
    inp['ln_b'] = jnp.zeros((NX,), dtype=jnp.float32)
    return inp


def _gvp(x, Wh, Wmu, Wm_w, Wm_b, v_dim):
    n = x.shape[-1] - 3 * v_dim
    s = x[:, :n]
    V = x[:, n:].reshape(-1, v_dim, 3)
    Vh = jnp.einsum('hv,nvc->nhc', Wh, V)
    Vmu = jnp.einsum('mh,nhc->nmc', Wmu, Vh)
    sh = jnp.sqrt(jnp.sum(Vh * Vh, axis=-1))
    vmu = jnp.sqrt(jnp.sum(Vmu * Vmu, axis=-1, keepdims=True))
    s_ = jax.nn.relu(jnp.concatenate([s, sh], axis=-1) @ Wm_w.T + Wm_b)
    V_ = jax.nn.relu(vmu) * Vmu
    return s_, V_


def _layernorm(s, w, b):
    mu = jnp.mean(s, axis=-1, keepdims=True)
    var = jnp.mean((s - mu) ** 2, axis=-1, keepdims=True)
    return (s - mu) / jnp.sqrt(var + 1e-5) * w + b


def _gvp_layernorm(V):
    # torch.norm(V, keepdim=True) is the full Frobenius norm (a scalar, broadcast)
    fro = jnp.sqrt(jnp.sum(V * V))
    return V / jnp.sqrt(fro / V.shape[-2])


def _sum_over_neighbors(edge_feats, edge_idx, D):
    # Faithful replication of the torch sparse_coo_tensor construction,
    # including its value-ordering: values are row-major flattened while
    # indices are (edge tiled F times, feature repeated E times).
    En, F = edge_feats.shape
    flat = edge_feats.reshape(-1)
    idx0 = jnp.tile(edge_idx[0], F)
    idx2 = jnp.repeat(jnp.arange(F), En)
    # torch.sparse.sum over dim -2 removes the child-node index
    return jnp.zeros((D, F), dtype=edge_feats.dtype).at[idx0, idx2].add(flat)


def _forward(node_attrs, edge_attrs, edge_idx, Wh_v, Wmu_v, Wm_w_v, Wm_b_v, Wh_ve, Wmu_ve, Wm_w_ve, Wm_b_ve, Wh_e, Wmu_e, Wm_w_e, Wm_b_e, ln_w, ln_b):
    # node GVP (split output)
    s_node, V_node = _gvp(node_attrs, Wh_v, Wmu_v, Wm_w_v, Wm_b_v, VX)
    # residual
    s_node = s_node + node_attrs[:, :NX]
    V_node = V_node + node_attrs[:, NX:].reshape(-1, VX, 3)
    # norm_and_dropout (dropout is identity in eval)
    s_node = _layernorm(s_node, ln_w, ln_b)
    V_node = _gvp_layernorm(V_node)
    na = jnp.concatenate([s_node, V_node.reshape(-1, VX * 3)], axis=-1)
    # gather child-node features per edge
    g = na[edge_idx[1]]
    s_n = g[:, :NX]
    V_n = g[:, NX:].reshape(-1, VX, 3)
    s_e = edge_attrs[:, :NE]
    V_e = edge_attrs[:, NE:].reshape(-1, VE, 3)
    s = jnp.concatenate([s_n, s_e], axis=-1)
    V = jnp.concatenate([V_n, V_e], axis=-2)
    aet = jnp.concatenate([s, V.reshape(-1, (VX + VE) * 3)], axis=-1)
    # message GVP
    s_h, V_h = _gvp(aet, Wh_ve, Wmu_ve, Wm_w_ve, Wm_b_ve, VX + VE)
    hij = jnp.concatenate([s_h, V_h.reshape(-1, VX * 3)], axis=-1)
    # aggregate: indices.max()+1 == N here since edge ids cover [0, N)
    nu = _sum_over_neighbors(hij, edge_idx, N) / 30.0
    s_u = nu[:, :NX]
    V_u = nu[:, NX:].reshape(-1, VX, 3)
    s_u = s_u + na[:, :NX]
    V_u = V_u + na[:, NX:].reshape(-1, VX, 3)
    s_u = _layernorm(s_u, ln_w, ln_b)
    V_u = _gvp_layernorm(V_u)
    nu = jnp.concatenate([s_u, V_u.reshape(-1, VX * 3)], axis=-1)
    # edge GVP
    s_e2, V_e2 = _gvp(aet, Wh_e, Wmu_e, Wm_w_e, Wm_b_e, VX + VE)
    hij_e = jnp.concatenate([s_e2, V_e2.reshape(-1, VE * 3)], axis=-1)
    return na + nu, hij_e


def reference(node_attrs, edge_attrs, edge_idx, Wh_v, Wmu_v, Wm_w_v, Wm_b_v, Wh_ve, Wmu_ve, Wm_w_ve, Wm_b_ve, Wh_e, Wmu_e, Wm_w_e, Wm_b_e, ln_w, ln_b):
    return _forward(node_attrs, edge_attrs, edge_idx, Wh_v, Wmu_v, Wm_w_v, Wm_b_v, Wh_ve, Wmu_ve, Wm_w_ve, Wm_b_ve, Wh_e, Wmu_e, Wm_w_e, Wm_b_e, ln_w, ln_b)

if __name__ == "__main__":
    import jax
    _d = setup_inputs()
    print(jax.jit(kernel)(*tuple(_d.values())))

</pallas_src>

<mosaic_0001>
#map = affine_map<(d0, d1) -> (0)>
#map1 = affine_map<(d0, d1) -> (0, 0)>
module attributes {stable_mosaic.version = 14 : i64} {
  func.func @_gather(%arg0: i32, %arg1: i32, %arg2: memref<800000xi32, #tpu.memory_space<hbm>>, %arg3: memref<50176x72xf32, #tpu.memory_space<hbm>>, %arg4: memref<800000x72xf32, #tpu.memory_space<hbm>>, %arg5: memref<25000xi32, #tpu.memory_space<vmem>>, %arg6: memref<384x72xf32, #tpu.memory_space<vmem>>, %arg7: memref<384x72xf32, #tpu.memory_space<vmem>>, %arg8: memref<!tpu.dma_semaphore, #tpu.memory_space<semaphore_mem>>, %arg9: memref<!tpu.dma_semaphore, #tpu.memory_space<semaphore_mem>>) attributes {dimension_semantics = [#tpu.dimension_semantics<core_parallel>, #tpu.dimension_semantics<subcore_parallel>], iteration_bounds = array<i64: 2, 16>, scalar_prefetch = 0 : i64, scratch_operands = 5 : i64, tpu.core_type = #tpu.core_type<sc_vector_subcore>, window_params = [{transform_indices = #map}, {transform_indices = #map1}, {transform_indices = #map1}]} {
    %mul3A = arith.constant 2 : i32
    %mul3A_0 = arith.muli %arg1, %mul3A : i32
    %add3A = arith.addi %mul3A_0, %arg0 : i32
    %mul3A_1 = arith.constant 25000 : i32
    %mul3A_2 = arith.muli %add3A, %mul3A_1 : i32
    %multiple_of3A = tpu.assume_multiple %mul3A_2, 8 : i32
    "tpu.region"() ({
      %run_scoped3A = tpu.sem_alloc : memref<!tpu.dma_semaphore, #tpu.memory_space<semaphore_mem>>
      %dma_start3A_89 = tpu.memref_slice %arg2[%multiple_of3A] : memref<800000xi32, #tpu.memory_space<hbm>> -> memref<25000xi32, #tpu.memory_space<hbm>>
      %dma_start3A_90 = tpu.memref_slice %arg2[%multiple_of3A] : memref<800000xi32, #tpu.memory_space<hbm>> -> memref<25000xi32, #tpu.memory_space<hbm>>
      tpu.enqueue_dma source(%dma_start3A_90 : memref<25000xi32, #tpu.memory_space<hbm>>) target(%arg5 : memref<25000xi32, #tpu.memory_space<vmem>>) target_semaphore(%run_scoped3A : memref<!tpu.dma_semaphore, #tpu.memory_space<semaphore_mem>>)
      %dma_wait3A_91 = tpu.memref_slice %arg2[%multiple_of3A] : memref<800000xi32, #tpu.memory_space<hbm>> -> memref<25000xi32, #tpu.memory_space<hbm>>
      %dma_wait3A_92 = tpu.memref_slice %arg2[%multiple_of3A] : memref<800000xi32, #tpu.memory_space<hbm>> -> memref<25000xi32, #tpu.memory_space<hbm>>
      tpu.wait_dma2 semaphore(%run_scoped3A : memref<!tpu.dma_semaphore, #tpu.memory_space<semaphore_mem>>) src(%dma_wait3A_92 : memref<25000xi32, #tpu.memory_space<hbm>>) dst(%arg5 : memref<25000xi32, #tpu.memory_space<vmem>>)
      tpu.yield
    }) : () -> ()
    %min3A = arith.constant 0 : i32
    %min3A_3 = arith.constant 24616 : i32
    %min3A_4 = arith.minsi %min3A, %min3A_3 : i32
    %multiple_of3A_5 = tpu.assume_multiple %min3A_4, 8 : i32
    %add3A_6 = arith.constant 0 : i32
    %add3A_7 = arith.addi %multiple_of3A_5, %add3A_6 : i32
    %dma_start3A = arith.constant 0 : i32
    %dma_start3A_8 = arith.constant 0 : i32
    %dma_start3A_9 = tpu.memref_slice %arg6[%dma_start3A, %dma_start3A_8] : memref<384x72xf32, #tpu.memory_space<vmem>> -> memref<128x72xf32, #tpu.memory_space<vmem>>
    %dma_start3A_10 = tpu.memref_slice %arg5[%add3A_7] : memref<25000xi32, #tpu.memory_space<vmem>> -> memref<128xi32, #tpu.memory_space<vmem>>
    %dma_start3A_11 = arith.constant 0 : i32
    %dma_start3A_12 = arith.constant 0 : i32
    %dma_start3A_13 = tpu.memref_slice %arg3[%dma_start3A_11, %dma_start3A_12] : memref<50176x72xf32, #tpu.memory_space<hbm>> -> memref<50176x72xf32, #tpu.memory_space<hbm>>
    tpu.enqueue_indirect_dma source(%dma_start3A_13 : memref<50176x72xf32, #tpu.memory_space<hbm>>) target(%dma_start3A_9 : memref<128x72xf32, #tpu.memory_space<vmem>>) offsets(%dma_start3A_10 : memref<128xi32, #tpu.memory_space<vmem>>) semaphore(%arg8 : memref<!tpu.dma_semaphore, #tpu.memory_space<semaphore_mem>>)
    %add3A_14 = arith.constant 128 : i32
    %add3A_15 = arith.addi %multiple_of3A_5, %add3A_14 : i32
    %dma_start3A_16 = arith.constant 128 : i32
    %dma_start3A_17 = arith.constant 0 : i32
    %dma_start3A_18 = tpu.memref_slice %arg6[%dma_start3A_16, %dma_start3A_17] : memref<384x72xf32, #tpu.memory_space<vmem>> -> memref<128x72xf32, #tpu.memory_space<vmem>>
    %dma_start3A_19 = tpu.memref_slice %arg5[%add3A_15] : memref<25000xi32, #tpu.memory_space<vmem>> -> memref<128xi32, #tpu.memory_space<vmem>>
    %dma_start3A_20 = arith.constant 0 : i32
    %dma_start3A_21 = arith.constant 0 : i32
    %dma_start3A_22 = tpu.memref_slice %arg3[%dma_start3A_20, %dma_start3A_21] : memref<50176x72xf32, #tpu.memory_space<hbm>> -> memref<50176x72xf32, #tpu.memory_space<hbm>>
    tpu.enqueue_indirect_dma source(%dma_start3A_22 : memref<50176x72xf32, #tpu.memory_space<hbm>>) target(%dma_start3A_18 : memref<128x72xf32, #tpu.memory_space<vmem>>) offsets(%dma_start3A_19 : memref<128xi32, #tpu.memory_space<vmem>>) semaphore(%arg8 : memref<!tpu.dma_semaphore, #tpu.memory_space<semaphore_mem>>)
    %add3A_23 = arith.constant 256 : i32
    %add3A_24 = arith.addi %multiple_of3A_5, %add3A_23 : i32
    %dma_start3A_25 = arith.constant 256 : i32
    %dma_start3A_26 = arith.constant 0 : i32
    %dma_start3A_27 = tpu.memref_slice %arg6[%dma_start3A_25, %dma_start3A_26] : memref<384x72xf32, #tpu.memory_space<vmem>> -> memref<128x72xf32, #tpu.memory_space<vmem>>
    %dma_start3A_28 = tpu.memref_slice %arg5[%add3A_24] : memref<25000xi32, #tpu.memory_space<vmem>> -> memref<128xi32, #tpu.memory_space<vmem>>
    %dma_start3A_29 = arith.constant 0 : i32
    %dma_start3A_30 = arith.constant 0 : i32
    %dma_start3A_31 = tpu.memref_slice %arg3[%dma_start3A_29, %dma_start3A_30] : memref<50176x72xf32, #tpu.memory_space<hbm>> -> memref<50176x72xf32, #tpu.memory_space<hbm>>
    tpu.enqueue_indirect_dma source(%dma_start3A_31 : memref<50176x72xf32, #tpu.memory_space<hbm>>) target(%dma_start3A_27 : memref<128x72xf32, #tpu.memory_space<vmem>>) offsets(%dma_start3A_28 : memref<128xi32, #tpu.memory_space<vmem>>) semaphore(%arg8 : memref<!tpu.dma_semaphore, #tpu.memory_space<semaphore_mem>>)
    %min3A_32 = arith.constant 384 : i32
    %min3A_33 = arith.constant 24616 : i32
    %min3A_34 = arith.minsi %min3A_32, %min3A_33 : i32
    %multiple_of3A_35 = tpu.assume_multiple %min3A_34, 8 : i32
    %add3A_36 = arith.constant 0 : i32
    %add3A_37 = arith.addi %multiple_of3A_35, %add3A_36 : i32
    %dma_start3A_38 = arith.constant 0 : i32
    %dma_start3A_39 = arith.constant 0 : i32
    %dma_start3A_40 = tpu.memref_slice %arg7[%dma_start3A_38, %dma_start3A_39] : memref<384x72xf32, #tpu.memory_space<vmem>> -> memref<128x72xf32, #tpu.memory_space<vmem>>
    %dma_start3A_41 = tpu.memref_slice %arg5[%add3A_37] : memref<25000xi32, #tpu.memory_space<vmem>> -> memref<128xi32, #tpu.memory_space<vmem>>
    %dma_start3A_42 = arith.constant 0 : i32
    %dma_start3A_43 = arith.constant 0 : i32
    %dma_start3A_44 = tpu.memref_slice %arg3[%dma_start3A_42, %dma_start3A_43] : memref<50176x72xf32, #tpu.memory_space<hbm>> -> memref<50176x72xf32, #tpu.memory_space<hbm>>
    tpu.enqueue_indirect_dma source(%dma_start3A_44 : memref<50176x72xf32, #tpu.memory_space<hbm>>) target(%dma_start3A_40 : memref<128x72xf32, #tpu.memory_space<vmem>>) offsets(%dma_start3A_41 : memref<128xi32, #tpu.memory_space<vmem>>) semaphore(%arg9 : memref<!tpu.dma_semaphore, #tpu.memory_space<semaphore_mem>>)
    %add3A_45 = arith.constant 128 : i32
    %add3A_46 = arith.addi %multiple_of3A_35, %add3A_45 : i32
    %dma_start3A_47 = arith.constant 128 : i32
    %dma_start3A_48 = arith.constant 0 : i32
    %dma_start3A_49 = tpu.memref_slice %arg7[%dma_start3A_47, %dma_start3A_48] : memref<384x72xf32, #tpu.memory_space<vmem>> -> memref<128x72xf32, #tpu.memory_space<vmem>>
    %dma_start3A_50 = tpu.memref_slice %arg5[%add3A_46] : memref<25000xi32, #tpu.memory_space<vmem>> -> memref<128xi32, #tpu.memory_space<vmem>>
    %dma_start3A_51 = arith.constant 0 : i32
    %dma_start3A_52 = arith.constant 0 : i32
    %dma_start3A_53 = tpu.memref_slice %arg3[%dma_start3A_51, %dma_start3A_52] : memref<50176x72xf32, #tpu.memory_space<hbm>> -> memref<50176x72xf32, #tpu.memory_space<hbm>>
    tpu.enqueue_indirect_dma source(%dma_start3A_53 : memref<50176x72xf32, #tpu.memory_space<hbm>>) target(%dma_start3A_49 : memref<128x72xf32, #tpu.memory_space<vmem>>) offsets(%dma_start3A_50 : memref<128xi32, #tpu.memory_space<vmem>>) semaphore(%arg9 : memref<!tpu.dma_semaphore, #tpu.memory_space<semaphore_mem>>)
    %add3A_54 = arith.constant 256 : i32
    %add3A_55 = arith.addi %multiple_of3A_35, %add3A_54 : i32
    %dma_start3A_56 = arith.constant 256 : i32
    %dma_start3A_57 = arith.constant 0 : i32
    %dma_start3A_58 = tpu.memref_slice %arg7[%dma_start3A_56, %dma_start3A_57] : memref<384x72xf32, #tpu.memory_space<vmem>> -> memref<128x72xf32, #tpu.memory_space<vmem>>
    %dma_start3A_59 = tpu.memref_slice %arg5[%add3A_55] : memref<25000xi32, #tpu.memory_space<vmem>> -> memref<128xi32, #tpu.memory_space<vmem>>
    %dma_start3A_60 = arith.constant 0 : i32
    %dma_start3A_61 = arith.constant 0 : i32
    %dma_start3A_62 = tpu.memref_slice %arg3[%dma_start3A_60, %dma_start3A_61] : memref<50176x72xf32, #tpu.memory_space<hbm>> -> memref<50176x72xf32, #tpu.memory_space<hbm>>
    tpu.enqueue_indirect_dma source(%dma_start3A_62 : memref<50176x72xf32, #tpu.memory_space<hbm>>) target(%dma_start3A_58 : memref<128x72xf32, #tpu.memory_space<vmem>>) offsets(%dma_start3A_59 : memref<128xi32, #tpu.memory_space<vmem>>) semaphore(%arg9 : memref<!tpu.dma_semaphore, #tpu.memory_space<semaphore_mem>>)
    %scan3A = arith.constant 0 : i32
    %scan3A_63 = arith.constant 0 : i32
    %scan3A_64 = arith.constant 32 : i32
    %scan3A_65 = arith.addi %scan3A_63, %scan3A_64 : i32
    %scan3A_66 = arith.constant 1 : i32
    scf.for %scan3A_89 = %scan3A_63 to %scan3A_65 step %scan3A_66  : i32 {
      %mul3A_90 = arith.constant 2 : i32
      %mul3A_91 = arith.muli %mul3A_90, %scan3A_89 : i32
      %dma_wait3A_92 = arith.constant 0 : i32
      %dma_wait3A_93 = arith.constant 0 : i32
      %dma_wait3A_94 = tpu.memref_slice %arg3[%dma_wait3A_92, %dma_wait3A_93] : memref<50176x72xf32, #tpu.memory_space<hbm>> -> memref<384x72xf32, #tpu.memory_space<hbm>>
      %dma_wait3A_95 = arith.constant 0 : i32
      %dma_wait3A_96 = arith.constant 0 : i32
      %dma_wait3A_97 = tpu.memref_slice %arg3[%dma_wait3A_95, %dma_wait3A_96] : memref<50176x72xf32, #tpu.memory_space<hbm>> -> memref<384x72xf32, #tpu.memory_space<hbm>>
      tpu.wait_dma2 semaphore(%arg8 : memref<!tpu.dma_semaphore, #tpu.memory_space<semaphore_mem>>) src(%dma_wait3A_97 : memref<384x72xf32, #tpu.memory_space<hbm>>) dst(%arg6 : memref<384x72xf32, #tpu.memory_space<vmem>>)
      %mul3A_98 = arith.constant 384 : i32
      %mul3A_99 = arith.muli %mul3A_91, %mul3A_98 : i32
      %min3A_100 = arith.constant 24616 : i32
      %min3A_101 = arith.minsi %mul3A_99, %min3A_100 : i32
      %multiple_of3A_102 = tpu.assume_multiple %min3A_101, 8 : i32
      %add3A_103 = arith.addi %multiple_of3A, %multiple_of3A_102 : i32
      "tpu.region"() ({
        %run_scoped3A = tpu.sem_alloc : memref<!tpu.dma_semaphore, #tpu.memory_space<semaphore_mem>>
        %dma_start3A_192 = arith.constant 0 : i32
        %dma_start3A_193 = tpu.memref_slice %arg4[%add3A_103, %dma_start3A_192] : memref<800000x72xf32, #tpu.memory_space<hbm>> -> memref<384x72xf32, #tpu.memory_space<hbm>>
        %dma_start3A_194 = arith.constant 0 : i32
        %dma_start3A_195 = tpu.memref_slice %arg4[%add3A_103, %dma_start3A_194] : memref<800000x72xf32, #tpu.memory_space<hbm>> -> memref<384x72xf32, #tpu.memory_space<hbm>>
        tpu.enqueue_dma source(%arg6 : memref<384x72xf32, #tpu.memory_space<vmem>>) target(%dma_start3A_195 : memref<384x72xf32, #tpu.memory_space<hbm>>) target_semaphore(%run_scoped3A : memref<!tpu.dma_semaphore, #tpu.memory_space<semaphore_mem>>)
        %dma_wait3A_196 = arith.constant 0 : i32
        %dma_wait3A_197 = tpu.memref_slice %arg4[%add3A_103, %dma_wait3A_196] : memref<800000x72xf32, #tpu.memory_space<hbm>> -> memref<384x72xf32, #tpu.memory_space<hbm>>
        %dma_wait3A_198 = arith.constant 0 : i32
        %dma_wait3A_199 = tpu.memref_slice %arg4[%add3A_103, %dma_wait3A_198] : memref<800000x72xf32, #tpu.memory_space<hbm>> -> memref<384x72xf32, #tpu.memory_space<hbm>>
        tpu.wait_dma2 semaphore(%run_scoped3A : memref<!tpu.dma_semaphore, #tpu.memory_space<semaphore_mem>>) src(%arg6 : memref<384x72xf32, #tpu.memory_space<vmem>>) dst(%dma_wait3A_199 : memref<384x72xf32, #tpu.memory_space<hbm>>)
        tpu.yield
      }) : () -> ()
      %mul3A_104 = arith.constant 2 : i32
      %mul3A_105 = arith.muli %mul3A_104, %scan3A_89 : i32
      %add3A_106 = arith.constant 2 : i32
      %add3A_107 = arith.addi %mul3A_105, %add3A_106 : i32
      %mul3A_108 = arith.constant 384 : i32
      %mul3A_109 = arith.muli %add3A_107, %mul3A_108 : i32
      %min3A_110 = arith.constant 24616 : i32
      %min3A_111 = arith.minsi %mul3A_109, %min3A_110 : i32
      %multiple_of3A_112 = tpu.assume_multiple %min3A_111, 8 : i32
      %add3A_113 = arith.constant 0 : i32
      %add3A_114 = arith.addi %multiple_of3A_112, %add3A_113 : i32
      %dma_start3A_115 = arith.constant 0 : i32
      %dma_start3A_116 = arith.constant 0 : i32
      %dma_start3A_117 = tpu.memref_slice %arg6[%dma_start3A_115, %dma_start3A_116] : memref<384x72xf32, #tpu.memory_space<vmem>> -> memref<128x72xf32, #tpu.memory_space<vmem>>
      %dma_start3A_118 = tpu.memref_slice %arg5[%add3A_114] : memref<25000xi32, #tpu.memory_space<vmem>> -> memref<128xi32, #tpu.memory_space<vmem>>
      %dma_start3A_119 = arith.constant 0 : i32
      %dma_start3A_120 = arith.constant 0 : i32
      %dma_start3A_121 = tpu.memref_slice %arg3[%dma_start3A_119, %dma_start3A_120] : memref<50176x72xf32, #tpu.memory_space<hbm>> -> memref<50176x72xf32, #tpu.memory_space<hbm>>
      tpu.enqueue_indirect_dma source(%dma_start3A_121 : memref<50176x72xf32, #tpu.memory_space<hbm>>) target(%dma_start3A_117 : memref<128x72xf32, #tpu.memory_space<vmem>>) offsets(%dma_start3A_118 : memref<128xi32, #tpu.memory_space<vmem>>) semaphore(%arg8 : memref<!tpu.dma_semaphore, #tpu.memory_space<semaphore_mem>>)
      %add3A_122 = arith.constant 128 : i32
      %add3A_123 = arith.addi %multiple_of3A_112, %add3A_122 : i32
      %dma_start3A_124 = arith.constant 128 : i32
      %dma_start3A_125 = arith.constant 0 : i32
      %dma_start3A_126 = tpu.memref_slice %arg6[%dma_start3A_124, %dma_start3A_125] : memref<384x72xf32, #tpu.memory_space<vmem>> -> memref<128x72xf32, #tpu.memory_space<vmem>>
      %dma_start3A_127 = tpu.memref_slice %arg5[%add3A_123] : memref<25000xi32, #tpu.memory_space<vmem>> -> memref<128xi32, #tpu.memory_space<vmem>>
      %dma_start3A_128 = arith.constant 0 : i32
      %dma_start3A_129 = arith.constant 0 : i32
      %dma_start3A_130 = tpu.memref_slice %arg3[%dma_start3A_128, %dma_start3A_129] : memref<50176x72xf32, #tpu.memory_space<hbm>> -> memref<50176x72xf32, #tpu.memory_space<hbm>>
      tpu.enqueue_indirect_dma source(%dma_start3A_130 : memref<50176x72xf32, #tpu.memory_space<hbm>>) target(%dma_start3A_126 : memref<128x72xf32, #tpu.memory_space<vmem>>) offsets(%dma_start3A_127 : memref<128xi32, #tpu.memory_space<vmem>>) semaphore(%arg8 : memref<!tpu.dma_semaphore, #tpu.memory_space<semaphore_mem>>)
      %add3A_131 = arith.constant 256 : i32
      %add3A_132 = arith.addi %multiple_of3A_112, %add3A_131 : i32
      %dma_start3A_133 = arith.constant 256 : i32
      %dma_start3A_134 = arith.constant 0 : i32
      %dma_start3A_135 = tpu.memref_slice %arg6[%dma_start3A_133, %dma_start3A_134] : memref<384x72xf32, #tpu.memory_space<vmem>> -> memref<128x72xf32, #tpu.memory_space<vmem>>
      %dma_start3A_136 = tpu.memref_slice %arg5[%add3A_132] : memref<25000xi32, #tpu.memory_space<vmem>> -> memref<128xi32, #tpu.memory_space<vmem>>
      %dma_start3A_137 = arith.constant 0 : i32
      %dma_start3A_138 = arith.constant 0 : i32
      %dma_start3A_139 = tpu.memref_slice %arg3[%dma_start3A_137, %dma_start3A_138] : memref<50176x72xf32, #tpu.memory_space<hbm>> -> memref<50176x72xf32, #tpu.memory_space<hbm>>
      tpu.enqueue_indirect_dma source(%dma_start3A_139 : memref<50176x72xf32, #tpu.memory_space<hbm>>) target(%dma_start3A_135 : memref<128x72xf32, #tpu.memory_space<vmem>>) offsets(%dma_start3A_136 : memref<128xi32, #tpu.memory_space<vmem>>) semaphore(%arg8 : memref<!tpu.dma_semaphore, #tpu.memory_space<semaphore_mem>>)
      %mul3A_140 = arith.constant 2 : i32
      %mul3A_141 = arith.muli %mul3A_140, %scan3A_89 : i32
      %add3A_142 = arith.constant 1 : i32
      %add3A_143 = arith.addi %mul3A_141, %add3A_142 : i32
      %dma_wait3A_144 = arith.constant 0 : i32
      %dma_wait3A_145 = arith.constant 0 : i32
      %dma_wait3A_146 = tpu.memref_slice %arg3[%dma_wait3A_144, %dma_wait3A_145] : memref<50176x72xf32, #tpu.memory_space<hbm>> -> memref<384x72xf32, #tpu.memory_space<hbm>>
      %dma_wait3A_147 = arith.constant 0 : i32
      %dma_wait3A_148 = arith.constant 0 : i32
      %dma_wait3A_149 = tpu.memref_slice %arg3[%dma_wait3A_147, %dma_wait3A_148] : memref<50176x72xf32, #tpu.memory_space<hbm>> -> memref<384x72xf32, #tpu.memory_space<hbm>>
      tpu.wait_dma2 semaphore(%arg9 : memref<!tpu.dma_semaphore, #tpu.memory_space<semaphore_mem>>) src(%dma_wait3A_149 : memref<384x72xf32, #tpu.memory_space<hbm>>) dst(%arg7 : memref<384x72xf32, #tpu.memory_space<vmem>>)
      %mul3A_150 = arith.constant 384 : i32
      %mul3A_151 = arith.muli %add3A_143, %mul3A_150 : i32
      %min3A_152 = arith.constant 24616 : i32
      %min3A_153 = arith.minsi %mul3A_151, %min3A_152 : i32
      %multiple_of3A_154 = tpu.assume_multiple %min3A_153, 8 : i32
      %add3A_155 = arith.addi %multiple_of3A, %multiple_of3A_154 : i32
      "tpu.region"() ({
        %run_scoped3A = tpu.sem_alloc : memref<!tpu.dma_semaphore, #tpu.memory_space<semaphore_mem>>
        %dma_start3A_192 = arith.constant 0 : i32
        %dma_start3A_193 = tpu.memref_slice %arg4[%add3A_155, %dma_start3A_192] : memref<800000x72xf32, #tpu.memory_space<hbm>> -> memref<384x72xf32, #tpu.memory_space<hbm>>
        %dma_start3A_194 = arith.constant 0 : i32
        %dma_start3A_195 = tpu.memref_slice %arg4[%add3A_155, %dma_start3A_194] : memref<800000x72xf32, #tpu.memory_space<hbm>> -> memref<384x72xf32, #tpu.memory_space<hbm>>
        tpu.enqueue_dma source(%arg7 : memref<384x72xf32, #tpu.memory_space<vmem>>) target(%dma_start3A_195 : memref<384x72xf32, #tpu.memory_space<hbm>>) target_semaphore(%run_scoped3A : memref<!tpu.dma_semaphore, #tpu.memory_space<semaphore_mem>>)
        %dma_wait3A_196 = arith.constant 0 : i32
        %dma_wait3A_197 = tpu.memref_slice %arg4[%add3A_155, %dma_wait3A_196] : memref<800000x72xf32, #tpu.memory_space<hbm>> -> memref<384x72xf32, #tpu.memory_space<hbm>>
        %dma_wait3A_198 = arith.constant 0 : i32
        %dma_wait3A_199 = tpu.memref_slice %arg4[%add3A_155, %dma_wait3A_198] : memref<800000x72xf32, #tpu.memory_space<hbm>> -> memref<384x72xf32, #tpu.memory_space<hbm>>
        tpu.wait_dma2 semaphore(%run_scoped3A : memref<!tpu.dma_semaphore, #tpu.memory_space<semaphore_mem>>) src(%arg7 : memref<384x72xf32, #tpu.memory_space<vmem>>) dst(%dma_wait3A_199 : memref<384x72xf32, #tpu.memory_space<hbm>>)
        tpu.yield
      }) : () -> ()
      %mul3A_156 = arith.constant 2 : i32
      %mul3A_157 = arith.muli %mul3A_156, %scan3A_89 : i32
      %add3A_158 = arith.constant 3 : i32
      %add3A_159 = arith.addi %mul3A_157, %add3A_158 : i32
      %mul3A_160 = arith.constant 384 : i32
      %mul3A_161 = arith.muli %add3A_159, %mul3A_160 : i32
      %min3A_162 = arith.constant 24616 : i32
      %min3A_163 = arith.minsi %mul3A_161, %min3A_162 : i32
      %multiple_of3A_164 = tpu.assume_multiple %min3A_163, 8 : i32
      %add3A_165 = arith.constant 0 : i32
      %add3A_166 = arith.addi %multiple_of3A_164, %add3A_165 : i32
      %dma_start3A_167 = arith.constant 0 : i32
      %dma_start3A_168 = arith.constant 0 : i32
      %dma_start3A_169 = tpu.memref_slice %arg7[%dma_start3A_167, %dma_start3A_168] : memref<384x72xf32, #tpu.memory_space<vmem>> -> memref<128x72xf32, #tpu.memory_space<vmem>>
      %dma_start3A_170 = tpu.memref_slice %arg5[%add3A_166] : memref<25000xi32, #tpu.memory_space<vmem>> -> memref<128xi32, #tpu.memory_space<vmem>>
      %dma_start3A_171 = arith.constant 0 : i32
      %dma_start3A_172 = arith.constant 0 : i32
      %dma_start3A_173 = tpu.memref_slice %arg3[%dma_start3A_171, %dma_start3A_172] : memref<50176x72xf32, #tpu.memory_space<hbm>> -> memref<50176x72xf32, #tpu.memory_space<hbm>>
      tpu.enqueue_indirect_dma source(%dma_start3A_173 : memref<50176x72xf32, #tpu.memory_space<hbm>>) target(%dma_start3A_169 : memref<128x72xf32, #tpu.memory_space<vmem>>) offsets(%dma_start3A_170 : memref<128xi32, #tpu.memory_space<vmem>>) semaphore(%arg9 : memref<!tpu.dma_semaphore, #tpu.memory_space<semaphore_mem>>)
      %add3A_174 = arith.constant 128 : i32
      %add3A_175 = arith.addi %multiple_of3A_164, %add3A_174 : i32
      %dma_start3A_176 = arith.constant 128 : i32
      %dma_start3A_177 = arith.constant 0 : i32
      %dma_start3A_178 = tpu.memref_slice %arg7[%dma_start3A_176, %dma_start3A_177] : memref<384x72xf32, #tpu.memory_space<vmem>> -> memref<128x72xf32, #tpu.memory_space<vmem>>
      %dma_start3A_179 = tpu.memref_slice %arg5[%add3A_175] : memref<25000xi32, #tpu.memory_space<vmem>> -> memref<128xi32, #tpu.memory_space<vmem>>
      %dma_start3A_180 = arith.constant 0 : i32
      %dma_start3A_181 = arith.constant 0 : i32
      %dma_start3A_182 = tpu.memref_slice %arg3[%dma_start3A_180, %dma_start3A_181] : memref<50176x72xf32, #tpu.memory_space<hbm>> -> memref<50176x72xf32, #tpu.memory_space<hbm>>
      tpu.enqueue_indirect_dma source(%dma_start3A_182 : memref<50176x72xf32, #tpu.memory_space<hbm>>) target(%dma_start3A_178 : memref<128x72xf32, #tpu.memory_space<vmem>>) offsets(%dma_start3A_179 : memref<128xi32, #tpu.memory_space<vmem>>) semaphore(%arg9 : memref<!tpu.dma_semaphore, #tpu.memory_space<semaphore_mem>>)
      %add3A_183 = arith.constant 256 : i32
      %add3A_184 = arith.addi %multiple_of3A_164, %add3A_183 : i32
      %dma_start3A_185 = arith.constant 256 : i32
      %dma_start3A_186 = arith.constant 0 : i32
      %dma_start3A_187 = tpu.memref_slice %arg7[%dma_start3A_185, %dma_start3A_186] : memref<384x72xf32, #tpu.memory_space<vmem>> -> memref<128x72xf32, #tpu.memory_space<vmem>>
      %dma_start3A_188 = tpu.memref_slice %arg5[%add3A_184] : memref<25000xi32, #tpu.memory_space<vmem>> -> memref<128xi32, #tpu.memory_space<vmem>>
      %dma_start3A_189 = arith.constant 0 : i32
      %dma_start3A_190 = arith.constant 0 : i32
      %dma_start3A_191 = tpu.memref_slice %arg3[%dma_start3A_189, %dma_start3A_190] : memref<50176x72xf32, #tpu.memory_space<hbm>> -> memref<50176x72xf32, #tpu.memory_space<hbm>>
      tpu.enqueue_indirect_dma source(%dma_start3A_191 : memref<50176x72xf32, #tpu.memory_space<hbm>>) target(%dma_start3A_187 : memref<128x72xf32, #tpu.memory_space<vmem>>) offsets(%dma_start3A_188 : memref<128xi32, #tpu.memory_space<vmem>>) semaphore(%arg9 : memref<!tpu.dma_semaphore, #tpu.memory_space<semaphore_mem>>)
    }
    %scan3A_67 = arith.constant 32 : i32
    %dma_wait3A = arith.constant 0 : i32
    %dma_wait3A_68 = arith.constant 0 : i32
    %dma_wait3A_69 = tpu.memref_slice %arg3[%dma_wait3A, %dma_wait3A_68] : memref<50176x72xf32, #tpu.memory_space<hbm>> -> memref<384x72xf32, #tpu.memory_space<hbm>>
    %dma_wait3A_70 = arith.constant 0 : i32
    %dma_wait3A_71 = arith.constant 0 : i32
    %dma_wait3A_72 = tpu.memref_slice %arg3[%dma_wait3A_70, %dma_wait3A_71] : memref<50176x72xf32, #tpu.memory_space<hbm>> -> memref<384x72xf32, #tpu.memory_space<hbm>>
    tpu.wait_dma2 semaphore(%arg8 : memref<!tpu.dma_semaphore, #tpu.memory_space<semaphore_mem>>) src(%dma_wait3A_72 : memref<384x72xf32, #tpu.memory_space<hbm>>) dst(%arg6 : memref<384x72xf32, #tpu.memory_space<vmem>>)
    %min3A_73 = arith.constant 24576 : i32
    %min3A_74 = arith.constant 24616 : i32
    %min3A_75 = arith.minsi %min3A_73, %min3A_74 : i32
    %multiple_of3A_76 = tpu.assume_multiple %min3A_75, 8 : i32
    %add3A_77 = arith.addi %multiple_of3A, %multiple_of3A_76 : i32
    "tpu.region"() ({
      %run_scoped3A = tpu.sem_alloc : memref<!tpu.dma_semaphore, #tpu.memory_space<semaphore_mem>>
      %dma_start3A_89 = arith.constant 0 : i32
      %dma_start3A_90 = tpu.memref_slice %arg4[%add3A_77, %dma_start3A_89] : memref<800000x72xf32, #tpu.memory_space<hbm>> -> memref<384x72xf32, #tpu.memory_space<hbm>>
      %dma_start3A_91 = arith.constant 0 : i32
      %dma_start3A_92 = tpu.memref_slice %arg4[%add3A_77, %dma_start3A_91] : memref<800000x72xf32, #tpu.memory_space<hbm>> -> memref<384x72xf32, #tpu.memory_space<hbm>>
      tpu.enqueue_dma source(%arg6 : memref<384x72xf32, #tpu.memory_space<vmem>>) target(%dma_start3A_92 : memref<384x72xf32, #tpu.memory_space<hbm>>) target_semaphore(%run_scoped3A : memref<!tpu.dma_semaphore, #tpu.memory_space<semaphore_mem>>)
      %dma_wait3A_93 = arith.constant 0 : i32
      %dma_wait3A_94 = tpu.memref_slice %arg4[%add3A_77, %dma_wait3A_93] : memref<800000x72xf32, #tpu.memory_space<hbm>> -> memref<384x72xf32, #tpu.memory_space<hbm>>
      %dma_wait3A_95 = arith.constant 0 : i32
      %dma_wait3A_96 = tpu.memref_slice %arg4[%add3A_77, %dma_wait3A_95] : memref<800000x72xf32, #tpu.memory_space<hbm>> -> memref<384x72xf32, #tpu.memory_space<hbm>>
      tpu.wait_dma2 semaphore(%run_scoped3A : memref<!tpu.dma_semaphore, #tpu.memory_space<semaphore_mem>>) src(%arg6 : memref<384x72xf32, #tpu.memory_space<vmem>>) dst(%dma_wait3A_96 : memref<384x72xf32, #tpu.memory_space<hbm>>)
      tpu.yield
    }) : () -> ()
    %dma_wait3A_78 = arith.constant 0 : i32
    %dma_wait3A_79 = arith.constant 0 : i32
    %dma_wait3A_80 = tpu.memref_slice %arg3[%dma_wait3A_78, %dma_wait3A_79] : memref<50176x72xf32, #tpu.memory_space<hbm>> -> memref<384x72xf32, #tpu.memory_space<hbm>>
    %dma_wait3A_81 = arith.constant 0 : i32
    %dma_wait3A_82 = arith.constant 0 : i32
    %dma_wait3A_83 = tpu.memref_slice %arg3[%dma_wait3A_81, %dma_wait3A_82] : memref<50176x72xf32, #tpu.memory_space<hbm>> -> memref<384x72xf32, #tpu.memory_space<hbm>>
    tpu.wait_dma2 semaphore(%arg9 : memref<!tpu.dma_semaphore, #tpu.memory_space<semaphore_mem>>) src(%dma_wait3A_83 : memref<384x72xf32, #tpu.memory_space<hbm>>) dst(%arg7 : memref<384x72xf32, #tpu.memory_space<vmem>>)
    %min3A_84 = arith.constant 24960 : i32
    %min3A_85 = arith.constant 24616 : i32
    %min3A_86 = arith.minsi %min3A_84, %min3A_85 : i32
    %multiple_of3A_87 = tpu.assume_multiple %min3A_86, 8 : i32
    %add3A_88 = arith.addi %multiple_of3A, %multiple_of3A_87 : i32
    "tpu.region"() ({
      %run_scoped3A = tpu.sem_alloc : memref<!tpu.dma_semaphore, #tpu.memory_space<semaphore_mem>>
      %dma_start3A_89 = arith.constant 0 : i32
      %dma_start3A_90 = tpu.memref_slice %arg4[%add3A_88, %dma_start3A_89] : memref<800000x72xf32, #tpu.memory_space<hbm>> -> memref<384x72xf32, #tpu.memory_space<hbm>>
      %dma_start3A_91 = arith.constant 0 : i32
      %dma_start3A_92 = tpu.memref_slice %arg4[%add3A_88, %dma_start3A_91] : memref<800000x72xf32, #tpu.memory_space<hbm>> -> memref<384x72xf32, #tpu.memory_space<hbm>>
      tpu.enqueue_dma source(%arg7 : memref<384x72xf32, #tpu.memory_space<vmem>>) target(%dma_start3A_92 : memref<384x72xf32, #tpu.memory_space<hbm>>) target_semaphore(%run_scoped3A : memref<!tpu.dma_semaphore, #tpu.memory_space<semaphore_mem>>)
      %dma_wait3A_93 = arith.constant 0 : i32
      %dma_wait3A_94 = tpu.memref_slice %arg4[%add3A_88, %dma_wait3A_93] : memref<800000x72xf32, #tpu.memory_space<hbm>> -> memref<384x72xf32, #tpu.memory_space<hbm>>
      %dma_wait3A_95 = arith.constant 0 : i32
      %dma_wait3A_96 = tpu.memref_slice %arg4[%add3A_88, %dma_wait3A_95] : memref<800000x72xf32, #tpu.memory_space<hbm>> -> memref<384x72xf32, #tpu.memory_space<hbm>>
      tpu.wait_dma2 semaphore(%run_scoped3A : memref<!tpu.dma_semaphore, #tpu.memory_space<semaphore_mem>>) src(%arg7 : memref<384x72xf32, #tpu.memory_space<vmem>>) dst(%dma_wait3A_96 : memref<384x72xf32, #tpu.memory_space<hbm>>)
      tpu.yield
    }) : () -> ()
    return
  }
}

#map = affine_map<(d0, d1) -> (0)>
#map1 = affine_map<(d0, d1) -> (0, 0)>
module attributes {stable_mosaic.version = 14 : i64} {
  func.func @_scatter(%arg0: i32, %arg1: i32, %arg2: memref<800000xi32, #tpu.memory_space<hbm>>, %arg3: memref<800000x72xf32, #tpu.memory_space<hbm>>, %arg4: memref<1568x72xf32, #tpu.memory_space<hbm>>, %arg5: memref<50176x72xf32, #tpu.memory_space<hbm>>, %arg6: memref<96xi32, #tpu.memory_space<vmem>>, %arg7: memref<1x96xi32, #tpu.memory_space<vmem>>, %arg8: memref<1x96xi32, #tpu.memory_space<vmem>>, %arg9: memref<1x80xi32, #tpu.memory_space<vmem>>, %arg10: memref<96x72xf32, #tpu.memory_space<vmem>>, %arg11: memref<96x72xf32, #tpu.memory_space<vmem>>, %arg12: memref<!tpu.dma_semaphore, #tpu.memory_space<semaphore_mem>>, %arg13: memref<!tpu.dma_semaphore, #tpu.memory_space<semaphore_mem>>, %arg14: memref<25089x72xf32, #tpu.memory_space<vmem_shared>>) attributes {dimension_semantics = [#tpu.dimension_semantics<core_parallel>, #tpu.dimension_semantics<subcore_parallel>], iteration_bounds = array<i64: 2, 16>, scalar_prefetch = 0 : i64, scratch_operands = 9 : i64, tpu.core_type = #tpu.core_type<sc_vector_subcore>, window_params = [{transform_indices = #map}, {transform_indices = #map1}, {transform_indices = #map1}, {transform_indices = #map1}]} {
    %mul3A = arith.constant 25088 : i32
    %mul3A_0 = arith.muli %arg0, %mul3A : i32
    %mul3A_1 = arith.constant 1568 : i32
    %mul3A_2 = arith.muli %arg1, %mul3A_1 : i32
    "tpu.region"() ({
      %run_scoped3A_398 = tpu.sem_alloc : memref<!tpu.dma_semaphore, #tpu.memory_space<semaphore_mem>>
      %dma_start3A_399 = arith.constant 0 : i32
      %dma_start3A_400 = tpu.memref_slice %arg14[%mul3A_2, %dma_start3A_399] : memref<25089x72xf32, #tpu.memory_space<vmem_shared>> -> memref<1568x72xf32, #tpu.memory_space<vmem_shared>>
      tpu.enqueue_dma source(%arg4 : memref<1568x72xf32, #tpu.memory_space<hbm>>) target(%dma_start3A_400 : memref<1568x72xf32, #tpu.memory_space<vmem_shared>>) target_semaphore(%run_scoped3A_398 : memref<!tpu.dma_semaphore, #tpu.memory_space<semaphore_mem>>)
      %dma_wait3A_401 = arith.constant 0 : i32
      %dma_wait3A_402 = tpu.memref_slice %arg14[%mul3A_2, %dma_wait3A_401] : memref<25089x72xf32, #tpu.memory_space<vmem_shared>> -> memref<1568x72xf32, #tpu.memory_space<vmem_shared>>
      tpu.wait_dma2 semaphore(%run_scoped3A_398 : memref<!tpu.dma_semaphore, #tpu.memory_space<semaphore_mem>>) src(%arg4 : memref<1568x72xf32, #tpu.memory_space<hbm>>) dst(%dma_wait3A_402 : memref<1568x72xf32, #tpu.memory_space<vmem_shared>>)
      tpu.yield
    }) : () -> ()
    %eq3A = arith.constant 0 : i32
    %eq3A_3 = arith.cmpi eq, %arg1, %eq3A : i32
    %convert_element_type3A = arith.extui %eq3A_3 : i1 to i32
    %cond3A = arith.constant 0 : i32
    %cond3A_4 = arith.cmpi ne, %convert_element_type3A, %cond3A : i32
    scf.if %cond3A_4 {
      "tpu.region"() ({
        %run_scoped3A_398 = tpu.sem_alloc : memref<!tpu.dma_semaphore, #tpu.memory_space<semaphore_mem>>
        %dma_start3A_399 = arith.constant 25088 : i32
        %dma_start3A_400 = arith.constant 0 : i32
        %dma_start3A_401 = tpu.memref_slice %arg14[%dma_start3A_399, %dma_start3A_400] : memref<25089x72xf32, #tpu.memory_space<vmem_shared>> -> memref<1x72xf32, #tpu.memory_space<vmem_shared>>
        %dma_start3A_402 = arith.constant 0 : i32
        %dma_start3A_403 = arith.constant 0 : i32
        %dma_start3A_404 = tpu.memref_slice %arg4[%dma_start3A_402, %dma_start3A_403] : memref<1568x72xf32, #tpu.memory_space<hbm>> -> memref<1x72xf32, #tpu.memory_space<hbm>>
        tpu.enqueue_dma source(%dma_start3A_404 : memref<1x72xf32, #tpu.memory_space<hbm>>) target(%dma_start3A_401 : memref<1x72xf32, #tpu.memory_space<vmem_shared>>) target_semaphore(%run_scoped3A_398 : memref<!tpu.dma_semaphore, #tpu.memory_space<semaphore_mem>>)
        %dma_wait3A_405 = arith.constant 25088 : i32
        %dma_wait3A_406 = arith.constant 0 : i32
        %dma_wait3A_407 = tpu.memref_slice %arg14[%dma_wait3A_405, %dma_wait3A_406] : memref<25089x72xf32, #tpu.memory_space<vmem_shared>> -> memref<1x72xf32, #tpu.memory_space<vmem_shared>>
        %dma_wait3A_408 = arith.constant 0 : i32
        %dma_wait3A_409 = arith.constant 0 : i32
        %dma_wait3A_410 = tpu.memref_slice %arg4[%dma_wait3A_408, %dma_wait3A_409] : memref<1568x72xf32, #tpu.memory_space<hbm>> -> memref<1x72xf32, #tpu.memory_space<hbm>>
        tpu.wait_dma2 semaphore(%run_scoped3A_398 : memref<!tpu.dma_semaphore, #tpu.memory_space<semaphore_mem>>) src(%dma_wait3A_410 : memref<1x72xf32, #tpu.memory_space<hbm>>) dst(%dma_wait3A_407 : memref<1x72xf32, #tpu.memory_space<vmem_shared>>)
        tpu.yield
      }) : () -> ()
    } else {
    }
    %barrier3A = arith.constant 0 : index
    tpu.barrier barrier_id(%barrier3A)
    %mul3A_5 = arith.constant 50000 : i32
    %mul3A_6 = arith.muli %arg1, %mul3A_5 : i32
    %multiple_of3A = tpu.assume_multiple %mul3A_6, 8 : i32
    %add3A = arith.constant 0 : i32
    %add3A_7 = arith.addi %multiple_of3A, %add3A : i32
    %multiple_of3A_8 = tpu.assume_multiple %add3A_7, 8 : i32
    "tpu.region"() ({
      %run_scoped3A_398 = tpu.sem_alloc : memref<!tpu.dma_semaphore, #tpu.memory_space<semaphore_mem>>
      %dma_start3A_399 = tpu.memref_slice %arg2[%multiple_of3A_8] : memref<800000xi32, #tpu.memory_space<hbm>> -> memref<96xi32, #tpu.memory_space<hbm>>
      %dma_start3A_400 = tpu.memref_slice %arg2[%multiple_of3A_8] : memref<800000xi32, #tpu.memory_space<hbm>> -> memref<96xi32, #tpu.memory_space<hbm>>
      tpu.enqueue_dma source(%dma_start3A_400 : memref<96xi32, #tpu.memory_space<hbm>>) target(%arg6 : memref<96xi32, #tpu.memory_space<vmem>>) target_semaphore(%run_scoped3A_398 : memref<!tpu.dma_semaphore, #tpu.memory_space<semaphore_mem>>)
      %dma_wait3A_401 = tpu.memref_slice %arg2[%multiple_of3A_8] : memref<800000xi32, #tpu.memory_space<hbm>> -> memref<96xi32, #tpu.memory_space<hbm>>
      %dma_wait3A_402 = tpu.memref_slice %arg2[%multiple_of3A_8] : memref<800000xi32, #tpu.memory_space<hbm>> -> memref<96xi32, #tpu.memory_space<hbm>>
      tpu.wait_dma2 semaphore(%run_scoped3A_398 : memref<!tpu.dma_semaphore, #tpu.memory_space<semaphore_mem>>) src(%dma_wait3A_402 : memref<96xi32, #tpu.memory_space<hbm>>) dst(%arg6 : memref<96xi32, #tpu.memory_space<vmem>>)
      tpu.yield
    }) : () -> ()
    %get3A = arith.constant 0 : index
    %get3A_9 = tpu.vector_load %arg6[%get3A] {strides = array<i32>} : memref<96xi32, #tpu.memory_space<vmem>>, vector<16xi32>,
    %get3A_10 = vector.shape_cast %get3A_9 : vector<16xi32> to vector<16xi32>
    %sub3A = vector.broadcast %mul3A_0 : i32 to vector<16xi32>
    %sub3A_11 = arith.subi %get3A_10, %sub3A : vector<16xi32>
    %ge3A = arith.constant 0 : i32
    %ge3A_12 = vector.broadcast %ge3A : i32 to vector<16xi32>
    %ge3A_13 = arith.cmpi sge, %sub3A_11, %ge3A_12 : vector<16xi32>
    %lt3A = arith.constant 25088 : i32
    %lt3A_14 = vector.broadcast %lt3A : i32 to vector<16xi32>
    %lt3A_15 = arith.cmpi slt, %sub3A_11, %lt3A_14 : vector<16xi32>
    %and3A = arith.andi %ge3A_13, %lt3A_15 : vector<16xi1>
    %jit3A = arith.constant 25088 : i32
    %broadcast_in_dim3A = vector.broadcast %jit3A : i32 to vector<16xi32>
    %select_n3A = arith.select %and3A, %sub3A_11, %broadcast_in_dim3A : vector<16xi1>, vector<16xi32>
    %swap3A = arith.constant 0 : i32
    %swap3A_16 = arith.index_cast %swap3A : i32 to index
    %swap3A_17 = arith.constant 0 : index
    %swap3A_18 = tpu.vector_load %arg7[%swap3A_16, %swap3A_17] {strides = array<i32>} : memref<1x96xi32, #tpu.memory_space<vmem>>, vector<1x16xi32>,
    %swap3A_19 = vector.shape_cast %swap3A_18 : vector<1x16xi32> to vector<16xi32>
    %swap3A_20 = vector.shape_cast %select_n3A : vector<16xi32> to vector<1x16xi32>
    tpu.vector_store %arg7[%swap3A_16, %swap3A_17], %swap3A_20 {strides = array<i32>} : memref<1x96xi32, #tpu.memory_space<vmem>>, vector<1x16xi32>,
    %get3A_21 = arith.constant 16 : index
    %get3A_22 = tpu.vector_load %arg6[%get3A_21] {strides = array<i32>} : memref<96xi32, #tpu.memory_space<vmem>>, vector<16xi32>,
    %get3A_23 = vector.shape_cast %get3A_22 : vector<16xi32> to vector<16xi32>
    %sub3A_24 = vector.broadcast %mul3A_0 : i32 to vector<16xi32>
    %sub3A_25 = arith.subi %get3A_23, %sub3A_24 : vector<16xi32>
    %ge3A_26 = arith.constant 0 : i32
    %ge3A_27 = vector.broadcast %ge3A_26 : i32 to vector<16xi32>
    %ge3A_28 = arith.cmpi sge, %sub3A_25, %ge3A_27 : vector<16xi32>
    %lt3A_29 = arith.constant 25088 : i32
    %lt3A_30 = vector.broadcast %lt3A_29 : i32 to vector<16xi32>
    %lt3A_31 = arith.cmpi slt, %sub3A_25, %lt3A_30 : vector<16xi32>
    %and3A_32 = arith.andi %ge3A_28, %lt3A_31 : vector<16xi1>
    %jit3A_33 = arith.constant 25088 : i32
    %broadcast_in_dim3A_34 = vector.broadcast %jit3A_33 : i32 to vector<16xi32>
    %select_n3A_35 = arith.select %and3A_32, %sub3A_25, %broadcast_in_dim3A_34 : vector<16xi1>, vector<16xi32>
    %swap3A_36 = arith.constant 0 : i32
    %swap3A_37 = arith.index_cast %swap3A_36 : i32 to index
    %swap3A_38 = arith.constant 16 : index
    %swap3A_39 = tpu.vector_load %arg7[%swap3A_37, %swap3A_38] {strides = array<i32>} : memref<1x96xi32, #tpu.memory_space<vmem>>, vector<1x16xi32>,
    %swap3A_40 = vector.shape_cast %swap3A_39 : vector<1x16xi32> to vector<16xi32>
    %swap3A_41 = vector.shape_cast %select_n3A_35 : vector<16xi32> to vector<1x16xi32>
    tpu.vector_store %arg7[%swap3A_37, %swap3A_38], %swap3A_41 {strides = array<i32>} : memref<1x96xi32, #tpu.memory_space<vmem>>, vector<1x16xi32>,
    %get3A_42 = arith.constant 32 : index
    %get3A_43 = tpu.vector_load %arg6[%get3A_42] {strides = array<i32>} : memref<96xi32, #tpu.memory_space<vmem>>, vector<16xi32>,
    %get3A_44 = vector.shape_cast %get3A_43 : vector<16xi32> to vector<16xi32>
    %sub3A_45 = vector.broadcast %mul3A_0 : i32 to vector<16xi32>
    %sub3A_46 = arith.subi %get3A_44, %sub3A_45 : vector<16xi32>
    %ge3A_47 = arith.constant 0 : i32
    %ge3A_48 = vector.broadcast %ge3A_47 : i32 to vector<16xi32>
    %ge3A_49 = arith.cmpi sge, %sub3A_46, %ge3A_48 : vector<16xi32>
    %lt3A_50 = arith.constant 25088 : i32
    %lt3A_51 = vector.broadcast %lt3A_50 : i32 to vector<16xi32>
    %lt3A_52 = arith.cmpi slt, %sub3A_46, %lt3A_51 : vector<16xi32>
    %and3A_53 = arith.andi %ge3A_49, %lt3A_52 : vector<16xi1>
    %jit3A_54 = arith.constant 25088 : i32
    %broadcast_in_dim3A_55 = vector.broadcast %jit3A_54 : i32 to vector<16xi32>
    %select_n3A_56 = arith.select %and3A_53, %sub3A_46, %broadcast_in_dim3A_55 : vector<16xi1>, vector<16xi32>
    %swap3A_57 = arith.constant 0 : i32
    %swap3A_58 = arith.index_cast %swap3A_57 : i32 to index
    %swap3A_59 = arith.constant 32 : index
    %swap3A_60 = tpu.vector_load %arg7[%swap3A_58, %swap3A_59] {strides = array<i32>} : memref<1x96xi32, #tpu.memory_space<vmem>>, vector<1x16xi32>,
    %swap3A_61 = vector.shape_cast %swap3A_60 : vector<1x16xi32> to vector<16xi32>
    %swap3A_62 = vector.shape_cast %select_n3A_56 : vector<16xi32> to vector<1x16xi32>
    tpu.vector_store %arg7[%swap3A_58, %swap3A_59], %swap3A_62 {strides = array<i32>} : memref<1x96xi32, #tpu.memory_space<vmem>>, vector<1x16xi32>,
    %get3A_63 = arith.constant 48 : index
    %get3A_64 = tpu.vector_load %arg6[%get3A_63] {strides = array<i32>} : memref<96xi32, #tpu.memory_space<vmem>>, vector<16xi32>,
    %get3A_65 = vector.shape_cast %get3A_64 : vector<16xi32> to vector<16xi32>
    %sub3A_66 = vector.broadcast %mul3A_0 : i32 to vector<16xi32>
    %sub3A_67 = arith.subi %get3A_65, %sub3A_66 : vector<16xi32>
    %ge3A_68 = arith.constant 0 : i32
    %ge3A_69 = vector.broadcast %ge3A_68 : i32 to vector<16xi32>
    %ge3A_70 = arith.cmpi sge, %sub3A_67, %ge3A_69 : vector<16xi32>
    %lt3A_71 = arith.constant 25088 : i32
    %lt3A_72 = vector.broadcast %lt3A_71 : i32 to vector<16xi32>
    %lt3A_73 = arith.cmpi slt, %sub3A_67, %lt3A_72 : vector<16xi32>
    %and3A_74 = arith.andi %ge3A_70, %lt3A_73 : vector<16xi1>
    %jit3A_75 = arith.constant 25088 : i32
    %broadcast_in_dim3A_76 = vector.broadcast %jit3A_75 : i32 to vector<16xi32>
    %select_n3A_77 = arith.select %and3A_74, %sub3A_67, %broadcast_in_dim3A_76 : vector<16xi1>, vector<16xi32>
    %swap3A_78 = arith.constant 0 : i32
    %swap3A_79 = arith.index_cast %swap3A_78 : i32 to index
    %swap3A_80 = arith.constant 48 : index
    %swap3A_81 = tpu.vector_load %arg7[%swap3A_79, %swap3A_80] {strides = array<i32>} : memref<1x96xi32, #tpu.memory_space<vmem>>, vector<1x16xi32>,
    %swap3A_82 = vector.shape_cast %swap3A_81 : vector<1x16xi32> to vector<16xi32>
    %swap3A_83 = vector.shape_cast %select_n3A_77 : vector<16xi32> to vector<1x16xi32>
    tpu.vector_store %arg7[%swap3A_79, %swap3A_80], %swap3A_83 {strides = array<i32>} : memref<1x96xi32, #tpu.memory_space<vmem>>, vector<1x16xi32>,
    %get3A_84 = arith.constant 64 : index
    %get3A_85 = tpu.vector_load %arg6[%get3A_84] {strides = array<i32>} : memref<96xi32, #tpu.memory_space<vmem>>, vector<16xi32>,
    %get3A_86 = vector.shape_cast %get3A_85 : vector<16xi32> to vector<16xi32>
    %sub3A_87 = vector.broadcast %mul3A_0 : i32 to vector<16xi32>
    %sub3A_88 = arith.subi %get3A_86, %sub3A_87 : vector<16xi32>
    %ge3A_89 = arith.constant 0 : i32
    %ge3A_90 = vector.broadcast %ge3A_89 : i32 to vector<16xi32>
    %ge3A_91 = arith.cmpi sge, %sub3A_88, %ge3A_90 : vector<16xi32>
    %lt3A_92 = arith.constant 25088 : i32
    %lt3A_93 = vector.broadcast %lt3A_92 : i32 to vector<16xi32>
    %lt3A_94 = arith.cmpi slt, %sub3A_88, %lt3A_93 : vector<16xi32>
    %and3A_95 = arith.andi %ge3A_91, %lt3A_94 : vector<16xi1>
    %jit3A_96 = arith.constant 25088 : i32
    %broadcast_in_dim3A_97 = vector.broadcast %jit3A_96 : i32 to vector<16xi32>
    %select_n3A_98 = arith.select %and3A_95, %sub3A_88, %broadcast_in_dim3A_97 : vector<16xi1>, vector<16xi32>
    %swap3A_99 = arith.constant 0 : i32
    %swap3A_100 = arith.index_cast %swap3A_99 : i32 to index
    %swap3A_101 = arith.constant 64 : index
    %swap3A_102 = tpu.vector_load %arg7[%swap3A_100, %swap3A_101] {strides = array<i32>} : memref<1x96xi32, #tpu.memory_space<vmem>>, vector<1x16xi32>,
    %swap3A_103 = vector.shape_cast %swap3A_102 : vector<1x16xi32> to vector<16xi32>
    %swap3A_104 = vector.shape_cast %select_n3A_98 : vector<16xi32> to vector<1x16xi32>
    tpu.vector_store %arg7[%swap3A_100, %swap3A_101], %swap3A_104 {strides = array<i32>} : memref<1x96xi32, #tpu.memory_space<vmem>>, vector<1x16xi32>,
    %get3A_105 = arith.constant 80 : index
    %get3A_106 = tpu.vector_load %arg6[%get3A_105] {strides = array<i32>} : memref<96xi32, #tpu.memory_space<vmem>>, vector<16xi32>,
    %get3A_107 = vector.shape_cast %get3A_106 : vector<16xi32> to vector<16xi32>
    %sub3A_108 = vector.broadcast %mul3A_0 : i32 to vector<16xi32>
    %sub3A_109 = arith.subi %get3A_107, %sub3A_108 : vector<16xi32>
    %ge3A_110 = arith.constant 0 : i32
    %ge3A_111 = vector.broadcast %ge3A_110 : i32 to vector<16xi32>
    %ge3A_112 = arith.cmpi sge, %sub3A_109, %ge3A_111 : vector<16xi32>
    %lt3A_113 = arith.constant 25088 : i32
    %lt3A_114 = vector.broadcast %lt3A_113 : i32 to vector<16xi32>
    %lt3A_115 = arith.cmpi slt, %sub3A_109, %lt3A_114 : vector<16xi32>
    %and3A_116 = arith.andi %ge3A_112, %lt3A_115 : vector<16xi1>
    %jit3A_117 = arith.constant 25088 : i32
    %broadcast_in_dim3A_118 = vector.broadcast %jit3A_117 : i32 to vector<16xi32>
    %select_n3A_119 = arith.select %and3A_116, %sub3A_109, %broadcast_in_dim3A_118 : vector<16xi1>, vector<16xi32>
    %swap3A_120 = arith.constant 0 : i32
    %swap3A_121 = arith.index_cast %swap3A_120 : i32 to index
    %swap3A_122 = arith.constant 80 : index
    %swap3A_123 = tpu.vector_load %arg7[%swap3A_121, %swap3A_122] {strides = array<i32>} : memref<1x96xi32, #tpu.memory_space<vmem>>, vector<1x16xi32>,
    %swap3A_124 = vector.shape_cast %swap3A_123 : vector<1x16xi32> to vector<16xi32>
    %swap3A_125 = vector.shape_cast %select_n3A_119 : vector<16xi32> to vector<1x16xi32>
    tpu.vector_store %arg7[%swap3A_121, %swap3A_122], %swap3A_125 {strides = array<i32>} : memref<1x96xi32, #tpu.memory_space<vmem>>, vector<1x16xi32>,
    "tpu.region"() ({
      %run_scoped3A_398 = tpu.sem_alloc : memref<!tpu.dma_semaphore, #tpu.memory_space<semaphore_mem>>
      %dma_start3A_399 = arith.constant 0 : i32
      %dma_start3A_400 = tpu.memref_slice %arg3[%multiple_of3A_8, %dma_start3A_399] : memref<800000x72xf32, #tpu.memory_space<hbm>> -> memref<96x72xf32, #tpu.memory_space<hbm>>
      %dma_start3A_401 = arith.constant 0 : i32
      %dma_start3A_402 = tpu.memref_slice %arg3[%multiple_of3A_8, %dma_start3A_401] : memref<800000x72xf32, #tpu.memory_space<hbm>> -> memref<96x72xf32, #tpu.memory_space<hbm>>
      tpu.enqueue_dma source(%dma_start3A_402 : memref<96x72xf32, #tpu.memory_space<hbm>>) target(%arg10 : memref<96x72xf32, #tpu.memory_space<vmem>>) target_semaphore(%run_scoped3A_398 : memref<!tpu.dma_semaphore, #tpu.memory_space<semaphore_mem>>)
      %dma_wait3A_403 = arith.constant 0 : i32
      %dma_wait3A_404 = tpu.memref_slice %arg3[%multiple_of3A_8, %dma_wait3A_403] : memref<800000x72xf32, #tpu.memory_space<hbm>> -> memref<96x72xf32, #tpu.memory_space<hbm>>
      %dma_wait3A_405 = arith.constant 0 : i32
      %dma_wait3A_406 = tpu.memref_slice %arg3[%multiple_of3A_8, %dma_wait3A_405] : memref<800000x72xf32, #tpu.memory_space<hbm>> -> memref<96x72xf32, #tpu.memory_space<hbm>>
      tpu.wait_dma2 semaphore(%run_scoped3A_398 : memref<!tpu.dma_semaphore, #tpu.memory_space<semaphore_mem>>) src(%dma_wait3A_406 : memref<96x72xf32, #tpu.memory_space<hbm>>) dst(%arg10 : memref<96x72xf32, #tpu.memory_space<vmem>>)
      tpu.yield
    }) : () -> ()
    %dma_start3A = arith.constant 0 : i32
    %dma_start3A_126 = arith.constant 0 : i32
    %dma_start3A_127 = tpu.memref_slice %arg7[%dma_start3A, %dma_start3A_126] : memref<1x96xi32, #tpu.memory_space<vmem>> -> memref<1x96xi32, #tpu.memory_space<vmem>>
    %dma_start3A_128 = tpu.memref_squeeze %dma_start3A_127 : memref<1x96xi32, #tpu.memory_space<vmem>> -> memref<96xi32, #tpu.memory_space<vmem>>
    %dma_start3A_129 = arith.constant 0 : i32
    %dma_start3A_130 = arith.constant 0 : i32
    %dma_start3A_131 = tpu.memref_slice %arg14[%dma_start3A_129, %dma_start3A_130] : memref<25089x72xf32, #tpu.memory_space<vmem_shared>> -> memref<25089x72xf32, #tpu.memory_space<vmem_shared>>
    tpu.enqueue_indirect_dma source(%arg10 : memref<96x72xf32, #tpu.memory_space<vmem>>) target(%dma_start3A_131 : memref<25089x72xf32, #tpu.memory_space<vmem_shared>>) offsets(%dma_start3A_128 : memref<96xi32, #tpu.memory_space<vmem>>) semaphore(%arg12 : memref<!tpu.dma_semaphore, #tpu.memory_space<semaphore_mem>>) {add = true}
    %add3A_132 = arith.constant 96 : i32
    %add3A_133 = arith.addi %multiple_of3A, %add3A_132 : i32
    %multiple_of3A_134 = tpu.assume_multiple %add3A_133, 8 : i32
    "tpu.region"() ({
      %run_scoped3A_398 = tpu.sem_alloc : memref<!tpu.dma_semaphore, #tpu.memory_space<semaphore_mem>>
      %dma_start3A_399 = tpu.memref_slice %arg2[%multiple_of3A_134] : memref<800000xi32, #tpu.memory_space<hbm>> -> memref<96xi32, #tpu.memory_space<hbm>>
      %dma_start3A_400 = tpu.memref_slice %arg2[%multiple_of3A_134] : memref<800000xi32, #tpu.memory_space<hbm>> -> memref<96xi32, #tpu.memory_space<hbm>>
      tpu.enqueue_dma source(%dma_start3A_400 : memref<96xi32, #tpu.memory_space<hbm>>) target(%arg6 : memref<96xi32, #tpu.memory_space<vmem>>) target_semaphore(%run_scoped3A_398 : memref<!tpu.dma_semaphore, #tpu.memory_space<semaphore_mem>>)
      %dma_wait3A_401 = tpu.memref_slice %arg2[%multiple_of3A_134] : memref<800000xi32, #tpu.memory_space<hbm>> -> memref<96xi32, #tpu.memory_space<hbm>>
      %dma_wait3A_402 = tpu.memref_slice %arg2[%multiple_of3A_134] : memref<800000xi32, #tpu.memory_space<hbm>> -> memref<96xi32, #tpu.memory_space<hbm>>
      tpu.wait_dma2 semaphore(%run_scoped3A_398 : memref<!tpu.dma_semaphore, #tpu.memory_space<semaphore_mem>>) src(%dma_wait3A_402 : memref<96xi32, #tpu.memory_space<hbm>>) dst(%arg6 : memref<96xi32, #tpu.memory_space<vmem>>)
      tpu.yield
    }) : () -> ()
    %get3A_135 = arith.constant 0 : index
    %get3A_136 = tpu.vector_load %arg6[%get3A_135] {strides = array<i32>} : memref<96xi32, #tpu.memory_space<vmem>>, vector<16xi32>,
    %get3A_137 = vector.shape_cast %get3A_136 : vector<16xi32> to vector<16xi32>
    %sub3A_138 = vector.broadcast %mul3A_0 : i32 to vector<16xi32>
    %sub3A_139 = arith.subi %get3A_137, %sub3A_138 : vector<16xi32>
    %ge3A_140 = arith.constant 0 : i32
    %ge3A_141 = vector.broadcast %ge3A_140 : i32 to vector<16xi32>
    %ge3A_142 = arith.cmpi sge, %sub3A_139, %ge3A_141 : vector<16xi32>
    %lt3A_143 = arith.constant 25088 : i32
    %lt3A_144 = vector.broadcast %lt3A_143 : i32 to vector<16xi32>
    %lt3A_145 = arith.cmpi slt, %sub3A_139, %lt3A_144 : vector<16xi32>
    %and3A_146 = arith.andi %ge3A_142, %lt3A_145 : vector<16xi1>
    %jit3A_147 = arith.constant 25088 : i32
    %broadcast_in_dim3A_148 = vector.broadcast %jit3A_147 : i32 to vector<16xi32>
    %select_n3A_149 = arith.select %and3A_146, %sub3A_139, %broadcast_in_dim3A_148 : vector<16xi1>, vector<16xi32>
    %swap3A_150 = arith.constant 0 : i32
    %swap3A_151 = arith.index_cast %swap3A_150 : i32 to index
    %swap3A_152 = arith.constant 0 : index
    %swap3A_153 = tpu.vector_load %arg8[%swap3A_151, %swap3A_152] {strides = array<i32>} : memref<1x96xi32, #tpu.memory_space<vmem>>, vector<1x16xi32>,
    %swap3A_154 = vector.shape_cast %swap3A_153 : vector<1x16xi32> to vector<16xi32>
    %swap3A_155 = vector.shape_cast %select_n3A_149 : vector<16xi32> to vector<1x16xi32>
    tpu.vector_store %arg8[%swap3A_151, %swap3A_152], %swap3A_155 {strides = array<i32>} : memref<1x96xi32, #tpu.memory_space<vmem>>, vector<1x16xi32>,
    %get3A_156 = arith.constant 16 : index
    %get3A_157 = tpu.vector_load %arg6[%get3A_156] {strides = array<i32>} : memref<96xi32, #tpu.memory_space<vmem>>, vector<16xi32>,
    %get3A_158 = vector.shape_cast %get3A_157 : vector<16xi32> to vector<16xi32>
    %sub3A_159 = vector.broadcast %mul3A_0 : i32 to vector<16xi32>
    %sub3A_160 = arith.subi %get3A_158, %sub3A_159 : vector<16xi32>
    %ge3A_161 = arith.constant 0 : i32
    %ge3A_162 = vector.broadcast %ge3A_161 : i32 to vector<16xi32>
    %ge3A_163 = arith.cmpi sge, %sub3A_160, %ge3A_162 : vector<16xi32>
    %lt3A_164 = arith.constant 25088 : i32
    %lt3A_165 = vector.broadcast %lt3A_164 : i32 to vector<16xi32>
    %lt3A_166 = arith.cmpi slt, %sub3A_160, %lt3A_165 : vector<16xi32>
    %and3A_167 = arith.andi %ge3A_163, %lt3A_166 : vector<16xi1>
    %jit3A_168 = arith.constant 25088 : i32
    %broadcast_in_dim3A_169 = vector.broadcast %jit3A_168 : i32 to vector<16xi32>
    %select_n3A_170 = arith.select %and3A_167, %sub3A_160, %broadcast_in_dim3A_169 : vector<16xi1>, vector<16xi32>
    %swap3A_171 = arith.constant 0 : i32
    %swap3A_172 = arith.index_cast %swap3A_171 : i32 to index
    %swap3A_173 = arith.constant 16 : index
    %swap3A_174 = tpu.vector_load %arg8[%swap3A_172, %swap3A_173] {strides = array<i32>} : memref<1x96xi32, #tpu.memory_space<vmem>>, vector<1x16xi32>,
    %swap3A_175 = vector.shape_cast %swap3A_174 : vector<1x16xi32> to vector<16xi32>
    %swap3A_176 = vector.shape_cast %select_n3A_170 : vector<16xi32> to vector<1x16xi32>
    tpu.vector_store %arg8[%swap3A_172, %swap3A_173], %swap3A_176 {strides = array<i32>} : memref<1x96xi32, #tpu.memory_space<vmem>>, vector<1x16xi32>,
    %get3A_177 = arith.constant 32 : index
    %get3A_178 = tpu.vector_load %arg6[%get3A_177] {strides = array<i32>} : memref<96xi32, #tpu.memory_space<vmem>>, vector<16xi32>,
    %get3A_179 = vector.shape_cast %get3A_178 : vector<16xi32> to vector<16xi32>
    %sub3A_180 = vector.broadcast %mul3A_0 : i32 to vector<16xi32>
    %sub3A_181 = arith.subi %get3A_179, %sub3A_180 : vector<16xi32>
    %ge3A_182 = arith.constant 0 : i32
    %ge3A_183 = vector.broadcast %ge3A_182 : i32 to vector<16xi32>
    %ge3A_184 = arith.cmpi sge, %sub3A_181, %ge3A_183 : vector<16xi32>
    %lt3A_185 = arith.constant 25088 : i32
    %lt3A_186 = vector.broadcast %lt3A_185 : i32 to vector<16xi32>
    %lt3A_187 = arith.cmpi slt, %sub3A_181, %lt3A_186 : vector<16xi32>
    %and3A_188 = arith.andi %ge3A_184, %lt3A_187 : vector<16xi1>
    %jit3A_189 = arith.constant 25088 : i32
    %broadcast_in_dim3A_190 = vector.broadcast %jit3A_189 : i32 to vector<16xi32>
    %select_n3A_191 = arith.select %and3A_188, %sub3A_181, %broadcast_in_dim3A_190 : vector<16xi1>, vector<16xi32>
    %swap3A_192 = arith.constant 0 : i32
    %swap3A_193 = arith.index_cast %swap3A_192 : i32 to index
    %swap3A_194 = arith.constant 32 : index
    %swap3A_195 = tpu.vector_load %arg8[%swap3A_193, %swap3A_194] {strides = array<i32>} : memref<1x96xi32, #tpu.memory_space<vmem>>, vector<1x16xi32>,
    %swap3A_196 = vector.shape_cast %swap3A_195 : vector<1x16xi32> to vector<16xi32>
    %swap3A_197 = vector.shape_cast %select_n3A_191 : vector<16xi32> to vector<1x16xi32>
    tpu.vector_store %arg8[%swap3A_193, %swap3A_194], %swap3A_197 {strides = array<i32>} : memref<1x96xi32, #tpu.memory_space<vmem>>, vector<1x16xi32>,
    %get3A_198 = arith.constant 48 : index
    %get3A_199 = tpu.vector_load %arg6[%get3A_198] {strides = array<i32>} : memref<96xi32, #tpu.memory_space<vmem>>, vector<16xi32>,
    %get3A_200 = vector.shape_cast %get3A_199 : vector<16xi32> to vector<16xi32>
    %sub3A_201 = vector.broadcast %mul3A_0 : i32 to vector<16xi32>
    %sub3A_202 = arith.subi %get3A_200, %sub3A_201 : vector<16xi32>
    %ge3A_203 = arith.constant 0 : i32
    %ge3A_204 = vector.broadcast %ge3A_203 : i32 to vector<16xi32>
    %ge3A_205 = arith.cmpi sge, %sub3A_202, %ge3A_204 : vector<16xi32>
    %lt3A_206 = arith.constant 25088 : i32
    %lt3A_207 = vector.broadcast %lt3A_206 : i32 to vector<16xi32>
    %lt3A_208 = arith.cmpi slt, %sub3A_202, %lt3A_207 : vector<16xi32>
    %and3A_209 = arith.andi %ge3A_205, %lt3A_208 : vector<16xi1>
    %jit3A_210 = arith.constant 25088 : i32
    %broadcast_in_dim3A_211 = vector.broadcast %jit3A_210 : i32 to vector<16xi32>
    %select_n3A_212 = arith.select %and3A_209, %sub3A_202, %broadcast_in_dim3A_211 : vector<16xi1>, vector<16xi32>
    %swap3A_213 = arith.constant 0 : i32
    %swap3A_214 = arith.index_cast %swap3A_213 : i32 to index
    %swap3A_215 = arith.constant 48 : index
    %swap3A_216 = tpu.vector_load %arg8[%swap3A_214, %swap3A_215] {strides = array<i32>} : memref<1x96xi32, #tpu.memory_space<vmem>>, vector<1x16xi32>,
    %swap3A_217 = vector.shape_cast %swap3A_216 : vector<1x16xi32> to vector<16xi32>
    %swap3A_218 = vector.shape_cast %select_n3A_212 : vector<16xi32> to vector<1x16xi32>
    tpu.vector_store %arg8[%swap3A_214, %swap3A_215], %swap3A_218 {strides = array<i32>} : memref<1x96xi32, #tpu.memory_space<vmem>>, vector<1x16xi32>,
    %get3A_219 = arith.constant 64 : index
    %get3A_220 = tpu.vector_load %arg6[%get3A_219] {strides = array<i32>} : memref<96xi32, #tpu.memory_space<vmem>>, vector<16xi32>,
    %get3A_221 = vector.shape_cast %get3A_220 : vector<16xi32> to vector<16xi32>
    %sub3A_222 = vector.broadcast %mul3A_0 : i32 to vector<16xi32>
    %sub3A_223 = arith.subi %get3A_221, %sub3A_222 : vector<16xi32>
    %ge3A_224 = arith.constant 0 : i32
    %ge3A_225 = vector.broadcast %ge3A_224 : i32 to vector<16xi32>
    %ge3A_226 = arith.cmpi sge, %sub3A_223, %ge3A_225 : vector<16xi32>
    %lt3A_227 = arith.constant 25088 : i32
    %lt3A_228 = vector.broadcast %lt3A_227 : i32 to vector<16xi32>
    %lt3A_229 = arith.cmpi slt, %sub3A_223, %lt3A_228 : vector<16xi32>
    %and3A_230 = arith.andi %ge3A_226, %lt3A_229 : vector<16xi1>
    %jit3A_231 = arith.constant 25088 : i32
    %broadcast_in_dim3A_232 = vector.broadcast %jit3A_231 : i32 to vector<16xi32>
    %select_n3A_233 = arith.select %and3A_230, %sub3A_223, %broadcast_in_dim3A_232 : vector<16xi1>, vector<16xi32>
    %swap3A_234 = arith.constant 0 : i32
    %swap3A_235 = arith.index_cast %swap3A_234 : i32 to index
    %swap3A_236 = arith.constant 64 : index
    %swap3A_237 = tpu.vector_load %arg8[%swap3A_235, %swap3A_236] {strides = array<i32>} : memref<1x96xi32, #tpu.memory_space<vmem>>, vector<1x16xi32>,
    %swap3A_238 = vector.shape_cast %swap3A_237 : vector<1x16xi32> to vector<16xi32>
    %swap3A_239 = vector.shape_cast %select_n3A_233 : vector<16xi32> to vector<1x16xi32>
    tpu.vector_store %arg8[%swap3A_235, %swap3A_236], %swap3A_239 {strides = array<i32>} : memref<1x96xi32, #tpu.memory_space<vmem>>, vector<1x16xi32>,
    %get3A_240 = arith.constant 80 : index
    %get3A_241 = tpu.vector_load %arg6[%get3A_240] {strides = array<i32>} : memref<96xi32, #tpu.memory_space<vmem>>, vector<16xi32>,
    %get3A_242 = vector.shape_cast %get3A_241 : vector<16xi32> to vector<16xi32>
    %sub3A_243 = vector.broadcast %mul3A_0 : i32 to vector<16xi32>
    %sub3A_244 = arith.subi %get3A_242, %sub3A_243 : vector<16xi32>
    %ge3A_245 = arith.constant 0 : i32
    %ge3A_246 = vector.broadcast %ge3A_245 : i32 to vector<16xi32>
    %ge3A_247 = arith.cmpi sge, %sub3A_244, %ge3A_246 : vector<16xi32>
    %lt3A_248 = arith.constant 25088 : i32
    %lt3A_249 = vector.broadcast %lt3A_248 : i32 to vector<16xi32>
    %lt3A_250 = arith.cmpi slt, %sub3A_244, %lt3A_249 : vector<16xi32>
    %and3A_251 = arith.andi %ge3A_247, %lt3A_250 : vector<16xi1>
    %jit3A_252 = arith.constant 25088 : i32
    %broadcast_in_dim3A_253 = vector.broadcast %jit3A_252 : i32 to vector<16xi32>
    %select_n3A_254 = arith.select %and3A_251, %sub3A_244, %broadcast_in_dim3A_253 : vector<16xi1>, vector<16xi32>
    %swap3A_255 = arith.constant 0 : i32
    %swap3A_256 = arith.index_cast %swap3A_255 : i32 to index
    %swap3A_257 = arith.constant 80 : index
    %swap3A_258 = tpu.vector_load %arg8[%swap3A_256, %swap3A_257] {strides = array<i32>} : memref<1x96xi32, #tpu.memory_space<vmem>>, vector<1x16xi32>,
    %swap3A_259 = vector.shape_cast %swap3A_258 : vector<1x16xi32> to vector<16xi32>
    %swap3A_260 = vector.shape_cast %select_n3A_254 : vector<16xi32> to vector<1x16xi32>
    tpu.vector_store %arg8[%swap3A_256, %swap3A_257], %swap3A_260 {strides = array<i32>} : memref<1x96xi32, #tpu.memory_space<vmem>>, vector<1x16xi32>,
    "tpu.region"() ({
      %run_scoped3A_398 = tpu.sem_alloc : memref<!tpu.dma_semaphore, #tpu.memory_space<semaphore_mem>>
      %dma_start3A_399 = arith.constant 0 : i32
      %dma_start3A_400 = tpu.memref_slice %arg3[%multiple_of3A_134, %dma_start3A_399] : memref<800000x72xf32, #tpu.memory_space<hbm>> -> memref<96x72xf32, #tpu.memory_space<hbm>>
      %dma_start3A_401 = arith.constant 0 : i32
      %dma_start3A_402 = tpu.memref_slice %arg3[%multiple_of3A_134, %dma_start3A_401] : memref<800000x72xf32, #tpu.memory_space<hbm>> -> memref<96x72xf32, #tpu.memory_space<hbm>>
      tpu.enqueue_dma source(%dma_start3A_402 : memref<96x72xf32, #tpu.memory_space<hbm>>) target(%arg11 : memref<96x72xf32, #tpu.memory_space<vmem>>) target_semaphore(%run_scoped3A_398 : memref<!tpu.dma_semaphore, #tpu.memory_space<semaphore_mem>>)
      %dma_wait3A_403 = arith.constant 0 : i32
      %dma_wait3A_404 = tpu.memref_slice %arg3[%multiple_of3A_134, %dma_wait3A_403] : memref<800000x72xf32, #tpu.memory_space<hbm>> -> memref<96x72xf32, #tpu.memory_space<hbm>>
      %dma_wait3A_405 = arith.constant 0 : i32
      %dma_wait3A_406 = tpu.memref_slice %arg3[%multiple_of3A_134, %dma_wait3A_405] : memref<800000x72xf32, #tpu.memory_space<hbm>> -> memref<96x72xf32, #tpu.memory_space<hbm>>
      tpu.wait_dma2 semaphore(%run_scoped3A_398 : memref<!tpu.dma_semaphore, #tpu.memory_space<semaphore_mem>>) src(%dma_wait3A_406 : memref<96x72xf32, #tpu.memory_space<hbm>>) dst(%arg11 : memref<96x72xf32, #tpu.memory_space<vmem>>)
      tpu.yield
    }) : () -> ()
    %dma_start3A_261 = arith.constant 0 : i32
    %dma_start3A_262 = arith.constant 0 : i32
    %dma_start3A_263 = tpu.memref_slice %arg8[%dma_start3A_261, %dma_start3A_262] : memref<1x96xi32, #tpu.memory_space<vmem>> -> memref<1x96xi32, #tpu.memory_space<vmem>>
    %dma_start3A_264 = tpu.memref_squeeze %dma_start3A_263 : memref<1x96xi32, #tpu.memory_space<vmem>> -> memref<96xi32, #tpu.memory_space<vmem>>
    %dma_start3A_265 = arith.constant 0 : i32
    %dma_start3A_266 = arith.constant 0 : i32
    %dma_start3A_267 = tpu.memref_slice %arg14[%dma_start3A_265, %dma_start3A_266] : memref<25089x72xf32, #tpu.memory_space<vmem_shared>> -> memref<25089x72xf32, #tpu.memory_space<vmem_shared>>
    tpu.enqueue_indirect_dma source(%arg11 : memref<96x72xf32, #tpu.memory_space<vmem>>) target(%dma_start3A_267 : memref<25089x72xf32, #tpu.memory_space<vmem_shared>>) offsets(%dma_start3A_264 : memref<96xi32, #tpu.memory_space<vmem>>) semaphore(%arg13 : memref<!tpu.dma_semaphore, #tpu.memory_space<semaphore_mem>>) {add = true}
    %scan3A = arith.constant 0 : i32
    %scan3A_268 = arith.constant 0 : i32
    %scan3A_269 = arith.constant 259 : i32
    %scan3A_270 = arith.addi %scan3A_268, %scan3A_269 : i32
    %scan3A_271 = arith.constant 1 : i32
    scf.for %scan3A_398 = %scan3A_268 to %scan3A_270 step %scan3A_271  : i32 {
      %mul3A_399 = arith.constant 2 : i32
      %mul3A_400 = arith.muli %mul3A_399, %scan3A_398 : i32
      %add3A_401 = arith.constant 2 : i32
      %add3A_402 = arith.addi %mul3A_400, %add3A_401 : i32
      %dma_wait3A_403 = arith.constant 0 : i32
      %dma_wait3A_404 = arith.constant 0 : i32
      %dma_wait3A_405 = tpu.memref_slice %arg3[%dma_wait3A_403, %dma_wait3A_404] : memref<800000x72xf32, #tpu.memory_space<hbm>> -> memref<96x72xf32, #tpu.memory_space<hbm>>
      %dma_wait3A_406 = arith.constant 0 : i32
      %dma_wait3A_407 = arith.constant 0 : i32
      %dma_wait3A_408 = tpu.memref_slice %arg3[%dma_wait3A_406, %dma_wait3A_407] : memref<800000x72xf32, #tpu.memory_space<hbm>> -> memref<96x72xf32, #tpu.memory_space<hbm>>
      tpu.wait_dma2 semaphore(%arg12 : memref<!tpu.dma_semaphore, #tpu.memory_space<semaphore_mem>>) src(%dma_wait3A_408 : memref<96x72xf32, #tpu.memory_space<hbm>>) dst(%arg10 : memref<96x72xf32, #tpu.memory_space<vmem>>)
      %mul3A_409 = arith.constant 96 : i32
      %mul3A_410 = arith.muli %add3A_402, %mul3A_409 : i32
      %add3A_411 = arith.addi %multiple_of3A, %mul3A_410 : i32
      %multiple_of3A_412 = tpu.assume_multiple %add3A_411, 8 : i32
      "tpu.region"() ({
        %run_scoped3A_693 = tpu.sem_alloc : memref<!tpu.dma_semaphore, #tpu.memory_space<semaphore_mem>>
        %dma_start3A_694 = tpu.memref_slice %arg2[%multiple_of3A_412] : memref<800000xi32, #tpu.memory_space<hbm>> -> memref<96xi32, #tpu.memory_space<hbm>>
        %dma_start3A_695 = tpu.memref_slice %arg2[%multiple_of3A_412] : memref<800000xi32, #tpu.memory_space<hbm>> -> memref<96xi32, #tpu.memory_space<hbm>>
        tpu.enqueue_dma source(%dma_start3A_695 : memref<96xi32, #tpu.memory_space<hbm>>) target(%arg6 : memref<96xi32, #tpu.memory_space<vmem>>) target_semaphore(%run_scoped3A_693 : memref<!tpu.dma_semaphore, #tpu.memory_space<semaphore_mem>>)
        %dma_wait3A_696 = tpu.memref_slice %arg2[%multiple_of3A_412] : memref<800000xi32, #tpu.memory_space<hbm>> -> memref<96xi32, #tpu.memory_space<hbm>>
        %dma_wait3A_697 = tpu.memref_slice %arg2[%multiple_of3A_412] : memref<800000xi32, #tpu.memory_space<hbm>> -> memref<96xi32, #tpu.memory_space<hbm>>
        tpu.wait_dma2 semaphore(%run_scoped3A_693 : memref<!tpu.dma_semaphore, #tpu.memory_space<semaphore_mem>>) src(%dma_wait3A_697 : memref<96xi32, #tpu.memory_space<hbm>>) dst(%arg6 : memref<96xi32, #tpu.memory_space<vmem>>)
        tpu.yield
      }) : () -> ()
      %get3A_413 = arith.constant 0 : index
      %get3A_414 = tpu.vector_load %arg6[%get3A_413] {strides = array<i32>} : memref<96xi32, #tpu.memory_space<vmem>>, vector<16xi32>,
      %get3A_415 = vector.shape_cast %get3A_414 : vector<16xi32> to vector<16xi32>
      %sub3A_416 = vector.broadcast %mul3A_0 : i32 to vector<16xi32>
      %sub3A_417 = arith.subi %get3A_415, %sub3A_416 : vector<16xi32>
      %ge3A_418 = arith.constant 0 : i32
      %ge3A_419 = vector.broadcast %ge3A_418 : i32 to vector<16xi32>
      %ge3A_420 = arith.cmpi sge, %sub3A_417, %ge3A_419 : vector<16xi32>
      %lt3A_421 = arith.constant 25088 : i32
      %lt3A_422 = vector.broadcast %lt3A_421 : i32 to vector<16xi32>
      %lt3A_423 = arith.cmpi slt, %sub3A_417, %lt3A_422 : vector<16xi32>
      %and3A_424 = arith.andi %ge3A_420, %lt3A_423 : vector<16xi1>
      %jit3A_425 = arith.constant 25088 : i32
      %broadcast_in_dim3A_426 = vector.broadcast %jit3A_425 : i32 to vector<16xi32>
      %select_n3A_427 = arith.select %and3A_424, %sub3A_417, %broadcast_in_dim3A_426 : vector<16xi1>, vector<16xi32>
      %swap3A_428 = arith.constant 0 : i32
      %swap3A_429 = arith.index_cast %swap3A_428 : i32 to index
      %swap3A_430 = arith.constant 0 : index
      %swap3A_431 = tpu.vector_load %arg7[%swap3A_429, %swap3A_430] {strides = array<i32>} : memref<1x96xi32, #tpu.memory_space<vmem>>, vector<1x16xi32>,
      %swap3A_432 = vector.shape_cast %swap3A_431 : vector<1x16xi32> to vector<16xi32>
      %swap3A_433 = vector.shape_cast %select_n3A_427 : vector<16xi32> to vector<1x16xi32>
      tpu.vector_store %arg7[%swap3A_429, %swap3A_430], %swap3A_433 {strides = array<i32>} : memref<1x96xi32, #tpu.memory_space<vmem>>, vector<1x16xi32>,
      %get3A_434 = arith.constant 16 : index
      %get3A_435 = tpu.vector_load %arg6[%get3A_434] {strides = array<i32>} : memref<96xi32, #tpu.memory_space<vmem>>, vector<16xi32>,
      %get3A_436 = vector.shape_cast %get3A_435 : vector<16xi32> to vector<16xi32>
      %sub3A_437 = vector.broadcast %mul3A_0 : i32 to vector<16xi32>
      %sub3A_438 = arith.subi %get3A_436, %sub3A_437 : vector<16xi32>
      %ge3A_439 = arith.constant 0 : i32
      %ge3A_440 = vector.broadcast %ge3A_439 : i32 to vector<16xi32>
      %ge3A_441 = arith.cmpi sge, %sub3A_438, %ge3A_440 : vector<16xi32>
      %lt3A_442 = arith.constant 25088 : i32
      %lt3A_443 = vector.broadcast %lt3A_442 : i32 to vector<16xi32>
      %lt3A_444 = arith.cmpi slt, %sub3A_438, %lt3A_443 : vector<16xi32>
      %and3A_445 = arith.andi %ge3A_441, %lt3A_444 : vector<16xi1>
      %jit3A_446 = arith.constant 25088 : i32
      %broadcast_in_dim3A_447 = vector.broadcast %jit3A_446 : i32 to vector<16xi32>
      %select_n3A_448 = arith.select %and3A_445, %sub3A_438, %broadcast_in_dim3A_447 : vector<16xi1>, vector<16xi32>
      %swap3A_449 = arith.constant 0 : i32
      %swap3A_450 = arith.index_cast %swap3A_449 : i32 to index
      %swap3A_451 = arith.constant 16 : index
      %swap3A_452 = tpu.vector_load %arg7[%swap3A_450, %swap3A_451] {strides = array<i32>} : memref<1x96xi32, #tpu.memory_space<vmem>>, vector<1x16xi32>,
      %swap3A_453 = vector.shape_cast %swap3A_452 : vector<1x16xi32> to vector<16xi32>
      %swap3A_454 = vector.shape_cast %select_n3A_448 : vector<16xi32> to vector<1x16xi32>
      tpu.vector_store %arg7[%swap3A_450, %swap3A_451], %swap3A_454 {strides = array<i32>} : memref<1x96xi32, #tpu.memory_space<vmem>>, vector<1x16xi32>,
      %get3A_455 = arith.constant 32 : index
      %get3A_456 = tpu.vector_load %arg6[%get3A_455] {strides = array<i32>} : memref<96xi32, #tpu.memory_space<vmem>>, vector<16xi32>,
      %get3A_457 = vector.shape_cast %get3A_456 : vector<16xi32> to vector<16xi32>
      %sub3A_458 = vector.broadcast %mul3A_0 : i32 to vector<16xi32>
      %sub3A_459 = arith.subi %get3A_457, %sub3A_458 : vector<16xi32>
      %ge3A_460 = arith.constant 0 : i32
      %ge3A_461 = vector.broadcast %ge3A_460 : i32 to vector<16xi32>
      %ge3A_462 = arith.cmpi sge, %sub3A_459, %ge3A_461 : vector<16xi32>
      %lt3A_463 = arith.constant 25088 : i32
      %lt3A_464 = vector.broadcast %lt3A_463 : i32 to vector<16xi32>
      %lt3A_465 = arith.cmpi slt, %sub3A_459, %lt3A_464 : vector<16xi32>
      %and3A_466 = arith.andi %ge3A_462, %lt3A_465 : vector<16xi1>
      %jit3A_467 = arith.constant 25088 : i32
      %broadcast_in_dim3A_468 = vector.broadcast %jit3A_467 : i32 to vector<16xi32>
      %select_n3A_469 = arith.select %and3A_466, %sub3A_459, %broadcast_in_dim3A_468 : vector<16xi1>, vector<16xi32>
      %swap3A_470 = arith.constant 0 : i32
      %swap3A_471 = arith.index_cast %swap3A_470 : i32 to index
      %swap3A_472 = arith.constant 32 : index
      %swap3A_473 = tpu.vector_load %arg7[%swap3A_471, %swap3A_472] {strides = array<i32>} : memref<1x96xi32, #tpu.memory_space<vmem>>, vector<1x16xi32>,
      %swap3A_474 = vector.shape_cast %swap3A_473 : vector<1x16xi32> to vector<16xi32>
      %swap3A_475 = vector.shape_cast %select_n3A_469 : vector<16xi32> to vector<1x16xi32>
      tpu.vector_store %arg7[%swap3A_471, %swap3A_472], %swap3A_475 {strides = array<i32>} : memref<1x96xi32, #tpu.memory_space<vmem>>, vector<1x16xi32>,
      %get3A_476 = arith.constant 48 : index
      %get3A_477 = tpu.vector_load %arg6[%get3A_476] {strides = array<i32>} : memref<96xi32, #tpu.memory_space<vmem>>, vector<16xi32>,
      %get3A_478 = vector.shape_cast %get3A_477 : vector<16xi32> to vector<16xi32>
      %sub3A_479 = vector.broadcast %mul3A_0 : i32 to vector<16xi32>
      %sub3A_480 = arith.subi %get3A_478, %sub3A_479 : vector<16xi32>
      %ge3A_481 = arith.constant 0 : i32
      %ge3A_482 = vector.broadcast %ge3A_481 : i32 to vector<16xi32>
      %ge3A_483 = arith.cmpi sge, %sub3A_480, %ge3A_482 : vector<16xi32>
      %lt3A_484 = arith.constant 25088 : i32
      %lt3A_485 = vector.broadcast %lt3A_484 : i32 to vector<16xi32>
      %lt3A_486 = arith.cmpi slt, %sub3A_480, %lt3A_485 : vector<16xi32>
      %and3A_487 = arith.andi %ge3A_483, %lt3A_486 : vector<16xi1>
      %jit3A_488 = arith.constant 25088 : i32
      %broadcast_in_dim3A_489 = vector.broadcast %jit3A_488 : i32 to vector<16xi32>
      %select_n3A_490 = arith.select %and3A_487, %sub3A_480, %broadcast_in_dim3A_489 : vector<16xi1>, vector<16xi32>
      %swap3A_491 = arith.constant 0 : i32
      %swap3A_492 = arith.index_cast %swap3A_491 : i32 to index
      %swap3A_493 = arith.constant 48 : index
      %swap3A_494 = tpu.vector_load %arg7[%swap3A_492, %swap3A_493] {strides = array<i32>} : memref<1x96xi32, #tpu.memory_space<vmem>>, vector<1x16xi32>,
      %swap3A_495 = vector.shape_cast %swap3A_494 : vector<1x16xi32> to vector<16xi32>
      %swap3A_496 = vector.shape_cast %select_n3A_490 : vector<16xi32> to vector<1x16xi32>
      tpu.vector_store %arg7[%swap3A_492, %swap3A_493], %swap3A_496 {strides = array<i32>} : memref<1x96xi32, #tpu.memory_space<vmem>>, vector<1x16xi32>,
      %get3A_497 = arith.constant 64 : index
      %get3A_498 = tpu.vector_load %arg6[%get3A_497] {strides = array<i32>} : memref<96xi32, #tpu.memory_space<vmem>>, vector<16xi32>,
      %get3A_499 = vector.shape_cast %get3A_498 : vector<16xi32> to vector<16xi32>
      %sub3A_500 = vector.broadcast %mul3A_0 : i32 to vector<16xi32>
      %sub3A_501 = arith.subi %get3A_499, %sub3A_500 : vector<16xi32>
      %ge3A_502 = arith.constant 0 : i32
      %ge3A_503 = vector.broadcast %ge3A_502 : i32 to vector<16xi32>
      %ge3A_504 = arith.cmpi sge, %sub3A_501, %ge3A_503 : vector<16xi32>
      %lt3A_505 = arith.constant 25088 : i32
      %lt3A_506 = vector.broadcast %lt3A_505 : i32 to vector<16xi32>
      %lt3A_507 = arith.cmpi slt, %sub3A_501, %lt3A_506 : vector<16xi32>
      %and3A_508 = arith.andi %ge3A_504, %lt3A_507 : vector<16xi1>
      %jit3A_509 = arith.constant 25088 : i32
      %broadcast_in_dim3A_510 = vector.broadcast %jit3A_509 : i32 to vector<16xi32>
      %select_n3A_511 = arith.select %and3A_508, %sub3A_501, %broadcast_in_dim3A_510 : vector<16xi1>, vector<16xi32>
      %swap3A_512 = arith.constant 0 : i32
      %swap3A_513 = arith.index_cast %swap3A_512 : i32 to index
      %swap3A_514 = arith.constant 64 : index
      %swap3A_515 = tpu.vector_load %arg7[%swap3A_513, %swap3A_514] {strides = array<i32>} : memref<1x96xi32, #tpu.memory_space<vmem>>, vector<1x16xi32>,
      %swap3A_516 = vector.shape_cast %swap3A_515 : vector<1x16xi32> to vector<16xi32>
      %swap3A_517 = vector.shape_cast %select_n3A_511 : vector<16xi32> to vector<1x16xi32>
      tpu.vector_store %arg7[%swap3A_513, %swap3A_514], %swap3A_517 {strides = array<i32>} : memref<1x96xi32, #tpu.memory_space<vmem>>, vector<1x16xi32>,
      %get3A_518 = arith.constant 80 : index
      %get3A_519 = tpu.vector_load %arg6[%get3A_518] {strides = array<i32>} : memref<96xi32, #tpu.memory_space<vmem>>, vector<16xi32>,
      %get3A_520 = vector.shape_cast %get3A_519 : vector<16xi32> to vector<16xi32>
      %sub3A_521 = vector.broadcast %mul3A_0 : i32 to vector<16xi32>
      %sub3A_522 = arith.subi %get3A_520, %sub3A_521 : vector<16xi32>
      %ge3A_523 = arith.constant 0 : i32
      %ge3A_524 = vector.broadcast %ge3A_523 : i32 to vector<16xi32>
      %ge3A_525 = arith.cmpi sge, %sub3A_522, %ge3A_524 : vector<16xi32>
      %lt3A_526 = arith.constant 25088 : i32
      %lt3A_527 = vector.broadcast %lt3A_526 : i32 to vector<16xi32>
      %lt3A_528 = arith.cmpi slt, %sub3A_522, %lt3A_527 : vector<16xi32>
      %and3A_529 = arith.andi %ge3A_525, %lt3A_528 : vector<16xi1>
      %jit3A_530 = arith.constant 25088 : i32
      %broadcast_in_dim3A_531 = vector.broadcast %jit3A_530 : i32 to vector<16xi32>
      %select_n3A_532 = arith.select %and3A_529, %sub3A_522, %broadcast_in_dim3A_531 : vector<16xi1>, vector<16xi32>
      %swap3A_533 = arith.constant 0 : i32
      %swap3A_534 = arith.index_cast %swap3A_533 : i32 to index
      %swap3A_535 = arith.constant 80 : index
      %swap3A_536 = tpu.vector_load %arg7[%swap3A_534, %swap3A_535] {strides = array<i32>} : memref<1x96xi32, #tpu.memory_space<vmem>>, vector<1x16xi32>,
      %swap3A_537 = vector.shape_cast %swap3A_536 : vector<1x16xi32> to vector<16xi32>
      %swap3A_538 = vector.shape_cast %select_n3A_532 : vector<16xi32> to vector<1x16xi32>
      tpu.vector_store %arg7[%swap3A_534, %swap3A_535], %swap3A_538 {strides = array<i32>} : memref<1x96xi32, #tpu.memory_space<vmem>>, vector<1x16xi32>,
      "tpu.region"() ({
        %run_scoped3A_693 = tpu.sem_alloc : memref<!tpu.dma_semaphore, #tpu.memory_space<semaphore_mem>>
        %dma_start3A_694 = arith.constant 0 : i32
        %dma_start3A_695 = tpu.memref_slice %arg3[%multiple_of3A_412, %dma_start3A_694] : memref<800000x72xf32, #tpu.memory_space<hbm>> -> memref<96x72xf32, #tpu.memory_space<hbm>>
        %dma_start3A_696 = arith.constant 0 : i32
        %dma_start3A_697 = tpu.memref_slice %arg3[%multiple_of3A_412, %dma_start3A_696] : memref<800000x72xf32, #tpu.memory_space<hbm>> -> memref<96x72xf32, #tpu.memory_space<hbm>>
        tpu.enqueue_dma source(%dma_start3A_697 : memref<96x72xf32, #tpu.memory_space<hbm>>) target(%arg10 : memref<96x72xf32, #tpu.memory_space<vmem>>) target_semaphore(%run_scoped3A_693 : memref<!tpu.dma_semaphore, #tpu.memory_space<semaphore_mem>>)
        %dma_wait3A_698 = arith.constant 0 : i32
        %dma_wait3A_699 = tpu.memref_slice %arg3[%multiple_of3A_412, %dma_wait3A_698] : memref<800000x72xf32, #tpu.memory_space<hbm>> -> memref<96x72xf32, #tpu.memory_space<hbm>>
        %dma_wait3A_700 = arith.constant 0 : i32
        %dma_wait3A_701 = tpu.memref_slice %arg3[%multiple_of3A_412, %dma_wait3A_700] : memref<800000x72xf32, #tpu.memory_space<hbm>> -> memref<96x72xf32, #tpu.memory_space<hbm>>
        tpu.wait_dma2 semaphore(%run_scoped3A_693 : memref<!tpu.dma_semaphore, #tpu.memory_space<semaphore_mem>>) src(%dma_wait3A_701 : memref<96x72xf32, #tpu.memory_space<hbm>>) dst(%arg10 : memref<96x72xf32, #tpu.memory_space<vmem>>)
        tpu.yield
      }) : () -> ()
      %dma_start3A_539 = arith.constant 0 : i32
      %dma_start3A_540 = arith.constant 0 : i32
      %dma_start3A_541 = tpu.memref_slice %arg7[%dma_start3A_539, %dma_start3A_540] : memref<1x96xi32, #tpu.memory_space<vmem>> -> memref<1x96xi32, #tpu.memory_space<vmem>>
      %dma_start3A_542 = tpu.memref_squeeze %dma_start3A_541 : memref<1x96xi32, #tpu.memory_space<vmem>> -> memref<96xi32, #tpu.memory_space<vmem>>
      %dma_start3A_543 = arith.constant 0 : i32
      %dma_start3A_544 = arith.constant 0 : i32
      %dma_start3A_545 = tpu.memref_slice %arg14[%dma_start3A_543, %dma_start3A_544] : memref<25089x72xf32, #tpu.memory_space<vmem_shared>> -> memref<25089x72xf32, #tpu.memory_space<vmem_shared>>
      tpu.enqueue_indirect_dma source(%arg10 : memref<96x72xf32, #tpu.memory_space<vmem>>) target(%dma_start3A_545 : memref<25089x72xf32, #tpu.memory_space<vmem_shared>>) offsets(%dma_start3A_542 : memref<96xi32, #tpu.memory_space<vmem>>) semaphore(%arg12 : memref<!tpu.dma_semaphore, #tpu.memory_space<semaphore_mem>>) {add = true}
      %mul3A_546 = arith.constant 2 : i32
      %mul3A_547 = arith.muli %mul3A_546, %scan3A_398 : i32
      %add3A_548 = arith.constant 3 : i32
      %add3A_549 = arith.addi %mul3A_547, %add3A_548 : i32
      %dma_wait3A_550 = arith.constant 0 : i32
      %dma_wait3A_551 = arith.constant 0 : i32
      %dma_wait3A_552 = tpu.memref_slice %arg3[%dma_wait3A_550, %dma_wait3A_551] : memref<800000x72xf32, #tpu.memory_space<hbm>> -> memref<96x72xf32, #tpu.memory_space<hbm>>
      %dma_wait3A_553 = arith.constant 0 : i32
      %dma_wait3A_554 = arith.constant 0 : i32
      %dma_wait3A_555 = tpu.memref_slice %arg3[%dma_wait3A_553, %dma_wait3A_554] : memref<800000x72xf32, #tpu.memory_space<hbm>> -> memref<96x72xf32, #tpu.memory_space<hbm>>
      tpu.wait_dma2 semaphore(%arg13 : memref<!tpu.dma_semaphore, #tpu.memory_space<semaphore_mem>>) src(%dma_wait3A_555 : memref<96x72xf32, #tpu.memory_space<hbm>>) dst(%arg11 : memref<96x72xf32, #tpu.memory_space<vmem>>)
      %mul3A_556 = arith.constant 96 : i32
      %mul3A_557 = arith.muli %add3A_549, %mul3A_556 : i32
      %add3A_558 = arith.addi %multiple_of3A, %mul3A_557 : i32
      %multiple_of3A_559 = tpu.assume_multiple %add3A_558, 8 : i32
      "tpu.region"() ({
        %run_scoped3A_693 = tpu.sem_alloc : memref<!tpu.dma_semaphore, #tpu.memory_space<semaphore_mem>>
        %dma_start3A_694 = tpu.memref_slice %arg2[%multiple_of3A_559] : memref<800000xi32, #tpu.memory_space<hbm>> -> memref<96xi32, #tpu.memory_space<hbm>>
        %dma_start3A_695 = tpu.memref_slice %arg2[%multiple_of3A_559] : memref<800000xi32, #tpu.memory_space<hbm>> -> memref<96xi32, #tpu.memory_space<hbm>>
        tpu.enqueue_dma source(%dma_start3A_695 : memref<96xi32, #tpu.memory_space<hbm>>) target(%arg6 : memref<96xi32, #tpu.memory_space<vmem>>) target_semaphore(%run_scoped3A_693 : memref<!tpu.dma_semaphore, #tpu.memory_space<semaphore_mem>>)
        %dma_wait3A_696 = tpu.memref_slice %arg2[%multiple_of3A_559] : memref<800000xi32, #tpu.memory_space<hbm>> -> memref<96xi32, #tpu.memory_space<hbm>>
        %dma_wait3A_697 = tpu.memref_slice %arg2[%multiple_of3A_559] : memref<800000xi32, #tpu.memory_space<hbm>> -> memref<96xi32, #tpu.memory_space<hbm>>
        tpu.wait_dma2 semaphore(%run_scoped3A_693 : memref<!tpu.dma_semaphore, #tpu.memory_space<semaphore_mem>>) src(%dma_wait3A_697 : memref<96xi32, #tpu.memory_space<hbm>>) dst(%arg6 : memref<96xi32, #tpu.memory_space<vmem>>)
        tpu.yield
      }) : () -> ()
      %get3A_560 = arith.constant 0 : index
      %get3A_561 = tpu.vector_load %arg6[%get3A_560] {strides = array<i32>} : memref<96xi32, #tpu.memory_space<vmem>>, vector<16xi32>,
      %get3A_562 = vector.shape_cast %get3A_561 : vector<16xi32> to vector<16xi32>
      %sub3A_563 = vector.broadcast %mul3A_0 : i32 to vector<16xi32>
      %sub3A_564 = arith.subi %get3A_562, %sub3A_563 : vector<16xi32>
      %ge3A_565 = arith.constant 0 : i32
      %ge3A_566 = vector.broadcast %ge3A_565 : i32 to vector<16xi32>
      %ge3A_567 = arith.cmpi sge, %sub3A_564, %ge3A_566 : vector<16xi32>
      %lt3A_568 = arith.constant 25088 : i32
      %lt3A_569 = vector.broadcast %lt3A_568 : i32 to vector<16xi32>
      %lt3A_570 = arith.cmpi slt, %sub3A_564, %lt3A_569 : vector<16xi32>
      %and3A_571 = arith.andi %ge3A_567, %lt3A_570 : vector<16xi1>
      %jit3A_572 = arith.constant 25088 : i32
      %broadcast_in_dim3A_573 = vector.broadcast %jit3A_572 : i32 to vector<16xi32>
      %select_n3A_574 = arith.select %and3A_571, %sub3A_564, %broadcast_in_dim3A_573 : vector<16xi1>, vector<16xi32>
      %swap3A_575 = arith.constant 0 : i32
      %swap3A_576 = arith.index_cast %swap3A_575 : i32 to index
      %swap3A_577 = arith.constant 0 : index
      %swap3A_578 = tpu.vector_load %arg8[%swap3A_576, %swap3A_577] {strides = array<i32>} : memref<1x96xi32, #tpu.memory_space<vmem>>, vector<1x16xi32>,
      %swap3A_579 = vector.shape_cast %swap3A_578 : vector<1x16xi32> to vector<16xi32>
      %swap3A_580 = vector.shape_cast %select_n3A_574 : vector<16xi32> to vector<1x16xi32>
      tpu.vector_store %arg8[%swap3A_576, %swap3A_577], %swap3A_580 {strides = array<i32>} : memref<1x96xi32, #tpu.memory_space<vmem>>, vector<1x16xi32>,
      %get3A_581 = arith.constant 16 : index
      %get3A_582 = tpu.vector_load %arg6[%get3A_581] {strides = array<i32>} : memref<96xi32, #tpu.memory_space<vmem>>, vector<16xi32>,
      %get3A_583 = vector.shape_cast %get3A_582 : vector<16xi32> to vector<16xi32>
      %sub3A_584 = vector.broadcast %mul3A_0 : i32 to vector<16xi32>
      %sub3A_585 = arith.subi %get3A_583, %sub3A_584 : vector<16xi32>
      %ge3A_586 = arith.constant 0 : i32
      %ge3A_587 = vector.broadcast %ge3A_586 : i32 to vector<16xi32>
      %ge3A_588 = arith.cmpi sge, %sub3A_585, %ge3A_587 : vector<16xi32>
      %lt3A_589 = arith.constant 25088 : i32
      %lt3A_590 = vector.broadcast %lt3A_589 : i32 to vector<16xi32>
      %lt3A_591 = arith.cmpi slt, %sub3A_585, %lt3A_590 : vector<16xi32>
      %and3A_592 = arith.andi %ge3A_588, %lt3A_591 : vector<16xi1>
      %jit3A_593 = arith.constant 25088 : i32
      %broadcast_in_dim3A_594 = vector.broadcast %jit3A_593 : i32 to vector<16xi32>
      %select_n3A_595 = arith.select %and3A_592, %sub3A_585, %broadcast_in_dim3A_594 : vector<16xi1>, vector<16xi32>
      %swap3A_596 = arith.constant 0 : i32
      %swap3A_597 = arith.index_cast %swap3A_596 : i32 to index
      %swap3A_598 = arith.constant 16 : index
      %swap3A_599 = tpu.vector_load %arg8[%swap3A_597, %swap3A_598] {strides = array<i32>} : memref<1x96xi32, #tpu.memory_space<vmem>>, vector<1x16xi32>,
      %swap3A_600 = vector.shape_cast %swap3A_599 : vector<1x16xi32> to vector<16xi32>
      %swap3A_601 = vector.shape_cast %select_n3A_595 : vector<16xi32> to vector<1x16xi32>
      tpu.vector_store %arg8[%swap3A_597, %swap3A_598], %swap3A_601 {strides = array<i32>} : memref<1x96xi32, #tpu.memory_space<vmem>>, vector<1x16xi32>,
      %get3A_602 = arith.constant 32 : index
      %get3A_603 = tpu.vector_load %arg6[%get3A_602] {strides = array<i32>} : memref<96xi32, #tpu.memory_space<vmem>>, vector<16xi32>,
      %get3A_604 = vector.shape_cast %get3A_603 : vector<16xi32> to vector<16xi32>
      %sub3A_605 = vector.broadcast %mul3A_0 : i32 to vector<16xi32>
      %sub3A_606 = arith.subi %get3A_604, %sub3A_605 : vector<16xi32>
      %ge3A_607 = arith.constant 0 : i32
      %ge3A_608 = vector.broadcast %ge3A_607 : i32 to vector<16xi32>
      %ge3A_609 = arith.cmpi sge, %sub3A_606, %ge3A_608 : vector<16xi32>
      %lt3A_610 = arith.constant 25088 : i32
      %lt3A_611 = vector.broadcast %lt3A_610 : i32 to vector<16xi32>
      %lt3A_612 = arith.cmpi slt, %sub3A_606, %lt3A_611 : vector<16xi32>
      %and3A_613 = arith.andi %ge3A_609, %lt3A_612 : vector<16xi1>
      %jit3A_614 = arith.constant 25088 : i32
      %broadcast_in_dim3A_615 = vector.broadcast %jit3A_614 : i32 to vector<16xi32>
      %select_n3A_616 = arith.select %and3A_613, %sub3A_606, %broadcast_in_dim3A_615 : vector<16xi1>, vector<16xi32>
      %swap3A_617 = arith.constant 0 : i32
      %swap3A_618 = arith.index_cast %swap3A_617 : i32 to index
      %swap3A_619 = arith.constant 32 : index
      %swap3A_620 = tpu.vector_load %arg8[%swap3A_618, %swap3A_619] {strides = array<i32>} : memref<1x96xi32, #tpu.memory_space<vmem>>, vector<1x16xi32>,
      %swap3A_621 = vector.shape_cast %swap3A_620 : vector<1x16xi32> to vector<16xi32>
      %swap3A_622 = vector.shape_cast %select_n3A_616 : vector<16xi32> to vector<1x16xi32>
      tpu.vector_store %arg8[%swap3A_618, %swap3A_619], %swap3A_622 {strides = array<i32>} : memref<1x96xi32, #tpu.memory_space<vmem>>, vector<1x16xi32>,
      %get3A_623 = arith.constant 48 : index
      %get3A_624 = tpu.vector_load %arg6[%get3A_623] {strides = array<i32>} : memref<96xi32, #tpu.memory_space<vmem>>, vector<16xi32>,
      %get3A_625 = vector.shape_cast %get3A_624 : vector<16xi32> to vector<16xi32>
      %sub3A_626 = vector.broadcast %mul3A_0 : i32 to vector<16xi32>
      %sub3A_627 = arith.subi %get3A_625, %sub3A_626 : vector<16xi32>
      %ge3A_628 = arith.constant 0 : i32
      %ge3A_629 = vector.broadcast %ge3A_628 : i32 to vector<16xi32>
      %ge3A_630 = arith.cmpi sge, %sub3A_627, %ge3A_629 : vector<16xi32>
      %lt3A_631 = arith.constant 25088 : i32
      %lt3A_632 = vector.broadcast %lt3A_631 : i32 to vector<16xi32>
      %lt3A_633 = arith.cmpi slt, %sub3A_627, %lt3A_632 : vector<16xi32>
      %and3A_634 = arith.andi %ge3A_630, %lt3A_633 : vector<16xi1>
      %jit3A_635 = arith.constant 25088 : i32
      %broadcast_in_dim3A_636 = vector.broadcast %jit3A_635 : i32 to vector<16xi32>
      %select_n3A_637 = arith.select %and3A_634, %sub3A_627, %broadcast_in_dim3A_636 : vector<16xi1>, vector<16xi32>
      %swap3A_638 = arith.constant 0 : i32
      %swap3A_639 = arith.index_cast %swap3A_638 : i32 to index
      %swap3A_640 = arith.constant 48 : index
      %swap3A_641 = tpu.vector_load %arg8[%swap3A_639, %swap3A_640] {strides = array<i32>} : memref<1x96xi32, #tpu.memory_space<vmem>>, vector<1x16xi32>,
      %swap3A_642 = vector.shape_cast %swap3A_641 : vector<1x16xi32> to vector<16xi32>
      %swap3A_643 = vector.shape_cast %select_n3A_637 : vector<16xi32> to vector<1x16xi32>
      tpu.vector_store %arg8[%swap3A_639, %swap3A_640], %swap3A_643 {strides = array<i32>} : memref<1x96xi32, #tpu.memory_space<vmem>>, vector<1x16xi32>,
      %get3A_644 = arith.constant 64 : index
      %get3A_645 = tpu.vector_load %arg6[%get3A_644] {strides = array<i32>} : memref<96xi32, #tpu.memory_space<vmem>>, vector<16xi32>,
      %get3A_646 = vector.shape_cast %get3A_645 : vector<16xi32> to vector<16xi32>
      %sub3A_647 = vector.broadcast %mul3A_0 : i32 to vector<16xi32>
      %sub3A_648 = arith.subi %get3A_646, %sub3A_647 : vector<16xi32>
      %ge3A_649 = arith.constant 0 : i32
      %ge3A_650 = vector.broadcast %ge3A_649 : i32 to vector<16xi32>
      %ge3A_651 = arith.cmpi sge, %sub3A_648, %ge3A_650 : vector<16xi32>
      %lt3A_652 = arith.constant 25088 : i32
      %lt3A_653 = vector.broadcast %lt3A_652 : i32 to vector<16xi32>
      %lt3A_654 = arith.cmpi slt, %sub3A_648, %lt3A_653 : vector<16xi32>
      %and3A_655 = arith.andi %ge3A_651, %lt3A_654 : vector<16xi1>
      %jit3A_656 = arith.constant 25088 : i32
      %broadcast_in_dim3A_657 = vector.broadcast %jit3A_656 : i32 to vector<16xi32>
      %select_n3A_658 = arith.select %and3A_655, %sub3A_648, %broadcast_in_dim3A_657 : vector<16xi1>, vector<16xi32>
      %swap3A_659 = arith.constant 0 : i32
      %swap3A_660 = arith.index_cast %swap3A_659 : i32 to index
      %swap3A_661 = arith.constant 64 : index
      %swap3A_662 = tpu.vector_load %arg8[%swap3A_660, %swap3A_661] {strides = array<i32>} : memref<1x96xi32, #tpu.memory_space<vmem>>, vector<1x16xi32>,
      %swap3A_663 = vector.shape_cast %swap3A_662 : vector<1x16xi32> to vector<16xi32>
      %swap3A_664 = vector.shape_cast %select_n3A_658 : vector<16xi32> to vector<1x16xi32>
      tpu.vector_store %arg8[%swap3A_660, %swap3A_661], %swap3A_664 {strides = array<i32>} : memref<1x96xi32, #tpu.memory_space<vmem>>, vector<1x16xi32>,
      %get3A_665 = arith.constant 80 : index
      %get3A_666 = tpu.vector_load %arg6[%get3A_665] {strides = array<i32>} : memref<96xi32, #tpu.memory_space<vmem>>, vector<16xi32>,
      %get3A_667 = vector.shape_cast %get3A_666 : vector<16xi32> to vector<16xi32>
      %sub3A_668 = vector.broadcast %mul3A_0 : i32 to vector<16xi32>
      %sub3A_669 = arith.subi %get3A_667, %sub3A_668 : vector<16xi32>
      %ge3A_670 = arith.constant 0 : i32
      %ge3A_671 = vector.broadcast %ge3A_670 : i32 to vector<16xi32>
      %ge3A_672 = arith.cmpi sge, %sub3A_669, %ge3A_671 : vector<16xi32>
      %lt3A_673 = arith.constant 25088 : i32
      %lt3A_674 = vector.broadcast %lt3A_673 : i32 to vector<16xi32>
      %lt3A_675 = arith.cmpi slt, %sub3A_669, %lt3A_674 : vector<16xi32>
      %and3A_676 = arith.andi %ge3A_672, %lt3A_675 : vector<16xi1>
      %jit3A_677 = arith.constant 25088 : i32
      %broadcast_in_dim3A_678 = vector.broadcast %jit3A_677 : i32 to vector<16xi32>
      %select_n3A_679 = arith.select %and3A_676, %sub3A_669, %broadcast_in_dim3A_678 : vector<16xi1>, vector<16xi32>
      %swap3A_680 = arith.constant 0 : i32
      %swap3A_681 = arith.index_cast %swap3A_680 : i32 to index
      %swap3A_682 = arith.constant 80 : index
      %swap3A_683 = tpu.vector_load %arg8[%swap3A_681, %swap3A_682] {strides = array<i32>} : memref<1x96xi32, #tpu.memory_space<vmem>>, vector<1x16xi32>,
      %swap3A_684 = vector.shape_cast %swap3A_683 : vector<1x16xi32> to vector<16xi32>
      %swap3A_685 = vector.shape_cast %select_n3A_679 : vector<16xi32> to vector<1x16xi32>
      tpu.vector_store %arg8[%swap3A_681, %swap3A_682], %swap3A_685 {strides = array<i32>} : memref<1x96xi32, #tpu.memory_space<vmem>>, vector<1x16xi32>,
      "tpu.region"() ({
        %run_scoped3A_693 = tpu.sem_alloc : memref<!tpu.dma_semaphore, #tpu.memory_space<semaphore_mem>>
        %dma_start3A_694 = arith.constant 0 : i32
        %dma_start3A_695 = tpu.memref_slice %arg3[%multiple_of3A_559, %dma_start3A_694] : memref<800000x72xf32, #tpu.memory_space<hbm>> -> memref<96x72xf32, #tpu.memory_space<hbm>>
        %dma_start3A_696 = arith.constant 0 : i32
        %dma_start3A_697 = tpu.memref_slice %arg3[%multiple_of3A_559, %dma_start3A_696] : memref<800000x72xf32, #tpu.memory_space<hbm>> -> memref<96x72xf32, #tpu.memory_space<hbm>>
        tpu.enqueue_dma source(%dma_start3A_697 : memref<96x72xf32, #tpu.memory_space<hbm>>) target(%arg11 : memref<96x72xf32, #tpu.memory_space<vmem>>) target_semaphore(%run_scoped3A_693 : memref<!tpu.dma_semaphore, #tpu.memory_space<semaphore_mem>>)
        %dma_wait3A_698 = arith.constant 0 : i32
        %dma_wait3A_699 = tpu.memref_slice %arg3[%multiple_of3A_559, %dma_wait3A_698] : memref<800000x72xf32, #tpu.memory_space<hbm>> -> memref<96x72xf32, #tpu.memory_space<hbm>>
        %dma_wait3A_700 = arith.constant 0 : i32
        %dma_wait3A_701 = tpu.memref_slice %arg3[%multiple_of3A_559, %dma_wait3A_700] : memref<800000x72xf32, #tpu.memory_space<hbm>> -> memref<96x72xf32, #tpu.memory_space<hbm>>
        tpu.wait_dma2 semaphore(%run_scoped3A_693 : memref<!tpu.dma_semaphore, #tpu.memory_space<semaphore_mem>>) src(%dma_wait3A_701 : memref<96x72xf32, #tpu.memory_space<hbm>>) dst(%arg11 : memref<96x72xf32, #tpu.memory_space<vmem>>)
        tpu.yield
      }) : () -> ()
      %dma_start3A_686 = arith.constant 0 : i32
      %dma_start3A_687 = arith.constant 0 : i32
      %dma_start3A_688 = tpu.memref_slice %arg8[%dma_start3A_686, %dma_start3A_687] : memref<1x96xi32, #tpu.memory_space<vmem>> -> memref<1x96xi32, #tpu.memory_space<vmem>>
      %dma_start3A_689 = tpu.memref_squeeze %dma_start3A_688 : memref<1x96xi32, #tpu.memory_space<vmem>> -> memref<96xi32, #tpu.memory_space<vmem>>
      %dma_start3A_690 = arith.constant 0 : i32
      %dma_start3A_691 = arith.constant 0 : i32
      %dma_start3A_692 = tpu.memref_slice %arg14[%dma_start3A_690, %dma_start3A_691] : memref<25089x72xf32, #tpu.memory_space<vmem_shared>> -> memref<25089x72xf32, #tpu.memory_space<vmem_shared>>
      tpu.enqueue_indirect_dma source(%arg11 : memref<96x72xf32, #tpu.memory_space<vmem>>) target(%dma_start3A_692 : memref<25089x72xf32, #tpu.memory_space<vmem_shared>>) offsets(%dma_start3A_689 : memref<96xi32, #tpu.memory_space<vmem>>) semaphore(%arg13 : memref<!tpu.dma_semaphore, #tpu.memory_space<semaphore_mem>>) {add = true}
    }
    %scan3A_272 = arith.constant 259 : i32
    %dma_wait3A = arith.constant 0 : i32
    %dma_wait3A_273 = arith.constant 0 : i32
    %dma_wait3A_274 = tpu.memref_slice %arg3[%dma_wait3A, %dma_wait3A_273] : memref<800000x72xf32, #tpu.memory_space<hbm>> -> memref<96x72xf32, #tpu.memory_space<hbm>>
    %dma_wait3A_275 = arith.constant 0 : i32
    %dma_wait3A_276 = arith.constant 0 : i32
    %dma_wait3A_277 = tpu.memref_slice %arg3[%dma_wait3A_275, %dma_wait3A_276] : memref<800000x72xf32, #tpu.memory_space<hbm>> -> memref<96x72xf32, #tpu.memory_space<hbm>>
    tpu.wait_dma2 semaphore(%arg12 : memref<!tpu.dma_semaphore, #tpu.memory_space<semaphore_mem>>) src(%dma_wait3A_277 : memref<96x72xf32, #tpu.memory_space<hbm>>) dst(%arg10 : memref<96x72xf32, #tpu.memory_space<vmem>>)
    %dma_wait3A_278 = arith.constant 0 : i32
    %dma_wait3A_279 = arith.constant 0 : i32
    %dma_wait3A_280 = tpu.memref_slice %arg3[%dma_wait3A_278, %dma_wait3A_279] : memref<800000x72xf32, #tpu.memory_space<hbm>> -> memref<96x72xf32, #tpu.memory_space<hbm>>
    %dma_wait3A_281 = arith.constant 0 : i32
    %dma_wait3A_282 = arith.constant 0 : i32
    %dma_wait3A_283 = tpu.memref_slice %arg3[%dma_wait3A_281, %dma_wait3A_282] : memref<800000x72xf32, #tpu.memory_space<hbm>> -> memref<96x72xf32, #tpu.memory_space<hbm>>
    tpu.wait_dma2 semaphore(%arg13 : memref<!tpu.dma_semaphore, #tpu.memory_space<semaphore_mem>>) src(%dma_wait3A_283 : memref<96x72xf32, #tpu.memory_space<hbm>>) dst(%arg11 : memref<96x72xf32, #tpu.memory_space<vmem>>)
    %add3A_284 = arith.constant 49920 : i32
    %add3A_285 = arith.addi %multiple_of3A, %add3A_284 : i32
    %multiple_of3A_286 = tpu.assume_multiple %add3A_285, 8 : i32
    "tpu.region"() ({
      %run_scoped3A_398 = tpu.sem_alloc : memref<!tpu.dma_semaphore, #tpu.memory_space<semaphore_mem>>
      %dma_start3A_399 = arith.constant 0 : i32
      %dma_start3A_400 = tpu.memref_slice %arg6[%dma_start3A_399] : memref<96xi32, #tpu.memory_space<vmem>> -> memref<80xi32, #tpu.memory_space<vmem>>
      %dma_start3A_401 = tpu.memref_slice %arg2[%multiple_of3A_286] : memref<800000xi32, #tpu.memory_space<hbm>> -> memref<80xi32, #tpu.memory_space<hbm>>
      %dma_start3A_402 = arith.constant 0 : i32
      %dma_start3A_403 = tpu.memref_slice %arg6[%dma_start3A_402] : memref<96xi32, #tpu.memory_space<vmem>> -> memref<80xi32, #tpu.memory_space<vmem>>
      %dma_start3A_404 = tpu.memref_slice %arg2[%multiple_of3A_286] : memref<800000xi32, #tpu.memory_space<hbm>> -> memref<80xi32, #tpu.memory_space<hbm>>
      tpu.enqueue_dma source(%dma_start3A_404 : memref<80xi32, #tpu.memory_space<hbm>>) target(%dma_start3A_403 : memref<80xi32, #tpu.memory_space<vmem>>) target_semaphore(%run_scoped3A_398 : memref<!tpu.dma_semaphore, #tpu.memory_space<semaphore_mem>>)
      %dma_wait3A_405 = arith.constant 0 : i32
      %dma_wait3A_406 = tpu.memref_slice %arg6[%dma_wait3A_405] : memref<96xi32, #tpu.memory_space<vmem>> -> memref<80xi32, #tpu.memory_space<vmem>>
      %dma_wait3A_407 = tpu.memref_slice %arg2[%multiple_of3A_286] : memref<800000xi32, #tpu.memory_space<hbm>> -> memref<80xi32, #tpu.memory_space<hbm>>
      %dma_wait3A_408 = arith.constant 0 : i32
      %dma_wait3A_409 = tpu.memref_slice %arg6[%dma_wait3A_408] : memref<96xi32, #tpu.memory_space<vmem>> -> memref<80xi32, #tpu.memory_space<vmem>>
      %dma_wait3A_410 = tpu.memref_slice %arg2[%multiple_of3A_286] : memref<800000xi32, #tpu.memory_space<hbm>> -> memref<80xi32, #tpu.memory_space<hbm>>
      tpu.wait_dma2 semaphore(%run_scoped3A_398 : memref<!tpu.dma_semaphore, #tpu.memory_space<semaphore_mem>>) src(%dma_wait3A_410 : memref<80xi32, #tpu.memory_space<hbm>>) dst(%dma_wait3A_409 : memref<80xi32, #tpu.memory_space<vmem>>)
      tpu.yield
    }) : () -> ()
    %get3A_287 = arith.constant 0 : index
    %get3A_288 = tpu.vector_load %arg6[%get3A_287] {strides = array<i32>} : memref<96xi32, #tpu.memory_space<vmem>>, vector<16xi32>,
    %get3A_289 = vector.shape_cast %get3A_288 : vector<16xi32> to vector<16xi32>
    %sub3A_290 = vector.broadcast %mul3A_0 : i32 to vector<16xi32>
    %sub3A_291 = arith.subi %get3A_289, %sub3A_290 : vector<16xi32>
    %ge3A_292 = arith.constant 0 : i32
    %ge3A_293 = vector.broadcast %ge3A_292 : i32 to vector<16xi32>
    %ge3A_294 = arith.cmpi sge, %sub3A_291, %ge3A_293 : vector<16xi32>
    %lt3A_295 = arith.constant 25088 : i32
    %lt3A_296 = vector.broadcast %lt3A_295 : i32 to vector<16xi32>
    %lt3A_297 = arith.cmpi slt, %sub3A_291, %lt3A_296 : vector<16xi32>
    %and3A_298 = arith.andi %ge3A_294, %lt3A_297 : vector<16xi1>
    %jit3A_299 = arith.constant 25088 : i32
    %broadcast_in_dim3A_300 = vector.broadcast %jit3A_299 : i32 to vector<16xi32>
    %select_n3A_301 = arith.select %and3A_298, %sub3A_291, %broadcast_in_dim3A_300 : vector<16xi1>, vector<16xi32>
    %swap3A_302 = arith.constant 0 : i32
    %swap3A_303 = arith.index_cast %swap3A_302 : i32 to index
    %swap3A_304 = arith.constant 0 : index
    %swap3A_305 = tpu.vector_load %arg9[%swap3A_303, %swap3A_304] {strides = array<i32>} : memref<1x80xi32, #tpu.memory_space<vmem>>, vector<1x16xi32>,
    %swap3A_306 = vector.shape_cast %swap3A_305 : vector<1x16xi32> to vector<16xi32>
    %swap3A_307 = vector.shape_cast %select_n3A_301 : vector<16xi32> to vector<1x16xi32>
    tpu.vector_store %arg9[%swap3A_303, %swap3A_304], %swap3A_307 {strides = array<i32>} : memref<1x80xi32, #tpu.memory_space<vmem>>, vector<1x16xi32>,
    %get3A_308 = arith.constant 16 : index
    %get3A_309 = tpu.vector_load %arg6[%get3A_308] {strides = array<i32>} : memref<96xi32, #tpu.memory_space<vmem>>, vector<16xi32>,
    %get3A_310 = vector.shape_cast %get3A_309 : vector<16xi32> to vector<16xi32>
    %sub3A_311 = vector.broadcast %mul3A_0 : i32 to vector<16xi32>
    %sub3A_312 = arith.subi %get3A_310, %sub3A_311 : vector<16xi32>
    %ge3A_313 = arith.constant 0 : i32
    %ge3A_314 = vector.broadcast %ge3A_313 : i32 to vector<16xi32>
    %ge3A_315 = arith.cmpi sge, %sub3A_312, %ge3A_314 : vector<16xi32>
    %lt3A_316 = arith.constant 25088 : i32
    %lt3A_317 = vector.broadcast %lt3A_316 : i32 to vector<16xi32>
    %lt3A_318 = arith.cmpi slt, %sub3A_312, %lt3A_317 : vector<16xi32>
    %and3A_319 = arith.andi %ge3A_315, %lt3A_318 : vector<16xi1>
    %jit3A_320 = arith.constant 25088 : i32
    %broadcast_in_dim3A_321 = vector.broadcast %jit3A_320 : i32 to vector<16xi32>
    %select_n3A_322 = arith.select %and3A_319, %sub3A_312, %broadcast_in_dim3A_321 : vector<16xi1>, vector<16xi32>
    %swap3A_323 = arith.constant 0 : i32
    %swap3A_324 = arith.index_cast %swap3A_323 : i32 to index
    %swap3A_325 = arith.constant 16 : index
    %swap3A_326 = tpu.vector_load %arg9[%swap3A_324, %swap3A_325] {strides = array<i32>} : memref<1x80xi32, #tpu.memory_space<vmem>>, vector<1x16xi32>,
    %swap3A_327 = vector.shape_cast %swap3A_326 : vector<1x16xi32> to vector<16xi32>
    %swap3A_328 = vector.shape_cast %select_n3A_322 : vector<16xi32> to vector<1x16xi32>
    tpu.vector_store %arg9[%swap3A_324, %swap3A_325], %swap3A_328 {strides = array<i32>} : memref<1x80xi32, #tpu.memory_space<vmem>>, vector<1x16xi32>,
    %get3A_329 = arith.constant 32 : index
    %get3A_330 = tpu.vector_load %arg6[%get3A_329] {strides = array<i32>} : memref<96xi32, #tpu.memory_space<vmem>>, vector<16xi32>,
    %get3A_331 = vector.shape_cast %get3A_330 : vector<16xi32> to vector<16xi32>
    %sub3A_332 = vector.broadcast %mul3A_0 : i32 to vector<16xi32>
    %sub3A_333 = arith.subi %get3A_331, %sub3A_332 : vector<16xi32>
    %ge3A_334 = arith.constant 0 : i32
    %ge3A_335 = vector.broadcast %ge3A_334 : i32 to vector<16xi32>
    %ge3A_336 = arith.cmpi sge, %sub3A_333, %ge3A_335 : vector<16xi32>
    %lt3A_337 = arith.constant 25088 : i32
    %lt3A_338 = vector.broadcast %lt3A_337 : i32 to vector<16xi32>
    %lt3A_339 = arith.cmpi slt, %sub3A_333, %lt3A_338 : vector<16xi32>
    %and3A_340 = arith.andi %ge3A_336, %lt3A_339 : vector<16xi1>
    %jit3A_341 = arith.constant 25088 : i32
    %broadcast_in_dim3A_342 = vector.broadcast %jit3A_341 : i32 to vector<16xi32>
    %select_n3A_343 = arith.select %and3A_340, %sub3A_333, %broadcast_in_dim3A_342 : vector<16xi1>, vector<16xi32>
    %swap3A_344 = arith.constant 0 : i32
    %swap3A_345 = arith.index_cast %swap3A_344 : i32 to index
    %swap3A_346 = arith.constant 32 : index
    %swap3A_347 = tpu.vector_load %arg9[%swap3A_345, %swap3A_346] {strides = array<i32>} : memref<1x80xi32, #tpu.memory_space<vmem>>, vector<1x16xi32>,
    %swap3A_348 = vector.shape_cast %swap3A_347 : vector<1x16xi32> to vector<16xi32>
    %swap3A_349 = vector.shape_cast %select_n3A_343 : vector<16xi32> to vector<1x16xi32>
    tpu.vector_store %arg9[%swap3A_345, %swap3A_346], %swap3A_349 {strides = array<i32>} : memref<1x80xi32, #tpu.memory_space<vmem>>, vector<1x16xi32>,
    %get3A_350 = arith.constant 48 : index
    %get3A_351 = tpu.vector_load %arg6[%get3A_350] {strides = array<i32>} : memref<96xi32, #tpu.memory_space<vmem>>, vector<16xi32>,
    %get3A_352 = vector.shape_cast %get3A_351 : vector<16xi32> to vector<16xi32>
    %sub3A_353 = vector.broadcast %mul3A_0 : i32 to vector<16xi32>
    %sub3A_354 = arith.subi %get3A_352, %sub3A_353 : vector<16xi32>
    %ge3A_355 = arith.constant 0 : i32
    %ge3A_356 = vector.broadcast %ge3A_355 : i32 to vector<16xi32>
    %ge3A_357 = arith.cmpi sge, %sub3A_354, %ge3A_356 : vector<16xi32>
    %lt3A_358 = arith.constant 25088 : i32
    %lt3A_359 = vector.broadcast %lt3A_358 : i32 to vector<16xi32>
    %lt3A_360 = arith.cmpi slt, %sub3A_354, %lt3A_359 : vector<16xi32>
    %and3A_361 = arith.andi %ge3A_357, %lt3A_360 : vector<16xi1>
    %jit3A_362 = arith.constant 25088 : i32
    %broadcast_in_dim3A_363 = vector.broadcast %jit3A_362 : i32 to vector<16xi32>
    %select_n3A_364 = arith.select %and3A_361, %sub3A_354, %broadcast_in_dim3A_363 : vector<16xi1>, vector<16xi32>
    %swap3A_365 = arith.constant 0 : i32
    %swap3A_366 = arith.index_cast %swap3A_365 : i32 to index
    %swap3A_367 = arith.constant 48 : index
    %swap3A_368 = tpu.vector_load %arg9[%swap3A_366, %swap3A_367] {strides = array<i32>} : memref<1x80xi32, #tpu.memory_space<vmem>>, vector<1x16xi32>,
    %swap3A_369 = vector.shape_cast %swap3A_368 : vector<1x16xi32> to vector<16xi32>
    %swap3A_370 = vector.shape_cast %select_n3A_364 : vector<16xi32> to vector<1x16xi32>
    tpu.vector_store %arg9[%swap3A_366, %swap3A_367], %swap3A_370 {strides = array<i32>} : memref<1x80xi32, #tpu.memory_space<vmem>>, vector<1x16xi32>,
    %get3A_371 = arith.constant 64 : index
    %get3A_372 = tpu.vector_load %arg6[%get3A_371] {strides = array<i32>} : memref<96xi32, #tpu.memory_space<vmem>>, vector<16xi32>,
    %get3A_373 = vector.shape_cast %get3A_372 : vector<16xi32> to vector<16xi32>
    %sub3A_374 = vector.broadcast %mul3A_0 : i32 to vector<16xi32>
    %sub3A_375 = arith.subi %get3A_373, %sub3A_374 : vector<16xi32>
    %ge3A_376 = arith.constant 0 : i32
    %ge3A_377 = vector.broadcast %ge3A_376 : i32 to vector<16xi32>
    %ge3A_378 = arith.cmpi sge, %sub3A_375, %ge3A_377 : vector<16xi32>
    %lt3A_379 = arith.constant 25088 : i32
    %lt3A_380 = vector.broadcast %lt3A_379 : i32 to vector<16xi32>
    %lt3A_381 = arith.cmpi slt, %sub3A_375, %lt3A_380 : vector<16xi32>
    %and3A_382 = arith.andi %ge3A_378, %lt3A_381 : vector<16xi1>
    %jit3A_383 = arith.constant 25088 : i32
    %broadcast_in_dim3A_384 = vector.broadcast %jit3A_383 : i32 to vector<16xi32>
    %select_n3A_385 = arith.select %and3A_382, %sub3A_375, %broadcast_in_dim3A_384 : vector<16xi1>, vector<16xi32>
    %swap3A_386 = arith.constant 0 : i32
    %swap3A_387 = arith.index_cast %swap3A_386 : i32 to index
    %swap3A_388 = arith.constant 64 : index
    %swap3A_389 = tpu.vector_load %arg9[%swap3A_387, %swap3A_388] {strides = array<i32>} : memref<1x80xi32, #tpu.memory_space<vmem>>, vector<1x16xi32>,
    %swap3A_390 = vector.shape_cast %swap3A_389 : vector<1x16xi32> to vector<16xi32>
    %swap3A_391 = vector.shape_cast %select_n3A_385 : vector<16xi32> to vector<1x16xi32>
    tpu.vector_store %arg9[%swap3A_387, %swap3A_388], %swap3A_391 {strides = array<i32>} : memref<1x80xi32, #tpu.memory_space<vmem>>, vector<1x16xi32>,
    "tpu.region"() ({
      %run_scoped3A_398 = tpu.sem_alloc : memref<!tpu.dma_semaphore, #tpu.memory_space<semaphore_mem>>
      %dma_start3A_399 = arith.constant 0 : i32
      %dma_start3A_400 = arith.constant 0 : i32
      %dma_start3A_401 = tpu.memref_slice %arg10[%dma_start3A_399, %dma_start3A_400] : memref<96x72xf32, #tpu.memory_space<vmem>> -> memref<80x72xf32, #tpu.memory_space<vmem>>
      %dma_start3A_402 = arith.constant 0 : i32
      %dma_start3A_403 = tpu.memref_slice %arg3[%multiple_of3A_286, %dma_start3A_402] : memref<800000x72xf32, #tpu.memory_space<hbm>> -> memref<80x72xf32, #tpu.memory_space<hbm>>
      %dma_start3A_404 = arith.constant 0 : i32
      %dma_start3A_405 = arith.constant 0 : i32
      %dma_start3A_406 = tpu.memref_slice %arg10[%dma_start3A_404, %dma_start3A_405] : memref<96x72xf32, #tpu.memory_space<vmem>> -> memref<80x72xf32, #tpu.memory_space<vmem>>
      %dma_start3A_407 = arith.constant 0 : i32
      %dma_start3A_408 = tpu.memref_slice %arg3[%multiple_of3A_286, %dma_start3A_407] : memref<800000x72xf32, #tpu.memory_space<hbm>> -> memref<80x72xf32, #tpu.memory_space<hbm>>
      tpu.enqueue_dma source(%dma_start3A_408 : memref<80x72xf32, #tpu.memory_space<hbm>>) target(%dma_start3A_406 : memref<80x72xf32, #tpu.memory_space<vmem>>) target_semaphore(%run_scoped3A_398 : memref<!tpu.dma_semaphore, #tpu.memory_space<semaphore_mem>>)
      %dma_wait3A_409 = arith.constant 0 : i32
      %dma_wait3A_410 = arith.constant 0 : i32
      %dma_wait3A_411 = tpu.memref_slice %arg10[%dma_wait3A_409, %dma_wait3A_410] : memref<96x72xf32, #tpu.memory_space<vmem>> -> memref<80x72xf32, #tpu.memory_space<vmem>>
      %dma_wait3A_412 = arith.constant 0 : i32
      %dma_wait3A_413 = tpu.memref_slice %arg3[%multiple_of3A_286, %dma_wait3A_412] : memref<800000x72xf32, #tpu.memory_space<hbm>> -> memref<80x72xf32, #tpu.memory_space<hbm>>
      %dma_wait3A_414 = arith.constant 0 : i32
      %dma_wait3A_415 = arith.constant 0 : i32
      %dma_wait3A_416 = tpu.memref_slice %arg10[%dma_wait3A_414, %dma_wait3A_415] : memref<96x72xf32, #tpu.memory_space<vmem>> -> memref<80x72xf32, #tpu.memory_space<vmem>>
      %dma_wait3A_417 = arith.constant 0 : i32
      %dma_wait3A_418 = tpu.memref_slice %arg3[%multiple_of3A_286, %dma_wait3A_417] : memref<800000x72xf32, #tpu.memory_space<hbm>> -> memref<80x72xf32, #tpu.memory_space<hbm>>
      tpu.wait_dma2 semaphore(%run_scoped3A_398 : memref<!tpu.dma_semaphore, #tpu.memory_space<semaphore_mem>>) src(%dma_wait3A_418 : memref<80x72xf32, #tpu.memory_space<hbm>>) dst(%dma_wait3A_416 : memref<80x72xf32, #tpu.memory_space<vmem>>)
      tpu.yield
    }) : () -> ()
    %run_scoped3A = arith.constant 0 : i32
    "tpu.region"() ({
      %run_scoped3A_398 = tpu.sem_alloc : memref<!tpu.dma_semaphore, #tpu.memory_space<semaphore_mem>>
      %dma_start3A_399 = arith.constant 0 : i32
      %dma_start3A_400 = arith.constant 0 : i32
      %dma_start3A_401 = tpu.memref_slice %arg10[%dma_start3A_399, %dma_start3A_400] : memref<96x72xf32, #tpu.memory_space<vmem>> -> memref<80x72xf32, #tpu.memory_space<vmem>>
      %dma_start3A_402 = arith.constant 0 : i32
      %dma_start3A_403 = tpu.memref_slice %arg9[%run_scoped3A, %dma_start3A_402] : memref<1x80xi32, #tpu.memory_space<vmem>> -> memref<1x80xi32, #tpu.memory_space<vmem>>
      %dma_start3A_404 = tpu.memref_squeeze %dma_start3A_403 : memref<1x80xi32, #tpu.memory_space<vmem>> -> memref<80xi32, #tpu.memory_space<vmem>>
      %dma_start3A_405 = arith.constant 0 : i32
      %dma_start3A_406 = arith.constant 0 : i32
      %dma_start3A_407 = tpu.memref_slice %arg14[%dma_start3A_405, %dma_start3A_406] : memref<25089x72xf32, #tpu.memory_space<vmem_shared>> -> memref<25089x72xf32, #tpu.memory_space<vmem_shared>>
      tpu.enqueue_indirect_dma source(%dma_start3A_401 : memref<80x72xf32, #tpu.memory_space<vmem>>) target(%dma_start3A_407 : memref<25089x72xf32, #tpu.memory_space<vmem_shared>>) offsets(%dma_start3A_404 : memref<80xi32, #tpu.memory_space<vmem>>) semaphore(%run_scoped3A_398 : memref<!tpu.dma_semaphore, #tpu.memory_space<semaphore_mem>>) {add = true}
      %dma_wait3A_408 = arith.constant 0 : i32
      %dma_wait3A_409 = arith.constant 0 : i32
      %dma_wait3A_410 = tpu.memref_slice %arg10[%dma_wait3A_408, %dma_wait3A_409] : memref<96x72xf32, #tpu.memory_space<vmem>> -> memref<80x72xf32, #tpu.memory_space<vmem>>
      %dma_wait3A_411 = arith.constant 0 : i32
      %dma_wait3A_412 = tpu.memref_slice %arg9[%run_scoped3A, %dma_wait3A_411] : memref<1x80xi32, #tpu.memory_space<vmem>> -> memref<1x80xi32, #tpu.memory_space<vmem>>
      %dma_wait3A_413 = tpu.memref_squeeze %dma_wait3A_412 : memref<1x80xi32, #tpu.memory_space<vmem>> -> memref<80xi32, #tpu.memory_space<vmem>>
      %dma_wait3A_414 = arith.constant 0 : i32
      %dma_wait3A_415 = arith.constant 0 : i32
      %dma_wait3A_416 = tpu.memref_slice %arg14[%dma_wait3A_414, %dma_wait3A_415] : memref<25089x72xf32, #tpu.memory_space<vmem_shared>> -> memref<25089x72xf32, #tpu.memory_space<vmem_shared>>
      tpu.wait_indirect_dma semaphore(%run_scoped3A_398 : memref<!tpu.dma_semaphore, #tpu.memory_space<semaphore_mem>>) src(%dma_wait3A_410 : memref<80x72xf32, #tpu.memory_space<vmem>>) dst(%dma_wait3A_416 : memref<25089x72xf32, #tpu.memory_space<vmem_shared>>)
      tpu.yield
    }) : () -> ()
    %barrier3A_392 = arith.constant 0 : index
    tpu.barrier barrier_id(%barrier3A_392)
    %mul3A_393 = arith.constant 1568 : i32
    %mul3A_394 = arith.muli %arg1, %mul3A_393 : i32
    %mul3A_395 = arith.constant 1568 : i32
    %mul3A_396 = arith.muli %arg1, %mul3A_395 : i32
    %add3A_397 = arith.addi %mul3A_0, %mul3A_396 : i32
    "tpu.region"() ({
      %run_scoped3A_398 = tpu.sem_alloc : memref<!tpu.dma_semaphore, #tpu.memory_space<semaphore_mem>>
      %dma_start3A_399 = arith.constant 0 : i32
      %dma_start3A_400 = tpu.memref_slice %arg5[%add3A_397, %dma_start3A_399] : memref<50176x72xf32, #tpu.memory_space<hbm>> -> memref<1568x72xf32, #tpu.memory_space<hbm>>
      %dma_start3A_401 = arith.constant 0 : i32
      %dma_start3A_402 = tpu.memref_slice %arg14[%mul3A_394, %dma_start3A_401] : memref<25089x72xf32, #tpu.memory_space<vmem_shared>> -> memref<1568x72xf32, #tpu.memory_space<vmem_shared>>
      tpu.enqueue_dma source(%dma_start3A_402 : memref<1568x72xf32, #tpu.memory_space<vmem_shared>>) target(%dma_start3A_400 : memref<1568x72xf32, #tpu.memory_space<hbm>>) target_semaphore(%run_scoped3A_398 : memref<!tpu.dma_semaphore, #tpu.memory_space<semaphore_mem>>)
      %dma_wait3A_403 = arith.constant 0 : i32
      %dma_wait3A_404 = tpu.memref_slice %arg5[%add3A_397, %dma_wait3A_403] : memref<50176x72xf32, #tpu.memory_space<hbm>> -> memref<1568x72xf32, #tpu.memory_space<hbm>>
      %dma_wait3A_405 = arith.constant 0 : i32
      %dma_wait3A_406 = tpu.memref_slice %arg14[%mul3A_394, %dma_wait3A_405] : memref<25089x72xf32, #tpu.memory_space<vmem_shared>> -> memref<1568x72xf32, #tpu.memory_space<vmem_shared>>
      tpu.wait_dma2 semaphore(%run_scoped3A_398 : memref<!tpu.dma_semaphore, #tpu.memory_space<semaphore_mem>>) src(%dma_wait3A_406 : memref<1568x72xf32, #tpu.memory_space<vmem_shared>>) dst(%dma_wait3A_404 : memref<1568x72xf32, #tpu.memory_space<hbm>>)
      tpu.yield
    }) : () -> ()
    return
  }
}

module attributes {stable_mosaic.version = 14 : i64} {
  func.func @_node_kernel(%arg0: i32, %arg1: memref<512x72xf32, #tpu.memory_space<vmem>>, %arg2: memref<24x96xf32, #tpu.memory_space<vmem>>, %arg3: memref<96x24xf32, #tpu.memory_space<vmem>>, %arg4: memref<96x32xf32, #tpu.memory_space<vmem>>, %arg5: memref<24x8xf32, #tpu.memory_space<vmem>>, %arg6: memref<8x24xf32, #tpu.memory_space<vmem>>, %arg7: memref<48x48xf32, #tpu.memory_space<vmem>>, %arg8: memref<32x48xf32, #tpu.memory_space<vmem>>, %arg9: memref<1x48xf32, #tpu.memory_space<vmem>>, %arg10: memref<1x48xf32, #tpu.memory_space<vmem>>, %arg11: memref<1x48xf32, #tpu.memory_space<vmem>>, %arg12: memref<512x72xf32, #tpu.memory_space<vmem>>, %arg13: memref<1x1xf32, #tpu.memory_space<smem>>, %arg14: memref<1xf32, #tpu.memory_space<smem>>) attributes {dimension_semantics = [#tpu.dimension_semantics<arbitrary>], iteration_bounds = array<i64: 98>, scalar_prefetch = 0 : i64, scratch_operands = 1 : i64, tpu.core_type = #tpu.core_type<tc>, window_params = [{transform_indices = @transform_0, window_bounds = array<i64: 512, 72>}, {pipeline_mode = #tpu.pipeline_mode<synchronous>, transform_indices = @transform_1, window_bounds = array<i64: 24, 96>}, {pipeline_mode = #tpu.pipeline_mode<synchronous>, transform_indices = @transform_2, window_bounds = array<i64: 96, 24>}, {pipeline_mode = #tpu.pipeline_mode<synchronous>, transform_indices = @transform_3, window_bounds = array<i64: 96, 32>}, {pipeline_mode = #tpu.pipeline_mode<synchronous>, transform_indices = @transform_4, window_bounds = array<i64: 24, 8>}, {pipeline_mode = #tpu.pipeline_mode<synchronous>, transform_indices = @transform_5, window_bounds = array<i64: 8, 24>}, {pipeline_mode = #tpu.pipeline_mode<synchronous>, transform_indices = @transform_6, window_bounds = array<i64: 48, 48>}, {pipeline_mode = #tpu.pipeline_mode<synchronous>, transform_indices = @transform_7, window_bounds = array<i64: 32, 48>}, {pipeline_mode = #tpu.pipeline_mode<synchronous>, transform_indices = @transform_8, window_bounds = array<i64: 1, 48>}, {pipeline_mode = #tpu.pipeline_mode<synchronous>, transform_indices = @transform_9, window_bounds = array<i64: 1, 48>}, {pipeline_mode = #tpu.pipeline_mode<synchronous>, transform_indices = @transform_10, window_bounds = array<i64: 1, 48>}, {transform_indices = @transform_11, window_bounds = array<i64: 512, 72>}, {transform_indices = @transform_12, window_bounds = array<i64: 1, 1>}]} {
    %get3A = arith.constant 0 : index
    %get3A_0 = arith.constant 0 : index
    %get3A_1 = vector.load %arg1[%get3A, %get3A_0] : memref<512x72xf32, #tpu.memory_space<vmem>>, vector<512x72xf32>
    %slice3A = vector.extract_strided_slice %get3A_1 {offsets = [0, 0], sizes = [512, 48], strides = [1, 1]} : vector<512x72xf32> to vector<512x48xf32>
    %slice3A_2 = vector.extract_strided_slice %get3A_1 {offsets = [0, 48], sizes = [512, 24], strides = [1, 1]} : vector<512x72xf32> to vector<512x24xf32>
    %get3A_3 = arith.constant 0 : index
    %get3A_4 = arith.constant 0 : index
    %get3A_5 = vector.load %arg2[%get3A_3, %get3A_4] : memref<24x96xf32, #tpu.memory_space<vmem>>, vector<24x96xf32>
    %get3A_6 = arith.constant 0 : index
    %get3A_7 = arith.constant 0 : index
    %get3A_8 = vector.load %arg3[%get3A_6, %get3A_7] : memref<96x24xf32, #tpu.memory_space<vmem>>, vector<96x24xf32>
    %get3A_9 = arith.constant 0 : index
    %get3A_10 = arith.constant 0 : index
    %get3A_11 = vector.load %arg4[%get3A_9, %get3A_10] : memref<96x32xf32, #tpu.memory_space<vmem>>, vector<96x32xf32>
    %get3A_12 = arith.constant 0 : index
    %get3A_13 = arith.constant 0 : index
    %get3A_14 = vector.load %arg5[%get3A_12, %get3A_13] : memref<24x8xf32, #tpu.memory_space<vmem>>, vector<24x8xf32>
    %get3A_15 = arith.constant 0 : index
    %get3A_16 = arith.constant 0 : index
    %get3A_17 = vector.load %arg6[%get3A_15, %get3A_16] : memref<8x24xf32, #tpu.memory_space<vmem>>, vector<8x24xf32>
    %get3A_18 = arith.constant 0 : index
    %get3A_19 = arith.constant 0 : index
    %get3A_20 = vector.load %arg7[%get3A_18, %get3A_19] : memref<48x48xf32, #tpu.memory_space<vmem>>, vector<48x48xf32>
    %get3A_21 = arith.constant 0 : index
    %get3A_22 = arith.constant 0 : index
    %get3A_23 = vector.load %arg8[%get3A_21, %get3A_22] : memref<32x48xf32, #tpu.memory_space<vmem>>, vector<32x48xf32>
    %get3A_24 = arith.constant 0 : index
    %get3A_25 = arith.constant 0 : index
    %get3A_26 = vector.load %arg9[%get3A_24, %get3A_25] : memref<1x48xf32, #tpu.memory_space<vmem>>, vector<1x48xf32>
    %dot_general3A = arith.constant dense<0.000000e+00> : vector<512x96xf32>
    %dot_general3A_27 = tpu.matmul %slice3A_2, %get3A_5, %dot_general3A {dimension_numbers = #tpu.dot_dimension_numbers<[1], [0], [0], [1], [0, 0, 1, 1], [], []>, transpose_lhs_hint = false} : vector<512x24xf32>, vector<24x96xf32>, vector<512x96xf32> -> vector<512x96xf32>
    %dot_general3A_28 = arith.constant dense<0.000000e+00> : vector<512x24xf32>
    %dot_general3A_29 = tpu.matmul %dot_general3A_27, %get3A_8, %dot_general3A_28 {dimension_numbers = #tpu.dot_dimension_numbers<[1], [0], [0], [1], [0, 0, 1, 1], [], []>, transpose_lhs_hint = false} : vector<512x96xf32>, vector<96x24xf32>, vector<512x24xf32> -> vector<512x24xf32>
    %mul3A = arith.mulf %dot_general3A_27, %dot_general3A_27 : vector<512x96xf32>
    %dot_general3A_30 = arith.constant dense<0.000000e+00> : vector<512x32xf32>
    %dot_general3A_31 = tpu.matmul %mul3A, %get3A_11, %dot_general3A_30 {dimension_numbers = #tpu.dot_dimension_numbers<[1], [0], [0], [1], [0, 0, 1, 1], [], []>, transpose_lhs_hint = false} : vector<512x96xf32>, vector<96x32xf32>, vector<512x32xf32> -> vector<512x32xf32>
    %sqrt3A = math.sqrt %dot_general3A_31 : vector<512x32xf32>
    %mul3A_32 = arith.mulf %dot_general3A_29, %dot_general3A_29 : vector<512x24xf32>
    %dot_general3A_33 = arith.constant dense<0.000000e+00> : vector<512x8xf32>
    %dot_general3A_34 = tpu.matmul %mul3A_32, %get3A_14, %dot_general3A_33 {dimension_numbers = #tpu.dot_dimension_numbers<[1], [0], [0], [1], [0, 0, 1, 1], [], []>, transpose_lhs_hint = false} : vector<512x24xf32>, vector<24x8xf32>, vector<512x8xf32> -> vector<512x8xf32>
    %sqrt3A_35 = math.sqrt %dot_general3A_34 : vector<512x8xf32>
    %dot_general3A_36 = arith.constant dense<0.000000e+00> : vector<512x48xf32>
    %dot_general3A_37 = tpu.matmul %slice3A, %get3A_20, %dot_general3A_36 {dimension_numbers = #tpu.dot_dimension_numbers<[1], [0], [0], [1], [0, 0, 1, 1], [], []>, transpose_lhs_hint = false} : vector<512x48xf32>, vector<48x48xf32>, vector<512x48xf32> -> vector<512x48xf32>
    %dot_general3A_38 = arith.constant dense<0.000000e+00> : vector<512x48xf32>
    %dot_general3A_39 = tpu.matmul %sqrt3A, %get3A_23, %dot_general3A_38 {dimension_numbers = #tpu.dot_dimension_numbers<[1], [0], [0], [1], [0, 0, 1, 1], [], []>, transpose_lhs_hint = false} : vector<512x32xf32>, vector<32x48xf32>, vector<512x48xf32> -> vector<512x48xf32>
    %add3A = arith.addf %dot_general3A_37, %dot_general3A_39 : vector<512x48xf32>
    %add3A_40 = vector.broadcast %get3A_26 : vector<1x48xf32> to vector<512x48xf32>
    %add3A_41 = arith.addf %add3A, %add3A_40 : vector<512x48xf32>
    %max3A = arith.constant 0.000000e+00 : f32
    %max3A_42 = vector.broadcast %max3A : f32 to vector<512x48xf32>
    %max3A_43 = arith.maximumf %add3A_41, %max3A_42 : vector<512x48xf32>
    %max3A_44 = arith.constant 0.000000e+00 : f32
    %max3A_45 = vector.broadcast %max3A_44 : f32 to vector<512x8xf32>
    %max3A_46 = arith.maximumf %sqrt3A_35, %max3A_45 : vector<512x8xf32>
    %dot_general3A_47 = arith.constant dense<0.000000e+00> : vector<512x24xf32>
    %dot_general3A_48 = tpu.matmul %max3A_46, %get3A_17, %dot_general3A_47 {dimension_numbers = #tpu.dot_dimension_numbers<[1], [0], [0], [1], [0, 0, 1, 1], [], []>, transpose_lhs_hint = false} : vector<512x8xf32>, vector<8x24xf32>, vector<512x24xf32> -> vector<512x24xf32>
    %mul3A_49 = arith.mulf %dot_general3A_48, %dot_general3A_29 : vector<512x24xf32>
    %add3A_50 = arith.addf %max3A_43, %slice3A : vector<512x48xf32>
    %add3A_51 = arith.addf %mul3A_49, %slice3A_2 : vector<512x24xf32>
    %get3A_52 = arith.constant 0 : index
    %get3A_53 = arith.constant 0 : index
    %get3A_54 = vector.load %arg10[%get3A_52, %get3A_53] : memref<1x48xf32, #tpu.memory_space<vmem>>, vector<1x48xf32>
    %get3A_55 = arith.constant 0 : index
    %get3A_56 = arith.constant 0 : index
    %get3A_57 = vector.load %arg11[%get3A_55, %get3A_56] : memref<1x48xf32, #tpu.memory_space<vmem>>, vector<1x48xf32>
    %reduce_sum3A = arith.constant dense<0.000000e+00> : vector<512xf32>
    %reduce_sum3A_58 = vector.multi_reduction <add>, %add3A_50, %reduce_sum3A [1] : vector<512x48xf32> to vector<512xf32>
    %broadcast_in_dim3A = vector.shape_cast %reduce_sum3A_58 : vector<512xf32> to vector<512x1xf32>
    %div3A = arith.constant 4.800000e+01 : f32
    %div3A_59 = vector.broadcast %div3A : f32 to vector<512x1xf32>
    %div3A_60 = arith.divf %broadcast_in_dim3A, %div3A_59 : vector<512x1xf32>
    %sub3A = vector.broadcast %div3A_60 : vector<512x1xf32> to vector<512x48xf32>
    %sub3A_61 = arith.subf %add3A_50, %sub3A : vector<512x48xf32>
    %integer_pow3A = arith.mulf %sub3A_61, %sub3A_61 : vector<512x48xf32>
    %reduce_sum3A_62 = arith.constant dense<0.000000e+00> : vector<512xf32>
    %reduce_sum3A_63 = vector.multi_reduction <add>, %integer_pow3A, %reduce_sum3A_62 [1] : vector<512x48xf32> to vector<512xf32>
    %broadcast_in_dim3A_64 = vector.shape_cast %reduce_sum3A_63 : vector<512xf32> to vector<512x1xf32>
    %div3A_65 = arith.constant 4.800000e+01 : f32
    %div3A_66 = vector.broadcast %div3A_65 : f32 to vector<512x1xf32>
    %div3A_67 = arith.divf %broadcast_in_dim3A_64, %div3A_66 : vector<512x1xf32>
    %sub3A_68 = vector.broadcast %div3A_60 : vector<512x1xf32> to vector<512x48xf32>
    %sub3A_69 = arith.subf %add3A_50, %sub3A_68 : vector<512x48xf32>
    %add3A_70 = arith.constant 9.99999974E-6 : f32
    %add3A_71 = vector.broadcast %add3A_70 : f32 to vector<512x1xf32>
    %add3A_72 = arith.addf %div3A_67, %add3A_71 : vector<512x1xf32>
    %sqrt3A_73 = math.sqrt %add3A_72 : vector<512x1xf32>
    %div3A_74 = vector.broadcast %sqrt3A_73 : vector<512x1xf32> to vector<512x48xf32>
    %div3A_75 = arith.divf %sub3A_69, %div3A_74 : vector<512x48xf32>
    %mul3A_76 = vector.broadcast %get3A_54 : vector<1x48xf32> to vector<512x48xf32>
    %mul3A_77 = arith.mulf %div3A_75, %mul3A_76 : vector<512x48xf32>
    %add3A_78 = vector.broadcast %get3A_57 : vector<1x48xf32> to vector<512x48xf32>
    %add3A_79 = arith.addf %mul3A_77, %add3A_78 : vector<512x48xf32>
    %mul3A_80 = arith.constant 512 : i32
    %mul3A_81 = arith.muli %arg0, %mul3A_80 : i32
    %iota3A = tpu.iota {dimensions = array<i32: 0>} : vector<512x1xi32>
    %add3A_82 = vector.broadcast %mul3A_81 : i32 to vector<512x1xi32>
    %add3A_83 = arith.addi %add3A_82, %iota3A : vector<512x1xi32>
    %lt3A = arith.constant 50000 : i32
    %lt3A_84 = vector.broadcast %lt3A : i32 to vector<512x1xi32>
    %lt3A_85 = arith.cmpi slt, %add3A_83, %lt3A_84 : vector<512x1xi32>
    %jit3A = arith.constant 0.000000e+00 : f32
    %broadcast_in_dim3A_86 = vector.shape_cast %lt3A_85 : vector<512x1xi1> to vector<512x1xi1>
    %broadcast_in_dim3A_87 = vector.broadcast %broadcast_in_dim3A_86 : vector<512x1xi1> to vector<512x48xi1>
    %broadcast_in_dim3A_88 = vector.broadcast %jit3A : f32 to vector<512x48xf32>
    %select_n3A = arith.select %broadcast_in_dim3A_87, %add3A_79, %broadcast_in_dim3A_88 : vector<512x48xi1>, vector<512x48xf32>
    %jit3A_89 = arith.constant 0.000000e+00 : f32
    %broadcast_in_dim3A_90 = vector.shape_cast %lt3A_85 : vector<512x1xi1> to vector<512x1xi1>
    %broadcast_in_dim3A_91 = vector.broadcast %broadcast_in_dim3A_90 : vector<512x1xi1> to vector<512x24xi1>
    %broadcast_in_dim3A_92 = vector.broadcast %jit3A_89 : f32 to vector<512x24xf32>
    %select_n3A_93 = arith.select %broadcast_in_dim3A_91, %add3A_51, %broadcast_in_dim3A_92 : vector<512x24xi1>, vector<512x24xf32>
    %concatenate3A = tpu.concatenate %select_n3A, %select_n3A_93 in 1 : vector<512x48xf32>, vector<512x24xf32> -> vector<512x72xf32>
    %swap3A = arith.constant 0 : index
    %swap3A_94 = arith.constant 0 : index
    %swap3A_95 = vector.load %arg12[%swap3A, %swap3A_94] : memref<512x72xf32, #tpu.memory_space<vmem>>, vector<512x72xf32>
    tpu.vector_store %arg12[%swap3A, %swap3A_94], %concatenate3A {strides = array<i32>} : memref<512x72xf32, #tpu.memory_space<vmem>>, vector<512x72xf32>,
    %eq3A = arith.constant 0 : i32
    %eq3A_96 = arith.cmpi eq, %arg0, %eq3A : i32
    %convert_element_type3A = arith.extui %eq3A_96 : i1 to i32
    %cond3A = arith.constant 0 : i32
    %cond3A_97 = arith.cmpi ne, %convert_element_type3A, %cond3A : i32
    scf.if %cond3A_97 {
      %swap3A_114 = arith.constant 0.000000e+00 : f32
      %swap3A_115 = arith.constant 0 : index
      %swap3A_116 = memref.load %arg14[%swap3A_115] : memref<1xf32, #tpu.memory_space<smem>>
      memref.store %swap3A_114, %arg14[%swap3A_115] : memref<1xf32, #tpu.memory_space<smem>>
    } else {
    }
    %get3A_98 = arith.constant 0 : index
    %get3A_99 = memref.load %arg14[%get3A_98] : memref<1xf32, #tpu.memory_space<smem>>
    %mul3A_100 = arith.mulf %select_n3A_93, %select_n3A_93 : vector<512x24xf32>
    %reduce_sum3A_101 = vector.shape_cast %mul3A_100 : vector<512x24xf32> to vector<1x512x24xf32>
    %reduce_sum3A_102 = arith.constant dense<0.000000e+00> : vector<1xf32>
    %reduce_sum3A_103 = vector.multi_reduction <add>, %reduce_sum3A_101, %reduce_sum3A_102 [1, 2] : vector<1x512x24xf32> to vector<1xf32>
    %reduce_sum3A_104 = vector.shape_cast %reduce_sum3A_103 : vector<1xf32> to vector<1x1x1xf32>
    %reduce_sum3A_105 = vector.extract %reduce_sum3A_104[0, 0, 0] : f32 from vector<1x1x1xf32>
    %add3A_106 = arith.addf %get3A_99, %reduce_sum3A_105 : f32
    %swap3A_107 = arith.constant 0 : index
    %swap3A_108 = memref.load %arg14[%swap3A_107] : memref<1xf32, #tpu.memory_space<smem>>
    memref.store %add3A_106, %arg14[%swap3A_107] : memref<1xf32, #tpu.memory_space<smem>>
    %eq3A_109 = arith.constant 97 : i32
    %eq3A_110 = arith.cmpi eq, %arg0, %eq3A_109 : i32
    %convert_element_type3A_111 = arith.extui %eq3A_110 : i1 to i32
    %cond3A_112 = arith.constant 0 : i32
    %cond3A_113 = arith.cmpi ne, %convert_element_type3A_111, %cond3A_112 : i32
    scf.if %cond3A_113 {
      %get3A_114 = arith.constant 0 : index
      %get3A_115 = memref.load %arg14[%get3A_114] : memref<1xf32, #tpu.memory_space<smem>>
      %swap3A_116 = arith.constant 0 : index
      %swap3A_117 = arith.constant 0 : index
      %swap3A_118 = memref.load %arg13[%swap3A_116, %swap3A_117] : memref<1x1xf32, #tpu.memory_space<smem>>
      memref.store %get3A_115, %arg13[%swap3A_116, %swap3A_117] : memref<1x1xf32, #tpu.memory_space<smem>>
    } else {
    }
    return
  }
  func.func @transform_0(%arg0: i32) -> (i32, i32) {
    %c0_i32 = arith.constant 0 : i32
    %c0_i32_0 = arith.constant 0 : i32
    return %arg0, %c0_i32 : i32, i32
  }
  func.func @transform_1(%arg0: i32) -> (i32, i32) {
    %c0_i32 = arith.constant 0 : i32
    %c0_i32_0 = arith.constant 0 : i32
    %c0_i32_1 = arith.constant 0 : i32
    return %c0_i32, %c0_i32_0 : i32, i32
  }
  func.func @transform_2(%arg0: i32) -> (i32, i32) {
    %c0_i32 = arith.constant 0 : i32
    %c0_i32_0 = arith.constant 0 : i32
    %c0_i32_1 = arith.constant 0 : i32
    return %c0_i32, %c0_i32_0 : i32, i32
  }
  func.func @transform_3(%arg0: i32) -> (i32, i32) {
    %c0_i32 = arith.constant 0 : i32
    %c0_i32_0 = arith.constant 0 : i32
    %c0_i32_1 = arith.constant 0 : i32
    return %c0_i32, %c0_i32_0 : i32, i32
  }
  func.func @transform_4(%arg0: i32) -> (i32, i32) {
    %c0_i32 = arith.constant 0 : i32
    %c0_i32_0 = arith.constant 0 : i32
    %c0_i32_1 = arith.constant 0 : i32
    return %c0_i32, %c0_i32_0 : i32, i32
  }
  func.func @transform_5(%arg0: i32) -> (i32, i32) {
    %c0_i32 = arith.constant 0 : i32
    %c0_i32_0 = arith.constant 0 : i32
    %c0_i32_1 = arith.constant 0 : i32
    return %c0_i32, %c0_i32_0 : i32, i32
  }
  func.func @transform_6(%arg0: i32) -> (i32, i32) {
    %c0_i32 = arith.constant 0 : i32
    %c0_i32_0 = arith.constant 0 : i32
    %c0_i32_1 = arith.constant 0 : i32
    return %c0_i32, %c0_i32_0 : i32, i32
  }
  func.func @transform_7(%arg0: i32) -> (i32, i32) {
    %c0_i32 = arith.constant 0 : i32
    %c0_i32_0 = arith.constant 0 : i32
    %c0_i32_1 = arith.constant 0 : i32
    return %c0_i32, %c0_i32_0 : i32, i32
  }
  func.func @transform_8(%arg0: i32) -> (i32, i32) {
    %c0_i32 = arith.constant 0 : i32
    %c0_i32_0 = arith.constant 0 : i32
    %c0_i32_1 = arith.constant 0 : i32
    return %c0_i32, %c0_i32_0 : i32, i32
  }
  func.func @transform_9(%arg0: i32) -> (i32, i32) {
    %c0_i32 = arith.constant 0 : i32
    %c0_i32_0 = arith.constant 0 : i32
    %c0_i32_1 = arith.constant 0 : i32
    return %c0_i32, %c0_i32_0 : i32, i32
  }
  func.func @transform_10(%arg0: i32) -> (i32, i32) {
    %c0_i32 = arith.constant 0 : i32
    %c0_i32_0 = arith.constant 0 : i32
    %c0_i32_1 = arith.constant 0 : i32
    return %c0_i32, %c0_i32_0 : i32, i32
  }
  func.func @transform_11(%arg0: i32) -> (i32, i32) {
    %c0_i32 = arith.constant 0 : i32
    %c0_i32_0 = arith.constant 0 : i32
    return %arg0, %c0_i32 : i32, i32
  }
  func.func @transform_12(%arg0: i32) -> (i32, i32) {
    %c0_i32 = arith.constant 0 : i32
    %c0_i32_0 = arith.constant 0 : i32
    %c0_i32_1 = arith.constant 0 : i32
    return %c0_i32, %c0_i32_0 : i32, i32
  }
}

module attributes {stable_mosaic.version = 14 : i64} {
  func.func @_edge_kernel(%arg0: i32, %arg1: memref<1600x72xf32, #tpu.memory_space<vmem>>, %arg2: memref<1600x28xf32, #tpu.memory_space<vmem>>, %arg3: memref<24x96xf32, #tpu.memory_space<vmem>>, %arg4: memref<12x96xf32, #tpu.memory_space<vmem>>, %arg5: memref<96x24xf32, #tpu.memory_space<vmem>>, %arg6: memref<96x32xf32, #tpu.memory_space<vmem>>, %arg7: memref<24x8xf32, #tpu.memory_space<vmem>>, %arg8: memref<8x24xf32, #tpu.memory_space<vmem>>, %arg9: memref<48x48xf32, #tpu.memory_space<vmem>>, %arg10: memref<16x48xf32, #tpu.memory_space<vmem>>, %arg11: memref<32x48xf32, #tpu.memory_space<vmem>>, %arg12: memref<1x48xf32, #tpu.memory_space<vmem>>, %arg13: memref<24x96xf32, #tpu.memory_space<vmem>>, %arg14: memref<12x96xf32, #tpu.memory_space<vmem>>, %arg15: memref<96x12xf32, #tpu.memory_space<vmem>>, %arg16: memref<96x32xf32, #tpu.memory_space<vmem>>, %arg17: memref<12x4xf32, #tpu.memory_space<vmem>>, %arg18: memref<4x12xf32, #tpu.memory_space<vmem>>, %arg19: memref<48x16xf32, #tpu.memory_space<vmem>>, %arg20: memref<16x16xf32, #tpu.memory_space<vmem>>, %arg21: memref<32x16xf32, #tpu.memory_space<vmem>>, %arg22: memref<1x16xf32, #tpu.memory_space<vmem>>, %arg23: memref<1600x72xf32, #tpu.memory_space<vmem>>, %arg24: memref<1600x28xf32, #tpu.memory_space<vmem>>) attributes {dimension_semantics = [#tpu.dimension_semantics<arbitrary>], iteration_bounds = array<i64: 500>, scalar_prefetch = 0 : i64, scratch_operands = 0 : i64, tpu.core_type = #tpu.core_type<tc>, window_params = [{transform_indices = @transform_0, window_bounds = array<i64: 1600, 72>}, {transform_indices = @transform_1, window_bounds = array<i64: 1600, 28>}, {pipeline_mode = #tpu.pipeline_mode<synchronous>, transform_indices = @transform_2, window_bounds = array<i64: 24, 96>}, {pipeline_mode = #tpu.pipeline_mode<synchronous>, transform_indices = @transform_3, window_bounds = array<i64: 12, 96>}, {pipeline_mode = #tpu.pipeline_mode<synchronous>, transform_indices = @transform_4, window_bounds = array<i64: 96, 24>}, {pipeline_mode = #tpu.pipeline_mode<synchronous>, transform_indices = @transform_5, window_bounds = array<i64: 96, 32>}, {pipeline_mode = #tpu.pipeline_mode<synchronous>, transform_indices = @transform_6, window_bounds = array<i64: 24, 8>}, {pipeline_mode = #tpu.pipeline_mode<synchronous>, transform_indices = @transform_7, window_bounds = array<i64: 8, 24>}, {pipeline_mode = #tpu.pipeline_mode<synchronous>, transform_indices = @transform_8, window_bounds = array<i64: 48, 48>}, {pipeline_mode = #tpu.pipeline_mode<synchronous>, transform_indices = @transform_9, window_bounds = array<i64: 16, 48>}, {pipeline_mode = #tpu.pipeline_mode<synchronous>, transform_indices = @transform_10, window_bounds = array<i64: 32, 48>}, {pipeline_mode = #tpu.pipeline_mode<synchronous>, transform_indices = @transform_11, window_bounds = array<i64: 1, 48>}, {pipeline_mode = #tpu.pipeline_mode<synchronous>, transform_indices = @transform_12, window_bounds = array<i64: 24, 96>}, {pipeline_mode = #tpu.pipeline_mode<synchronous>, transform_indices = @transform_13, window_bounds = array<i64: 12, 96>}, {pipeline_mode = #tpu.pipeline_mode<synchronous>, transform_indices = @transform_14, window_bounds = array<i64: 96, 12>}, {pipeline_mode = #tpu.pipeline_mode<synchronous>, transform_indices = @transform_15, window_bounds = array<i64: 96, 32>}, {pipeline_mode = #tpu.pipeline_mode<synchronous>, transform_indices = @transform_16, window_bounds = array<i64: 12, 4>}, {pipeline_mode = #tpu.pipeline_mode<synchronous>, transform_indices = @transform_17, window_bounds = array<i64: 4, 12>}, {pipeline_mode = #tpu.pipeline_mode<synchronous>, transform_indices = @transform_18, window_bounds = array<i64: 48, 16>}, {pipeline_mode = #tpu.pipeline_mode<synchronous>, transform_indices = @transform_19, window_bounds = array<i64: 16, 16>}, {pipeline_mode = #tpu.pipeline_mode<synchronous>, transform_indices = @transform_20, window_bounds = array<i64: 32, 16>}, {pipeline_mode = #tpu.pipeline_mode<synchronous>, transform_indices = @transform_21, window_bounds = array<i64: 1, 16>}, {transform_indices = @transform_22, window_bounds = array<i64: 1600, 72>}, {transform_indices = @transform_23, window_bounds = array<i64: 1600, 28>}]} {
    %get3A = arith.constant 0 : index
    %get3A_0 = arith.constant 0 : index
    %get3A_1 = vector.load %arg1[%get3A, %get3A_0] : memref<1600x72xf32, #tpu.memory_space<vmem>>, vector<1600x72xf32>
    %get3A_2 = arith.constant 0 : index
    %get3A_3 = arith.constant 0 : index
    %get3A_4 = vector.load %arg2[%get3A_2, %get3A_3] : memref<1600x28xf32, #tpu.memory_space<vmem>>, vector<1600x28xf32>
    %slice3A = vector.extract_strided_slice %get3A_1 {offsets = [0, 0], sizes = [1600, 48], strides = [1, 1]} : vector<1600x72xf32> to vector<1600x48xf32>
    %slice3A_5 = vector.extract_strided_slice %get3A_1 {offsets = [0, 48], sizes = [1600, 24], strides = [1, 1]} : vector<1600x72xf32> to vector<1600x24xf32>
    %slice3A_6 = vector.extract_strided_slice %get3A_4 {offsets = [0, 0], sizes = [1600, 16], strides = [1, 1]} : vector<1600x28xf32> to vector<1600x16xf32>
    %slice3A_7 = vector.extract_strided_slice %get3A_4 {offsets = [0, 16], sizes = [1600, 12], strides = [1, 1]} : vector<1600x28xf32> to vector<1600x12xf32>
    %get3A_8 = arith.constant 0 : index
    %get3A_9 = arith.constant 0 : index
    %get3A_10 = vector.load %arg3[%get3A_8, %get3A_9] : memref<24x96xf32, #tpu.memory_space<vmem>>, vector<24x96xf32>
    %get3A_11 = arith.constant 0 : index
    %get3A_12 = arith.constant 0 : index
    %get3A_13 = vector.load %arg4[%get3A_11, %get3A_12] : memref<12x96xf32, #tpu.memory_space<vmem>>, vector<12x96xf32>
    %get3A_14 = arith.constant 0 : index
    %get3A_15 = arith.constant 0 : index
    %get3A_16 = vector.load %arg5[%get3A_14, %get3A_15] : memref<96x24xf32, #tpu.memory_space<vmem>>, vector<96x24xf32>
    %get3A_17 = arith.constant 0 : index
    %get3A_18 = arith.constant 0 : index
    %get3A_19 = vector.load %arg6[%get3A_17, %get3A_18] : memref<96x32xf32, #tpu.memory_space<vmem>>, vector<96x32xf32>
    %get3A_20 = arith.constant 0 : index
    %get3A_21 = arith.constant 0 : index
    %get3A_22 = vector.load %arg7[%get3A_20, %get3A_21] : memref<24x8xf32, #tpu.memory_space<vmem>>, vector<24x8xf32>
    %get3A_23 = arith.constant 0 : index
    %get3A_24 = arith.constant 0 : index
    %get3A_25 = vector.load %arg8[%get3A_23, %get3A_24] : memref<8x24xf32, #tpu.memory_space<vmem>>, vector<8x24xf32>
    %get3A_26 = arith.constant 0 : index
    %get3A_27 = arith.constant 0 : index
    %get3A_28 = vector.load %arg9[%get3A_26, %get3A_27] : memref<48x48xf32, #tpu.memory_space<vmem>>, vector<48x48xf32>
    %get3A_29 = arith.constant 0 : index
    %get3A_30 = arith.constant 0 : index
    %get3A_31 = vector.load %arg10[%get3A_29, %get3A_30] : memref<16x48xf32, #tpu.memory_space<vmem>>, vector<16x48xf32>
    %get3A_32 = arith.constant 0 : index
    %get3A_33 = arith.constant 0 : index
    %get3A_34 = vector.load %arg11[%get3A_32, %get3A_33] : memref<32x48xf32, #tpu.memory_space<vmem>>, vector<32x48xf32>
    %get3A_35 = arith.constant 0 : index
    %get3A_36 = arith.constant 0 : index
    %get3A_37 = vector.load %arg12[%get3A_35, %get3A_36] : memref<1x48xf32, #tpu.memory_space<vmem>>, vector<1x48xf32>
    %dot_general3A = arith.constant dense<0.000000e+00> : vector<1600x96xf32>
    %dot_general3A_38 = tpu.matmul %slice3A_5, %get3A_10, %dot_general3A {dimension_numbers = #tpu.dot_dimension_numbers<[1], [0], [0], [1], [0, 0, 1, 1], [], []>, transpose_lhs_hint = false} : vector<1600x24xf32>, vector<24x96xf32>, vector<1600x96xf32> -> vector<1600x96xf32>
    %dot_general3A_39 = arith.constant dense<0.000000e+00> : vector<1600x96xf32>
    %dot_general3A_40 = tpu.matmul %slice3A_7, %get3A_13, %dot_general3A_39 {dimension_numbers = #tpu.dot_dimension_numbers<[1], [0], [0], [1], [0, 0, 1, 1], [], []>, transpose_lhs_hint = false} : vector<1600x12xf32>, vector<12x96xf32>, vector<1600x96xf32> -> vector<1600x96xf32>
    %add3A = arith.addf %dot_general3A_38, %dot_general3A_40 : vector<1600x96xf32>
    %dot_general3A_41 = arith.constant dense<0.000000e+00> : vector<1600x24xf32>
    %dot_general3A_42 = tpu.matmul %add3A, %get3A_16, %dot_general3A_41 {dimension_numbers = #tpu.dot_dimension_numbers<[1], [0], [0], [1], [0, 0, 1, 1], [], []>, transpose_lhs_hint = false} : vector<1600x96xf32>, vector<96x24xf32>, vector<1600x24xf32> -> vector<1600x24xf32>
    %mul3A = arith.mulf %add3A, %add3A : vector<1600x96xf32>
    %dot_general3A_43 = arith.constant dense<0.000000e+00> : vector<1600x32xf32>
    %dot_general3A_44 = tpu.matmul %mul3A, %get3A_19, %dot_general3A_43 {dimension_numbers = #tpu.dot_dimension_numbers<[1], [0], [0], [1], [0, 0, 1, 1], [], []>, transpose_lhs_hint = false} : vector<1600x96xf32>, vector<96x32xf32>, vector<1600x32xf32> -> vector<1600x32xf32>
    %add3A_45 = arith.constant 1.000000e-30 : f32
    %add3A_46 = vector.broadcast %add3A_45 : f32 to vector<1600x32xf32>
    %add3A_47 = arith.addf %dot_general3A_44, %add3A_46 : vector<1600x32xf32>
    %rsqrt3A = math.rsqrt %add3A_47 : vector<1600x32xf32>
    %mul3A_48 = arith.mulf %dot_general3A_44, %rsqrt3A : vector<1600x32xf32>
    %mul3A_49 = arith.mulf %dot_general3A_42, %dot_general3A_42 : vector<1600x24xf32>
    %dot_general3A_50 = arith.constant dense<0.000000e+00> : vector<1600x8xf32>
    %dot_general3A_51 = tpu.matmul %mul3A_49, %get3A_22, %dot_general3A_50 {dimension_numbers = #tpu.dot_dimension_numbers<[1], [0], [0], [1], [0, 0, 1, 1], [], []>, transpose_lhs_hint = false} : vector<1600x24xf32>, vector<24x8xf32>, vector<1600x8xf32> -> vector<1600x8xf32>
    %add3A_52 = arith.constant 1.000000e-30 : f32
    %add3A_53 = vector.broadcast %add3A_52 : f32 to vector<1600x8xf32>
    %add3A_54 = arith.addf %dot_general3A_51, %add3A_53 : vector<1600x8xf32>
    %rsqrt3A_55 = math.rsqrt %add3A_54 : vector<1600x8xf32>
    %mul3A_56 = arith.mulf %dot_general3A_51, %rsqrt3A_55 : vector<1600x8xf32>
    %dot_general3A_57 = arith.constant dense<0.000000e+00> : vector<1600x48xf32>
    %dot_general3A_58 = tpu.matmul %slice3A, %get3A_28, %dot_general3A_57 {dimension_numbers = #tpu.dot_dimension_numbers<[1], [0], [0], [1], [0, 0, 1, 1], [], []>, transpose_lhs_hint = false} : vector<1600x48xf32>, vector<48x48xf32>, vector<1600x48xf32> -> vector<1600x48xf32>
    %dot_general3A_59 = arith.constant dense<0.000000e+00> : vector<1600x48xf32>
    %dot_general3A_60 = tpu.matmul %slice3A_6, %get3A_31, %dot_general3A_59 {dimension_numbers = #tpu.dot_dimension_numbers<[1], [0], [0], [1], [0, 0, 1, 1], [], []>, transpose_lhs_hint = false} : vector<1600x16xf32>, vector<16x48xf32>, vector<1600x48xf32> -> vector<1600x48xf32>
    %add3A_61 = arith.addf %dot_general3A_58, %dot_general3A_60 : vector<1600x48xf32>
    %dot_general3A_62 = arith.constant dense<0.000000e+00> : vector<1600x48xf32>
    %dot_general3A_63 = tpu.matmul %mul3A_48, %get3A_34, %dot_general3A_62 {dimension_numbers = #tpu.dot_dimension_numbers<[1], [0], [0], [1], [0, 0, 1, 1], [], []>, transpose_lhs_hint = false} : vector<1600x32xf32>, vector<32x48xf32>, vector<1600x48xf32> -> vector<1600x48xf32>
    %add3A_64 = arith.addf %add3A_61, %dot_general3A_63 : vector<1600x48xf32>
    %add3A_65 = vector.broadcast %get3A_37 : vector<1x48xf32> to vector<1600x48xf32>
    %add3A_66 = arith.addf %add3A_64, %add3A_65 : vector<1600x48xf32>
    %max3A = arith.constant 0.000000e+00 : f32
    %max3A_67 = vector.broadcast %max3A : f32 to vector<1600x48xf32>
    %max3A_68 = arith.maximumf %add3A_66, %max3A_67 : vector<1600x48xf32>
    %max3A_69 = arith.constant 0.000000e+00 : f32
    %max3A_70 = vector.broadcast %max3A_69 : f32 to vector<1600x8xf32>
    %max3A_71 = arith.maximumf %mul3A_56, %max3A_70 : vector<1600x8xf32>
    %dot_general3A_72 = arith.constant dense<0.000000e+00> : vector<1600x24xf32>
    %dot_general3A_73 = tpu.matmul %max3A_71, %get3A_25, %dot_general3A_72 {dimension_numbers = #tpu.dot_dimension_numbers<[1], [0], [0], [1], [0, 0, 1, 1], [], []>, transpose_lhs_hint = false} : vector<1600x8xf32>, vector<8x24xf32>, vector<1600x24xf32> -> vector<1600x24xf32>
    %mul3A_74 = arith.mulf %dot_general3A_73, %dot_general3A_42 : vector<1600x24xf32>
    %concatenate3A = tpu.concatenate %max3A_68, %mul3A_74 in 1 : vector<1600x48xf32>, vector<1600x24xf32> -> vector<1600x72xf32>
    %swap3A = arith.constant 0 : index
    %swap3A_75 = arith.constant 0 : index
    %swap3A_76 = vector.load %arg23[%swap3A, %swap3A_75] : memref<1600x72xf32, #tpu.memory_space<vmem>>, vector<1600x72xf32>
    tpu.vector_store %arg23[%swap3A, %swap3A_75], %concatenate3A {strides = array<i32>} : memref<1600x72xf32, #tpu.memory_space<vmem>>, vector<1600x72xf32>,
    %get3A_77 = arith.constant 0 : index
    %get3A_78 = arith.constant 0 : index
    %get3A_79 = vector.load %arg13[%get3A_77, %get3A_78] : memref<24x96xf32, #tpu.memory_space<vmem>>, vector<24x96xf32>
    %get3A_80 = arith.constant 0 : index
    %get3A_81 = arith.constant 0 : index
    %get3A_82 = vector.load %arg14[%get3A_80, %get3A_81] : memref<12x96xf32, #tpu.memory_space<vmem>>, vector<12x96xf32>
    %get3A_83 = arith.constant 0 : index
    %get3A_84 = arith.constant 0 : index
    %get3A_85 = vector.load %arg15[%get3A_83, %get3A_84] : memref<96x12xf32, #tpu.memory_space<vmem>>, vector<96x12xf32>
    %get3A_86 = arith.constant 0 : index
    %get3A_87 = arith.constant 0 : index
    %get3A_88 = vector.load %arg16[%get3A_86, %get3A_87] : memref<96x32xf32, #tpu.memory_space<vmem>>, vector<96x32xf32>
    %get3A_89 = arith.constant 0 : index
    %get3A_90 = arith.constant 0 : index
    %get3A_91 = vector.load %arg17[%get3A_89, %get3A_90] : memref<12x4xf32, #tpu.memory_space<vmem>>, vector<12x4xf32>
    %get3A_92 = arith.constant 0 : index
    %get3A_93 = arith.constant 0 : index
    %get3A_94 = vector.load %arg18[%get3A_92, %get3A_93] : memref<4x12xf32, #tpu.memory_space<vmem>>, vector<4x12xf32>
    %get3A_95 = arith.constant 0 : index
    %get3A_96 = arith.constant 0 : index
    %get3A_97 = vector.load %arg19[%get3A_95, %get3A_96] : memref<48x16xf32, #tpu.memory_space<vmem>>, vector<48x16xf32>
    %get3A_98 = arith.constant 0 : index
    %get3A_99 = arith.constant 0 : index
    %get3A_100 = vector.load %arg20[%get3A_98, %get3A_99] : memref<16x16xf32, #tpu.memory_space<vmem>>, vector<16x16xf32>
    %get3A_101 = arith.constant 0 : index
    %get3A_102 = arith.constant 0 : index
    %get3A_103 = vector.load %arg21[%get3A_101, %get3A_102] : memref<32x16xf32, #tpu.memory_space<vmem>>, vector<32x16xf32>
    %get3A_104 = arith.constant 0 : index
    %get3A_105 = arith.constant 0 : index
    %get3A_106 = vector.load %arg22[%get3A_104, %get3A_105] : memref<1x16xf32, #tpu.memory_space<vmem>>, vector<1x16xf32>
    %dot_general3A_107 = arith.constant dense<0.000000e+00> : vector<1600x96xf32>
    %dot_general3A_108 = tpu.matmul %slice3A_5, %get3A_79, %dot_general3A_107 {dimension_numbers = #tpu.dot_dimension_numbers<[1], [0], [0], [1], [0, 0, 1, 1], [], []>, transpose_lhs_hint = false} : vector<1600x24xf32>, vector<24x96xf32>, vector<1600x96xf32> -> vector<1600x96xf32>
    %dot_general3A_109 = arith.constant dense<0.000000e+00> : vector<1600x96xf32>
    %dot_general3A_110 = tpu.matmul %slice3A_7, %get3A_82, %dot_general3A_109 {dimension_numbers = #tpu.dot_dimension_numbers<[1], [0], [0], [1], [0, 0, 1, 1], [], []>, transpose_lhs_hint = false} : vector<1600x12xf32>, vector<12x96xf32>, vector<1600x96xf32> -> vector<1600x96xf32>
    %add3A_111 = arith.addf %dot_general3A_108, %dot_general3A_110 : vector<1600x96xf32>
    %dot_general3A_112 = arith.constant dense<0.000000e+00> : vector<1600x12xf32>
    %dot_general3A_113 = tpu.matmul %add3A_111, %get3A_85, %dot_general3A_112 {dimension_numbers = #tpu.dot_dimension_numbers<[1], [0], [0], [1], [0, 0, 1, 1], [], []>, transpose_lhs_hint = false} : vector<1600x96xf32>, vector<96x12xf32>, vector<1600x12xf32> -> vector<1600x12xf32>
    %mul3A_114 = arith.mulf %add3A_111, %add3A_111 : vector<1600x96xf32>
    %dot_general3A_115 = arith.constant dense<0.000000e+00> : vector<1600x32xf32>
    %dot_general3A_116 = tpu.matmul %mul3A_114, %get3A_88, %dot_general3A_115 {dimension_numbers = #tpu.dot_dimension_numbers<[1], [0], [0], [1], [0, 0, 1, 1], [], []>, transpose_lhs_hint = false} : vector<1600x96xf32>, vector<96x32xf32>, vector<1600x32xf32> -> vector<1600x32xf32>
    %add3A_117 = arith.constant 1.000000e-30 : f32
    %add3A_118 = vector.broadcast %add3A_117 : f32 to vector<1600x32xf32>
    %add3A_119 = arith.addf %dot_general3A_116, %add3A_118 : vector<1600x32xf32>
    %rsqrt3A_120 = math.rsqrt %add3A_119 : vector<1600x32xf32>
    %mul3A_121 = arith.mulf %dot_general3A_116, %rsqrt3A_120 : vector<1600x32xf32>
    %mul3A_122 = arith.mulf %dot_general3A_113, %dot_general3A_113 : vector<1600x12xf32>
    %dot_general3A_123 = arith.constant dense<0.000000e+00> : vector<1600x4xf32>
    %dot_general3A_124 = tpu.matmul %mul3A_122, %get3A_91, %dot_general3A_123 {dimension_numbers = #tpu.dot_dimension_numbers<[1], [0], [0], [1], [0, 0, 1, 1], [], []>, transpose_lhs_hint = false} : vector<1600x12xf32>, vector<12x4xf32>, vector<1600x4xf32> -> vector<1600x4xf32>
    %add3A_125 = arith.constant 1.000000e-30 : f32
    %add3A_126 = vector.broadcast %add3A_125 : f32 to vector<1600x4xf32>
    %add3A_127 = arith.addf %dot_general3A_124, %add3A_126 : vector<1600x4xf32>
    %rsqrt3A_128 = math.rsqrt %add3A_127 : vector<1600x4xf32>
    %mul3A_129 = arith.mulf %dot_general3A_124, %rsqrt3A_128 : vector<1600x4xf32>
    %dot_general3A_130 = arith.constant dense<0.000000e+00> : vector<1600x16xf32>
    %dot_general3A_131 = tpu.matmul %slice3A, %get3A_97, %dot_general3A_130 {dimension_numbers = #tpu.dot_dimension_numbers<[1], [0], [0], [1], [0, 0, 1, 1], [], []>, transpose_lhs_hint = false} : vector<1600x48xf32>, vector<48x16xf32>, vector<1600x16xf32> -> vector<1600x16xf32>
    %dot_general3A_132 = arith.constant dense<0.000000e+00> : vector<1600x16xf32>
    %dot_general3A_133 = tpu.matmul %slice3A_6, %get3A_100, %dot_general3A_132 {dimension_numbers = #tpu.dot_dimension_numbers<[1], [0], [0], [1], [0, 0, 1, 1], [], []>, transpose_lhs_hint = false} : vector<1600x16xf32>, vector<16x16xf32>, vector<1600x16xf32> -> vector<1600x16xf32>
    %add3A_134 = arith.addf %dot_general3A_131, %dot_general3A_133 : vector<1600x16xf32>
    %dot_general3A_135 = arith.constant dense<0.000000e+00> : vector<1600x16xf32>
    %dot_general3A_136 = tpu.matmul %mul3A_121, %get3A_103, %dot_general3A_135 {dimension_numbers = #tpu.dot_dimension_numbers<[1], [0], [0], [1], [0, 0, 1, 1], [], []>, transpose_lhs_hint = false} : vector<1600x32xf32>, vector<32x16xf32>, vector<1600x16xf32> -> vector<1600x16xf32>
    %add3A_137 = arith.addf %add3A_134, %dot_general3A_136 : vector<1600x16xf32>
    %add3A_138 = vector.broadcast %get3A_106 : vector<1x16xf32> to vector<1600x16xf32>
    %add3A_139 = arith.addf %add3A_137, %add3A_138 : vector<1600x16xf32>
    %max3A_140 = arith.constant 0.000000e+00 : f32
    %max3A_141 = vector.broadcast %max3A_140 : f32 to vector<1600x16xf32>
    %max3A_142 = arith.maximumf %add3A_139, %max3A_141 : vector<1600x16xf32>
    %max3A_143 = arith.constant 0.000000e+00 : f32
    %max3A_144 = vector.broadcast %max3A_143 : f32 to vector<1600x4xf32>
    %max3A_145 = arith.maximumf %mul3A_129, %max3A_144 : vector<1600x4xf32>
    %dot_general3A_146 = arith.constant dense<0.000000e+00> : vector<1600x12xf32>
    %dot_general3A_147 = tpu.matmul %max3A_145, %get3A_94, %dot_general3A_146 {dimension_numbers = #tpu.dot_dimension_numbers<[1], [0], [0], [1], [0, 0, 1, 1], [], []>, transpose_lhs_hint = false} : vector<1600x4xf32>, vector<4x12xf32>, vector<1600x12xf32> -> vector<1600x12xf32>
    %mul3A_148 = arith.mulf %dot_general3A_147, %dot_general3A_113 : vector<1600x12xf32>
    %concatenate3A_149 = tpu.concatenate %max3A_142, %mul3A_148 in 1 : vector<1600x16xf32>, vector<1600x12xf32> -> vector<1600x28xf32>
    %swap3A_150 = arith.constant 0 : index
    %swap3A_151 = arith.constant 0 : index
    %swap3A_152 = vector.load %arg24[%swap3A_150, %swap3A_151] : memref<1600x28xf32, #tpu.memory_space<vmem>>, vector<1600x28xf32>
    tpu.vector_store %arg24[%swap3A_150, %swap3A_151], %concatenate3A_149 {strides = array<i32>} : memref<1600x28xf32, #tpu.memory_space<vmem>>, vector<1600x28xf32>,
    return
  }
  func.func @transform_0(%arg0: i32) -> (i32, i32) {
    %c0_i32 = arith.constant 0 : i32
    %c0_i32_0 = arith.constant 0 : i32
    return %arg0, %c0_i32 : i32, i32
  }
  func.func @transform_1(%arg0: i32) -> (i32, i32) {
    %c0_i32 = arith.constant 0 : i32
    %c0_i32_0 = arith.constant 0 : i32
    return %arg0, %c0_i32 : i32, i32
  }
  func.func @transform_2(%arg0: i32) -> (i32, i32) {
    %c0_i32 = arith.constant 0 : i32
    %c0_i32_0 = arith.constant 0 : i32
    %c0_i32_1 = arith.constant 0 : i32
    return %c0_i32, %c0_i32_0 : i32, i32
  }
  func.func @transform_3(%arg0: i32) -> (i32, i32) {
    %c0_i32 = arith.constant 0 : i32
    %c0_i32_0 = arith.constant 0 : i32
    %c0_i32_1 = arith.constant 0 : i32
    return %c0_i32, %c0_i32_0 : i32, i32
  }
  func.func @transform_4(%arg0: i32) -> (i32, i32) {
    %c0_i32 = arith.constant 0 : i32
    %c0_i32_0 = arith.constant 0 : i32
    %c0_i32_1 = arith.constant 0 : i32
    return %c0_i32, %c0_i32_0 : i32, i32
  }
  func.func @transform_5(%arg0: i32) -> (i32, i32) {
    %c0_i32 = arith.constant 0 : i32
    %c0_i32_0 = arith.constant 0 : i32
    %c0_i32_1 = arith.constant 0 : i32
    return %c0_i32, %c0_i32_0 : i32, i32
  }
  func.func @transform_6(%arg0: i32) -> (i32, i32) {
    %c0_i32 = arith.constant 0 : i32
    %c0_i32_0 = arith.constant 0 : i32
    %c0_i32_1 = arith.constant 0 : i32
    return %c0_i32, %c0_i32_0 : i32, i32
  }
  func.func @transform_7(%arg0: i32) -> (i32, i32) {
    %c0_i32 = arith.constant 0 : i32
    %c0_i32_0 = arith.constant 0 : i32
    %c0_i32_1 = arith.constant 0 : i32
    return %c0_i32, %c0_i32_0 : i32, i32
  }
  func.func @transform_8(%arg0: i32) -> (i32, i32) {
    %c0_i32 = arith.constant 0 : i32
    %c0_i32_0 = arith.constant 0 : i32
    %c0_i32_1 = arith.constant 0 : i32
    return %c0_i32, %c0_i32_0 : i32, i32
  }
  func.func @transform_9(%arg0: i32) -> (i32, i32) {
    %c0_i32 = arith.constant 0 : i32
    %c0_i32_0 = arith.constant 0 : i32
    %c0_i32_1 = arith.constant 0 : i32
    return %c0_i32, %c0_i32_0 : i32, i32
  }
  func.func @transform_10(%arg0: i32) -> (i32, i32) {
    %c0_i32 = arith.constant 0 : i32
    %c0_i32_0 = arith.constant 0 : i32
    %c0_i32_1 = arith.constant 0 : i32
    return %c0_i32, %c0_i32_0 : i32, i32
  }
  func.func @transform_11(%arg0: i32) -> (i32, i32) {
    %c0_i32 = arith.constant 0 : i32
    %c0_i32_0 = arith.constant 0 : i32
    %c0_i32_1 = arith.constant 0 : i32
    return %c0_i32, %c0_i32_0 : i32, i32
  }
  func.func @transform_12(%arg0: i32) -> (i32, i32) {
    %c0_i32 = arith.constant 0 : i32
    %c0_i32_0 = arith.constant 0 : i32
    %c0_i32_1 = arith.constant 0 : i32
    return %c0_i32, %c0_i32_0 : i32, i32
  }
  func.func @transform_13(%arg0: i32) -> (i32, i32) {
    %c0_i32 = arith.constant 0 : i32
    %c0_i32_0 = arith.constant 0 : i32
    %c0_i32_1 = arith.constant 0 : i32
    return %c0_i32, %c0_i32_0 : i32, i32
  }
  func.func @transform_14(%arg0: i32) -> (i32, i32) {
    %c0_i32 = arith.constant 0 : i32
    %c0_i32_0 = arith.constant 0 : i32
    %c0_i32_1 = arith.constant 0 : i32
    return %c0_i32, %c0_i32_0 : i32, i32
  }
  func.func @transform_15(%arg0: i32) -> (i32, i32) {
    %c0_i32 = arith.constant 0 : i32
    %c0_i32_0 = arith.constant 0 : i32
    %c0_i32_1 = arith.constant 0 : i32
    return %c0_i32, %c0_i32_0 : i32, i32
  }
  func.func @transform_16(%arg0: i32) -> (i32, i32) {
    %c0_i32 = arith.constant 0 : i32
    %c0_i32_0 = arith.constant 0 : i32
    %c0_i32_1 = arith.constant 0 : i32
    return %c0_i32, %c0_i32_0 : i32, i32
  }
  func.func @transform_17(%arg0: i32) -> (i32, i32) {
    %c0_i32 = arith.constant 0 : i32
    %c0_i32_0 = arith.constant 0 : i32
    %c0_i32_1 = arith.constant 0 : i32
    return %c0_i32, %c0_i32_0 : i32, i32
  }
  func.func @transform_18(%arg0: i32) -> (i32, i32) {
    %c0_i32 = arith.constant 0 : i32
    %c0_i32_0 = arith.constant 0 : i32
    %c0_i32_1 = arith.constant 0 : i32
    return %c0_i32, %c0_i32_0 : i32, i32
  }
  func.func @transform_19(%arg0: i32) -> (i32, i32) {
    %c0_i32 = arith.constant 0 : i32
    %c0_i32_0 = arith.constant 0 : i32
    %c0_i32_1 = arith.constant 0 : i32
    return %c0_i32, %c0_i32_0 : i32, i32
  }
  func.func @transform_20(%arg0: i32) -> (i32, i32) {
    %c0_i32 = arith.constant 0 : i32
    %c0_i32_0 = arith.constant 0 : i32
    %c0_i32_1 = arith.constant 0 : i32
    return %c0_i32, %c0_i32_0 : i32, i32
  }
  func.func @transform_21(%arg0: i32) -> (i32, i32) {
    %c0_i32 = arith.constant 0 : i32
    %c0_i32_0 = arith.constant 0 : i32
    %c0_i32_1 = arith.constant 0 : i32
    return %c0_i32, %c0_i32_0 : i32, i32
  }
  func.func @transform_22(%arg0: i32) -> (i32, i32) {
    %c0_i32 = arith.constant 0 : i32
    %c0_i32_0 = arith.constant 0 : i32
    return %arg0, %c0_i32 : i32, i32
  }
  func.func @transform_23(%arg0: i32) -> (i32, i32) {
    %c0_i32 = arith.constant 0 : i32
    %c0_i32_0 = arith.constant 0 : i32
    return %arg0, %c0_i32 : i32, i32
  }
}

module attributes {stable_mosaic.version = 14 : i64} {
  func.func @_transpose_kernel(%arg0: i32, %arg1: memref<72x8x2000xf32, #tpu.memory_space<vmem>>, %arg2: memref<16000x72xf32, #tpu.memory_space<vmem>>) attributes {dimension_semantics = [#tpu.dimension_semantics<arbitrary>], iteration_bounds = array<i64: 50>, scalar_prefetch = 0 : i64, scratch_operands = 0 : i64, tpu.core_type = #tpu.core_type<tc>, window_params = [{transform_indices = @transform_0, window_bounds = array<i64: 72, 8, 2000>}, {transform_indices = @transform_1, window_bounds = array<i64: 16000, 72>}]} {
    %get3A = arith.constant 0 : index
    %get3A_0 = arith.constant 0 : index
    %get3A_1 = arith.constant 0 : index
    %get3A_2 = vector.load %arg1[%get3A, %get3A_0, %get3A_1] : memref<72x8x2000xf32, #tpu.memory_space<vmem>>, vector<72x1x2000xf32>
    %get3A_3 = vector.shape_cast %get3A_2 : vector<72x1x2000xf32> to vector<72x2000xf32>
    %transpose3A = tpu.transpose %get3A_3, [1, 0] : vector<72x2000xf32> -> vector<2000x72xf32>
    %swap3A = arith.constant 0 : index
    %swap3A_4 = arith.constant 0 : index
    %swap3A_5 = vector.load %arg2[%swap3A, %swap3A_4] : memref<16000x72xf32, #tpu.memory_space<vmem>>, vector<2000x72xf32>
    tpu.vector_store %arg2[%swap3A, %swap3A_4], %transpose3A {strides = array<i32>} : memref<16000x72xf32, #tpu.memory_space<vmem>>, vector<2000x72xf32>,
    %get3A_6 = arith.constant 0 : index
    %get3A_7 = arith.constant 1 : index
    %get3A_8 = arith.constant 0 : index
    %get3A_9 = vector.load %arg1[%get3A_6, %get3A_7, %get3A_8] : memref<72x8x2000xf32, #tpu.memory_space<vmem>>, vector<72x1x2000xf32>
    %get3A_10 = vector.shape_cast %get3A_9 : vector<72x1x2000xf32> to vector<72x2000xf32>
    %transpose3A_11 = tpu.transpose %get3A_10, [1, 0] : vector<72x2000xf32> -> vector<2000x72xf32>
    %swap3A_12 = arith.constant 2000 : index
    %swap3A_13 = arith.constant 0 : index
    %swap3A_14 = vector.load %arg2[%swap3A_12, %swap3A_13] : memref<16000x72xf32, #tpu.memory_space<vmem>>, vector<2000x72xf32>
    tpu.vector_store %arg2[%swap3A_12, %swap3A_13], %transpose3A_11 {strides = array<i32>} : memref<16000x72xf32, #tpu.memory_space<vmem>>, vector<2000x72xf32>,
    %get3A_15 = arith.constant 0 : index
    %get3A_16 = arith.constant 2 : index
    %get3A_17 = arith.constant 0 : index
    %get3A_18 = vector.load %arg1[%get3A_15, %get3A_16, %get3A_17] : memref<72x8x2000xf32, #tpu.memory_space<vmem>>, vector<72x1x2000xf32>
    %get3A_19 = vector.shape_cast %get3A_18 : vector<72x1x2000xf32> to vector<72x2000xf32>
    %transpose3A_20 = tpu.transpose %get3A_19, [1, 0] : vector<72x2000xf32> -> vector<2000x72xf32>
    %swap3A_21 = arith.constant 4000 : index
    %swap3A_22 = arith.constant 0 : index
    %swap3A_23 = vector.load %arg2[%swap3A_21, %swap3A_22] : memref<16000x72xf32, #tpu.memory_space<vmem>>, vector<2000x72xf32>
    tpu.vector_store %arg2[%swap3A_21, %swap3A_22], %transpose3A_20 {strides = array<i32>} : memref<16000x72xf32, #tpu.memory_space<vmem>>, vector<2000x72xf32>,
    %get3A_24 = arith.constant 0 : index
    %get3A_25 = arith.constant 3 : index
    %get3A_26 = arith.constant 0 : index
    %get3A_27 = vector.load %arg1[%get3A_24, %get3A_25, %get3A_26] : memref<72x8x2000xf32, #tpu.memory_space<vmem>>, vector<72x1x2000xf32>
    %get3A_28 = vector.shape_cast %get3A_27 : vector<72x1x2000xf32> to vector<72x2000xf32>
    %transpose3A_29 = tpu.transpose %get3A_28, [1, 0] : vector<72x2000xf32> -> vector<2000x72xf32>
    %swap3A_30 = arith.constant 6000 : index
    %swap3A_31 = arith.constant 0 : index
    %swap3A_32 = vector.load %arg2[%swap3A_30, %swap3A_31] : memref<16000x72xf32, #tpu.memory_space<vmem>>, vector<2000x72xf32>
    tpu.vector_store %arg2[%swap3A_30, %swap3A_31], %transpose3A_29 {strides = array<i32>} : memref<16000x72xf32, #tpu.memory_space<vmem>>, vector<2000x72xf32>,
    %get3A_33 = arith.constant 0 : index
    %get3A_34 = arith.constant 4 : index
    %get3A_35 = arith.constant 0 : index
    %get3A_36 = vector.load %arg1[%get3A_33, %get3A_34, %get3A_35] : memref<72x8x2000xf32, #tpu.memory_space<vmem>>, vector<72x1x2000xf32>
    %get3A_37 = vector.shape_cast %get3A_36 : vector<72x1x2000xf32> to vector<72x2000xf32>
    %transpose3A_38 = tpu.transpose %get3A_37, [1, 0] : vector<72x2000xf32> -> vector<2000x72xf32>
    %swap3A_39 = arith.constant 8000 : index
    %swap3A_40 = arith.constant 0 : index
    %swap3A_41 = vector.load %arg2[%swap3A_39, %swap3A_40] : memref<16000x72xf32, #tpu.memory_space<vmem>>, vector<2000x72xf32>
    tpu.vector_store %arg2[%swap3A_39, %swap3A_40], %transpose3A_38 {strides = array<i32>} : memref<16000x72xf32, #tpu.memory_space<vmem>>, vector<2000x72xf32>,
    %get3A_42 = arith.constant 0 : index
    %get3A_43 = arith.constant 5 : index
    %get3A_44 = arith.constant 0 : index
    %get3A_45 = vector.load %arg1[%get3A_42, %get3A_43, %get3A_44] : memref<72x8x2000xf32, #tpu.memory_space<vmem>>, vector<72x1x2000xf32>
    %get3A_46 = vector.shape_cast %get3A_45 : vector<72x1x2000xf32> to vector<72x2000xf32>
    %transpose3A_47 = tpu.transpose %get3A_46, [1, 0] : vector<72x2000xf32> -> vector<2000x72xf32>
    %swap3A_48 = arith.constant 10000 : index
    %swap3A_49 = arith.constant 0 : index
    %swap3A_50 = vector.load %arg2[%swap3A_48, %swap3A_49] : memref<16000x72xf32, #tpu.memory_space<vmem>>, vector<2000x72xf32>
    tpu.vector_store %arg2[%swap3A_48, %swap3A_49], %transpose3A_47 {strides = array<i32>} : memref<16000x72xf32, #tpu.memory_space<vmem>>, vector<2000x72xf32>,
    %get3A_51 = arith.constant 0 : index
    %get3A_52 = arith.constant 6 : index
    %get3A_53 = arith.constant 0 : index
    %get3A_54 = vector.load %arg1[%get3A_51, %get3A_52, %get3A_53] : memref<72x8x2000xf32, #tpu.memory_space<vmem>>, vector<72x1x2000xf32>
    %get3A_55 = vector.shape_cast %get3A_54 : vector<72x1x2000xf32> to vector<72x2000xf32>
    %transpose3A_56 = tpu.transpose %get3A_55, [1, 0] : vector<72x2000xf32> -> vector<2000x72xf32>
    %swap3A_57 = arith.constant 12000 : index
    %swap3A_58 = arith.constant 0 : index
    %swap3A_59 = vector.load %arg2[%swap3A_57, %swap3A_58] : memref<16000x72xf32, #tpu.memory_space<vmem>>, vector<2000x72xf32>
    tpu.vector_store %arg2[%swap3A_57, %swap3A_58], %transpose3A_56 {strides = array<i32>} : memref<16000x72xf32, #tpu.memory_space<vmem>>, vector<2000x72xf32>,
    %get3A_60 = arith.constant 0 : index
    %get3A_61 = arith.constant 7 : index
    %get3A_62 = arith.constant 0 : index
    %get3A_63 = vector.load %arg1[%get3A_60, %get3A_61, %get3A_62] : memref<72x8x2000xf32, #tpu.memory_space<vmem>>, vector<72x1x2000xf32>
    %get3A_64 = vector.shape_cast %get3A_63 : vector<72x1x2000xf32> to vector<72x2000xf32>
    %transpose3A_65 = tpu.transpose %get3A_64, [1, 0] : vector<72x2000xf32> -> vector<2000x72xf32>
    %swap3A_66 = arith.constant 14000 : index
    %swap3A_67 = arith.constant 0 : index
    %swap3A_68 = vector.load %arg2[%swap3A_66, %swap3A_67] : memref<16000x72xf32, #tpu.memory_space<vmem>>, vector<2000x72xf32>
    tpu.vector_store %arg2[%swap3A_66, %swap3A_67], %transpose3A_65 {strides = array<i32>} : memref<16000x72xf32, #tpu.memory_space<vmem>>, vector<2000x72xf32>,
    return
  }
  func.func @transform_0(%arg0: i32) -> (i32, i32, i32) {
    %c0_i32 = arith.constant 0 : i32
    %c0_i32_0 = arith.constant 0 : i32
    %c0_i32_1 = arith.constant 0 : i32
    return %c0_i32, %arg0, %c0_i32_0 : i32, i32, i32
  }
  func.func @transform_1(%arg0: i32) -> (i32, i32) {
    %c0_i32 = arith.constant 0 : i32
    %c0_i32_0 = arith.constant 0 : i32
    return %arg0, %c0_i32 : i32, i32
  }
}

module attributes {stable_mosaic.version = 14 : i64} {
  func.func @_vred_kernel(%arg0: i32, %arg1: memref<1x1xf32, #tpu.memory_space<smem>>, %arg2: memref<512x72xf32, #tpu.memory_space<vmem>>, %arg3: memref<512x72xf32, #tpu.memory_space<vmem>>, %arg4: memref<1x1xf32, #tpu.memory_space<smem>>, %arg5: memref<1xf32, #tpu.memory_space<smem>>) attributes {dimension_semantics = [#tpu.dimension_semantics<arbitrary>], iteration_bounds = array<i64: 98>, scalar_prefetch = 0 : i64, scratch_operands = 1 : i64, tpu.core_type = #tpu.core_type<tc>, window_params = [{transform_indices = @transform_0, window_bounds = array<i64: 1, 1>}, {transform_indices = @transform_1, window_bounds = array<i64: 512, 72>}, {transform_indices = @transform_2, window_bounds = array<i64: 512, 72>}, {transform_indices = @transform_3, window_bounds = array<i64: 1, 1>}]} {
    %get3A = arith.constant 0 : index
    %get3A_0 = arith.constant 0 : index
    %get3A_1 = vector.load %arg2[%get3A, %get3A_0] : memref<512x72xf32, #tpu.memory_space<vmem>>, vector<512x72xf32>
    %slice3A = vector.extract_strided_slice %get3A_1 {offsets = [0, 48], sizes = [512, 24], strides = [1, 1]} : vector<512x72xf32> to vector<512x24xf32>
    %mul3A = arith.constant 0.0333333351 : f32
    %mul3A_2 = vector.broadcast %mul3A : f32 to vector<512x24xf32>
    %mul3A_3 = arith.mulf %slice3A, %mul3A_2 : vector<512x24xf32>
    %get3A_4 = arith.constant 0 : index
    %get3A_5 = arith.constant 0 : index
    %get3A_6 = vector.load %arg3[%get3A_4, %get3A_5] : memref<512x72xf32, #tpu.memory_space<vmem>>, vector<512x72xf32>
    %slice3A_7 = vector.extract_strided_slice %get3A_6 {offsets = [0, 48], sizes = [512, 24], strides = [1, 1]} : vector<512x72xf32> to vector<512x24xf32>
    %get3A_8 = arith.constant 0 : index
    %get3A_9 = arith.constant 0 : index
    %get3A_10 = memref.load %arg1[%get3A_8, %get3A_9] : memref<1x1xf32, #tpu.memory_space<smem>>
    %mul3A_11 = vector.broadcast %get3A_10 : f32 to vector<512x24xf32>
    %mul3A_12 = arith.mulf %slice3A_7, %mul3A_11 : vector<512x24xf32>
    %add3A = arith.addf %mul3A_3, %mul3A_12 : vector<512x24xf32>
    %eq3A = arith.constant 0 : i32
    %eq3A_13 = arith.cmpi eq, %arg0, %eq3A : i32
    %convert_element_type3A = arith.extui %eq3A_13 : i1 to i32
    %cond3A = arith.constant 0 : i32
    %cond3A_14 = arith.cmpi ne, %convert_element_type3A, %cond3A : i32
    scf.if %cond3A_14 {
      %swap3A_29 = arith.constant 0.000000e+00 : f32
      %swap3A_30 = arith.constant 0 : index
      %swap3A_31 = memref.load %arg5[%swap3A_30] : memref<1xf32, #tpu.memory_space<smem>>
      memref.store %swap3A_29, %arg5[%swap3A_30] : memref<1xf32, #tpu.memory_space<smem>>
    } else {
    }
    %get3A_15 = arith.constant 0 : index
    %get3A_16 = memref.load %arg5[%get3A_15] : memref<1xf32, #tpu.memory_space<smem>>
    %mul3A_17 = arith.mulf %add3A, %add3A : vector<512x24xf32>
    %reduce_sum3A = vector.shape_cast %mul3A_17 : vector<512x24xf32> to vector<1x512x24xf32>
    %reduce_sum3A_18 = arith.constant dense<0.000000e+00> : vector<1xf32>
    %reduce_sum3A_19 = vector.multi_reduction <add>, %reduce_sum3A, %reduce_sum3A_18 [1, 2] : vector<1x512x24xf32> to vector<1xf32>
    %reduce_sum3A_20 = vector.shape_cast %reduce_sum3A_19 : vector<1xf32> to vector<1x1x1xf32>
    %reduce_sum3A_21 = vector.extract %reduce_sum3A_20[0, 0, 0] : f32 from vector<1x1x1xf32>
    %add3A_22 = arith.addf %get3A_16, %reduce_sum3A_21 : f32
    %swap3A = arith.constant 0 : index
    %swap3A_23 = memref.load %arg5[%swap3A] : memref<1xf32, #tpu.memory_space<smem>>
    memref.store %add3A_22, %arg5[%swap3A] : memref<1xf32, #tpu.memory_space<smem>>
    %eq3A_24 = arith.constant 97 : i32
    %eq3A_25 = arith.cmpi eq, %arg0, %eq3A_24 : i32
    %convert_element_type3A_26 = arith.extui %eq3A_25 : i1 to i32
    %cond3A_27 = arith.constant 0 : i32
    %cond3A_28 = arith.cmpi ne, %convert_element_type3A_26, %cond3A_27 : i32
    scf.if %cond3A_28 {
      %get3A_29 = arith.constant 0 : index
      %get3A_30 = memref.load %arg5[%get3A_29] : memref<1xf32, #tpu.memory_space<smem>>
      %swap3A_31 = arith.constant 0 : index
      %swap3A_32 = arith.constant 0 : index
      %swap3A_33 = memref.load %arg4[%swap3A_31, %swap3A_32] : memref<1x1xf32, #tpu.memory_space<smem>>
      memref.store %get3A_30, %arg4[%swap3A_31, %swap3A_32] : memref<1x1xf32, #tpu.memory_space<smem>>
    } else {
    }
    return
  }
  func.func @transform_0(%arg0: i32) -> (i32, i32) {
    %c0_i32 = arith.constant 0 : i32
    %c0_i32_0 = arith.constant 0 : i32
    %c0_i32_1 = arith.constant 0 : i32
    return %c0_i32, %c0_i32_0 : i32, i32
  }
  func.func @transform_1(%arg0: i32) -> (i32, i32) {
    %c0_i32 = arith.constant 0 : i32
    %c0_i32_0 = arith.constant 0 : i32
    return %arg0, %c0_i32 : i32, i32
  }
  func.func @transform_2(%arg0: i32) -> (i32, i32) {
    %c0_i32 = arith.constant 0 : i32
    %c0_i32_0 = arith.constant 0 : i32
    return %arg0, %c0_i32 : i32, i32
  }
  func.func @transform_3(%arg0: i32) -> (i32, i32) {
    %c0_i32 = arith.constant 0 : i32
    %c0_i32_0 = arith.constant 0 : i32
    %c0_i32_1 = arith.constant 0 : i32
    return %c0_i32, %c0_i32_0 : i32, i32
  }
}

module attributes {stable_mosaic.version = 14 : i64} {
  func.func @_finish_kernel(%arg0: i32, %arg1: memref<1x1xf32, #tpu.memory_space<smem>>, %arg2: memref<1x1xf32, #tpu.memory_space<smem>>, %arg3: memref<512x72xf32, #tpu.memory_space<vmem>>, %arg4: memref<512x72xf32, #tpu.memory_space<vmem>>, %arg5: memref<1x48xf32, #tpu.memory_space<vmem>>, %arg6: memref<1x48xf32, #tpu.memory_space<vmem>>, %arg7: memref<512x72xf32, #tpu.memory_space<vmem>>) attributes {dimension_semantics = [#tpu.dimension_semantics<arbitrary>], iteration_bounds = array<i64: 98>, scalar_prefetch = 0 : i64, scratch_operands = 0 : i64, tpu.core_type = #tpu.core_type<tc>, window_params = [{transform_indices = @transform_0, window_bounds = array<i64: 1, 1>}, {transform_indices = @transform_1, window_bounds = array<i64: 1, 1>}, {transform_indices = @transform_2, window_bounds = array<i64: 512, 72>}, {transform_indices = @transform_3, window_bounds = array<i64: 512, 72>}, {pipeline_mode = #tpu.pipeline_mode<synchronous>, transform_indices = @transform_4, window_bounds = array<i64: 1, 48>}, {pipeline_mode = #tpu.pipeline_mode<synchronous>, transform_indices = @transform_5, window_bounds = array<i64: 1, 48>}, {transform_indices = @transform_6, window_bounds = array<i64: 512, 72>}]} {
    %get3A = arith.constant 0 : index
    %get3A_0 = arith.constant 0 : index
    %get3A_1 = memref.load %arg1[%get3A, %get3A_0] : memref<1x1xf32, #tpu.memory_space<smem>>
    %get3A_2 = arith.constant 0 : index
    %get3A_3 = arith.constant 0 : index
    %get3A_4 = memref.load %arg2[%get3A_2, %get3A_3] : memref<1x1xf32, #tpu.memory_space<smem>>
    %get3A_5 = arith.constant 0 : index
    %get3A_6 = arith.constant 0 : index
    %get3A_7 = vector.load %arg3[%get3A_5, %get3A_6] : memref<512x72xf32, #tpu.memory_space<vmem>>, vector<512x72xf32>
    %get3A_8 = arith.constant 0 : index
    %get3A_9 = arith.constant 0 : index
    %get3A_10 = vector.load %arg4[%get3A_8, %get3A_9] : memref<512x72xf32, #tpu.memory_space<vmem>>, vector<512x72xf32>
    %slice3A = vector.extract_strided_slice %get3A_7 {offsets = [0, 0], sizes = [512, 48], strides = [1, 1]} : vector<512x72xf32> to vector<512x48xf32>
    %mul3A = arith.constant 0.0333333351 : f32
    %mul3A_11 = vector.broadcast %mul3A : f32 to vector<512x48xf32>
    %mul3A_12 = arith.mulf %slice3A, %mul3A_11 : vector<512x48xf32>
    %slice3A_13 = vector.extract_strided_slice %get3A_10 {offsets = [0, 0], sizes = [512, 48], strides = [1, 1]} : vector<512x72xf32> to vector<512x48xf32>
    %add3A = arith.addf %mul3A_12, %slice3A_13 : vector<512x48xf32>
    %get3A_14 = arith.constant 0 : index
    %get3A_15 = arith.constant 0 : index
    %get3A_16 = vector.load %arg5[%get3A_14, %get3A_15] : memref<1x48xf32, #tpu.memory_space<vmem>>, vector<1x48xf32>
    %get3A_17 = arith.constant 0 : index
    %get3A_18 = arith.constant 0 : index
    %get3A_19 = vector.load %arg6[%get3A_17, %get3A_18] : memref<1x48xf32, #tpu.memory_space<vmem>>, vector<1x48xf32>
    %reduce_sum3A = arith.constant dense<0.000000e+00> : vector<512xf32>
    %reduce_sum3A_20 = vector.multi_reduction <add>, %add3A, %reduce_sum3A [1] : vector<512x48xf32> to vector<512xf32>
    %broadcast_in_dim3A = vector.shape_cast %reduce_sum3A_20 : vector<512xf32> to vector<512x1xf32>
    %div3A = arith.constant 4.800000e+01 : f32
    %div3A_21 = vector.broadcast %div3A : f32 to vector<512x1xf32>
    %div3A_22 = arith.divf %broadcast_in_dim3A, %div3A_21 : vector<512x1xf32>
    %sub3A = vector.broadcast %div3A_22 : vector<512x1xf32> to vector<512x48xf32>
    %sub3A_23 = arith.subf %add3A, %sub3A : vector<512x48xf32>
    %integer_pow3A = arith.mulf %sub3A_23, %sub3A_23 : vector<512x48xf32>
    %reduce_sum3A_24 = arith.constant dense<0.000000e+00> : vector<512xf32>
    %reduce_sum3A_25 = vector.multi_reduction <add>, %integer_pow3A, %reduce_sum3A_24 [1] : vector<512x48xf32> to vector<512xf32>
    %broadcast_in_dim3A_26 = vector.shape_cast %reduce_sum3A_25 : vector<512xf32> to vector<512x1xf32>
    %div3A_27 = arith.constant 4.800000e+01 : f32
    %div3A_28 = vector.broadcast %div3A_27 : f32 to vector<512x1xf32>
    %div3A_29 = arith.divf %broadcast_in_dim3A_26, %div3A_28 : vector<512x1xf32>
    %sub3A_30 = vector.broadcast %div3A_22 : vector<512x1xf32> to vector<512x48xf32>
    %sub3A_31 = arith.subf %add3A, %sub3A_30 : vector<512x48xf32>
    %add3A_32 = arith.constant 9.99999974E-6 : f32
    %add3A_33 = vector.broadcast %add3A_32 : f32 to vector<512x1xf32>
    %add3A_34 = arith.addf %div3A_29, %add3A_33 : vector<512x1xf32>
    %sqrt3A = math.sqrt %add3A_34 : vector<512x1xf32>
    %div3A_35 = vector.broadcast %sqrt3A : vector<512x1xf32> to vector<512x48xf32>
    %div3A_36 = arith.divf %sub3A_31, %div3A_35 : vector<512x48xf32>
    %mul3A_37 = vector.broadcast %get3A_16 : vector<1x48xf32> to vector<512x48xf32>
    %mul3A_38 = arith.mulf %div3A_36, %mul3A_37 : vector<512x48xf32>
    %add3A_39 = vector.broadcast %get3A_19 : vector<1x48xf32> to vector<512x48xf32>
    %add3A_40 = arith.addf %mul3A_38, %add3A_39 : vector<512x48xf32>
    %slice3A_41 = vector.extract_strided_slice %get3A_7 {offsets = [0, 48], sizes = [512, 24], strides = [1, 1]} : vector<512x72xf32> to vector<512x24xf32>
    %mul3A_42 = arith.constant 0.0333333351 : f32
    %mul3A_43 = vector.broadcast %mul3A_42 : f32 to vector<512x24xf32>
    %mul3A_44 = arith.mulf %slice3A_41, %mul3A_43 : vector<512x24xf32>
    %slice3A_45 = vector.extract_strided_slice %get3A_10 {offsets = [0, 48], sizes = [512, 24], strides = [1, 1]} : vector<512x72xf32> to vector<512x24xf32>
    %mul3A_46 = vector.broadcast %get3A_1 : f32 to vector<512x24xf32>
    %mul3A_47 = arith.mulf %slice3A_45, %mul3A_46 : vector<512x24xf32>
    %add3A_48 = arith.addf %mul3A_44, %mul3A_47 : vector<512x24xf32>
    %slice3A_49 = vector.extract_strided_slice %get3A_10 {offsets = [0, 0], sizes = [512, 48], strides = [1, 1]} : vector<512x72xf32> to vector<512x48xf32>
    %add3A_50 = arith.addf %slice3A_49, %add3A_40 : vector<512x48xf32>
    %slice3A_51 = vector.extract_strided_slice %get3A_10 {offsets = [0, 48], sizes = [512, 24], strides = [1, 1]} : vector<512x72xf32> to vector<512x24xf32>
    %mul3A_52 = vector.broadcast %get3A_1 : f32 to vector<512x24xf32>
    %mul3A_53 = arith.mulf %slice3A_51, %mul3A_52 : vector<512x24xf32>
    %mul3A_54 = vector.broadcast %get3A_4 : f32 to vector<512x24xf32>
    %mul3A_55 = arith.mulf %add3A_48, %mul3A_54 : vector<512x24xf32>
    %add3A_56 = arith.addf %mul3A_53, %mul3A_55 : vector<512x24xf32>
    %concatenate3A = tpu.concatenate %add3A_50, %add3A_56 in 1 : vector<512x48xf32>, vector<512x24xf32> -> vector<512x72xf32>
    %swap3A = arith.constant 0 : index
    %swap3A_57 = arith.constant 0 : index
    %swap3A_58 = vector.load %arg7[%swap3A, %swap3A_57] : memref<512x72xf32, #tpu.memory_space<vmem>>, vector<512x72xf32>
    tpu.vector_store %arg7[%swap3A, %swap3A_57], %concatenate3A {strides = array<i32>} : memref<512x72xf32, #tpu.memory_space<vmem>>, vector<512x72xf32>,
    return
  }
  func.func @transform_0(%arg0: i32) -> (i32, i32) {
    %c0_i32 = arith.constant 0 : i32
    %c0_i32_0 = arith.constant 0 : i32
    %c0_i32_1 = arith.constant 0 : i32
    return %c0_i32, %c0_i32_0 : i32, i32
  }
  func.func @transform_1(%arg0: i32) -> (i32, i32) {
    %c0_i32 = arith.constant 0 : i32
    %c0_i32_0 = arith.constant 0 : i32
    %c0_i32_1 = arith.constant 0 : i32
    return %c0_i32, %c0_i32_0 : i32, i32
  }
  func.func @transform_2(%arg0: i32) -> (i32, i32) {
    %c0_i32 = arith.constant 0 : i32
    %c0_i32_0 = arith.constant 0 : i32
    return %arg0, %c0_i32 : i32, i32
  }
  func.func @transform_3(%arg0: i32) -> (i32, i32) {
    %c0_i32 = arith.constant 0 : i32
    %c0_i32_0 = arith.constant 0 : i32
    return %arg0, %c0_i32 : i32, i32
  }
  func.func @transform_4(%arg0: i32) -> (i32, i32) {
    %c0_i32 = arith.constant 0 : i32
    %c0_i32_0 = arith.constant 0 : i32
    %c0_i32_1 = arith.constant 0 : i32
    return %c0_i32, %c0_i32_0 : i32, i32
  }
  func.func @transform_5(%arg0: i32) -> (i32, i32) {
    %c0_i32 = arith.constant 0 : i32
    %c0_i32_0 = arith.constant 0 : i32
    %c0_i32_1 = arith.constant 0 : i32
    return %c0_i32, %c0_i32_0 : i32, i32
  }
  func.func @transform_6(%arg0: i32) -> (i32, i32) {
    %c0_i32 = arith.constant 0 : i32
    %c0_i32_0 = arith.constant 0 : i32
    return %arg0, %c0_i32 : i32, i32
  }
}

</mosaic_0001>

<sc_bundles>
// kernel: kernel.12.cloned.1.call-start
scs
__scs_entry_jumppad:
0x0: {  	(pc) =	sbr.rel $0x88, $3  }
0x1: {  	(tag) =	ssettag $0x0;
	lr =	simm.s32 $0x1  }
0x2: {  	[smem:$0x3F90] =	sst lr;
	_ =	strace $0xD0000000  }
0x3: {  	_ = 	snop  }
0x4: {  	_ = 	snop  }
0x5: {  	_ = 	snop  }
0x6: {  	_ = 	snop  }
0x7: {  	_ = 	snop  }
__scs_overlays_trampoline_lowered:
0x8: {  	[smem:$0x3F9F] =	sst s0  }
0x9: {  	[smem:$0x3FA0] =	sst s1  }
0xa: {  	[smem:$0x3FA1] =	sst s2  }
0xb: {  	[smem:$0x3FA2] =	sst s3  }
0xc: {  	[smem:$0x3FA3] =	sst s4  }
0xd: {  	[smem:$0x3FA4] =	sst s5  }
0xe: {  	[smem:$0x3FA5] =	sst s6  }
0xf: {  	[smem:$0x3FA6] =	sst s7  }
0x10: {  	[smem:$0x3FA7] =	sst s8  }
0x11: {  	[smem:$0x3FA8] =	sst s9;
	s0 =	simm.s32 @!p0 $0x0  }
0x12: {  	s1 =	sld [smem:$0x3F8E];
	s0 =	simm.s32 @p0 $0x1  }
0x13: {  	[smem:$0x3FA9] =	sst s0;
	s0 =	simm.s32 @!p1 $0x0  }
0x14: {  	s2 =	sld [smem:$0x3F8D];
	s0 =	simm.s32 @p1 $0x1  }
0x15: {  	[smem:$0x3FAA] =	sst s0;
	s0 =	simm.s32 @!p2 $0x0  }
0x16: {  	s3 =	sld [smem:$0x3FDB];
	s0 =	simm.s32 @p2 $0x1  }
0x17: {  	s4 =	simm.s32 $0x1BF5;
	[smem:$0x3FAC] =	sst s0  }
0x18: {  	s0 =	sld [smem:$0x3F8F];
	_ =	swait.ge [sflag:s4], $0x0  }
0x19: {  	s7 =	sld [smem:$0x3F90]  }
0x1a: {  	s8 =	sadd.s32 $0xFFFFE003, lr  }
0x1b: {  	s9 =	sadd.s32 $0xFFFFFEF7, lr;
	s5 =	simm.s32 $0xFFFFFFFF;
	p2 =	slt.u32 s8, $0xFFFFF086  }
0x1c: {  	p1 =	slt.u32 s9, $0xF7A;
	s5 =	simm.s32 @!p2 $0x0  }
0x1d: {  	s5 =	simm.s32 @p1 $0x1;
	p0 =	seq.s32 s7, s2  }
0x1e: {  	s7 =	smul.u32 @!p0 $0xF7A, s2;
	p2 =	seq.s32 @!p0 s5, $0x0  }
0x1f: {  	s9 =	smul.u32 $0xF7A, s1;
	s8 =	simm.s32 @!p0 $0x1BF5;
	p2 =	por !p2, p0  }
0x20: {  	[sflag:s8] =	ssyncset.s32 @!p0 $0xFFFFF086;
	s6 =	sadd.s32 @!p0 s3, s7;
	s7 =	simm.s32 @!p0 $0x108  }
0x21: {  	s3 =	sadd.s32 s3, s9;
	s6 =	sadd.s32 @!p0 $0x88, s6;
	s7 =	simm.s32 @p2 $0x1082  }
0x22: {  	[simem:s7], [sflag:s8] =	dma.local @!p0 [hbm:s6], $0xF7A  }
0x23: {  	s9 =	sor.u32 $0xD0000000, s2;
	s6 =	simm.s32 $0x108;
	_ =	swait.ge @!p0 [sflag:s8], $0x0  }
0x24: {  	s3 =	sadd.s32 $0x88, s3;
	s6 =	simm.s32 @!p1 $0x1082;
	[sflag:s4] =	ssyncset.s32 $0xFFFFF086  }
0x25: {  	[simem:s6], [sflag:s4] =	dma.local [hbm:s3], $0xF7A  }
0x26: {  	[smem:$0x3F90] =	sst s1;
	(tag) =	ssettag s2;
	_ =	strace s9  }
0x27: {  	s1 =	sld [smem:$0x3FA0]  }
0x28: {  	s2 =	sld [smem:$0x3FA1]  }
0x29: {  	s4 =	sld [smem:$0x3FA3]  }
0x2a: {  	p0 =	seq.s32 s5, $0x0;
	s5 =	sld [smem:$0x3FA4]  }
0x2b: {  	s6 =	sld [smem:$0x3FA5]  }
0x2c: {  	s7 =	sld [smem:$0x3FA6]  }
0x2d: {  	s3 =	simm.s32 $0x108;
	s8 =	sld [smem:$0x3FA7]  }
0x2e: {  	s3 =	simm.s32 @!p0 $0x1082;
	s9 =	sld [smem:$0x3FA8]  }
0x2f: {  	lr =	sadd.s32 s0, s3;
	s0 =	sld [smem:$0x3F9F]  }
0x30: {  	s3 =	sld [smem:$0x3FA2]  }
0x31: {  	[smem:$0x3FAB] =	sst s10  }
0x32: {  	s10 =	sld [smem:$0x3FA9];
	_ =	sdelay $0x3  }
0x33: {  	p0 =	seq.s32 s10, $0x1;
	s10 =	sld [smem:$0x3FAB];
	_ =	sdelay $0x3  }
0x34: {  	[smem:$0x3FAB] =	sst s10  }
0x35: {  	s10 =	sld [smem:$0x3FAA];
	_ =	sdelay $0x3  }
0x36: {  	p1 =	seq.s32 s10, $0x1;
	s10 =	sld [smem:$0x3FAB];
	_ =	sdelay $0x3  }
0x37: {  	[smem:$0x3FAB] =	sst s10  }
0x38: {  	s10 =	sld [smem:$0x3FAC]  }
0x39: {  	_ = 	snop;
	(pc) =	sbr.ind lr, $3  }
0x3a: {  	_ = 	snop  }
0x3b: {  	_ = 	snop  }
0x3c: {  	p2 =	seq.s32 s10, $0x1;
	s10 =	sld [smem:$0x3FAB]  }
0x3d: {  	_ =	shalt  }
0x3e: {  	_ =	shalt  }
0x3f: {  	_ =	shalt  }
0x40: {  	_ =	shalt  }
0x41: {  	_ =	shalt  }
0x42: {  	_ =	shalt  }
0x43: {  	_ =	shalt  }
0x44: {  	_ =	shalt  }
0x45: {  	_ =	shalt  }
0x46: {  	_ =	shalt  }
0x47: {  	_ =	shalt  }
0x48: {  	_ =	shalt  }
0x49: {  	_ =	shalt  }
0x4a: {  	_ =	shalt  }
0x4b: {  	_ =	shalt  }
0x4c: {  	_ =	shalt  }
0x4d: {  	_ =	shalt  }
0x4e: {  	_ =	shalt  }
0x4f: {  	_ =	shalt  }
0x50: {  	_ =	shalt  }
0x51: {  	_ =	shalt  }
0x52: {  	_ =	shalt  }
0x53: {  	_ =	shalt  }
0x54: {  	_ =	shalt  }
0x55: {  	_ =	shalt  }
0x56: {  	_ =	shalt  }
0x57: {  	_ =	shalt  }
0x58: {  	_ =	shalt  }
0x59: {  	_ =	shalt  }
0x5a: {  	_ =	shalt  }
0x5b: {  	_ =	shalt  }
0x5c: {  	_ =	shalt  }
0x5d: {  	_ =	shalt  }
0x5e: {  	_ =	shalt  }
0x5f: {  	_ =	shalt  }
0x60: {  	_ =	shalt  }
0x61: {  	_ =	shalt  }
0x62: {  	_ =	shalt  }
0x63: {  	_ =	shalt  }
0x64: {  	_ =	shalt  }
0x65: {  	_ =	shalt  }
0x66: {  	_ =	shalt  }
0x67: {  	_ =	shalt  }
0x68: {  	_ =	shalt  }
0x69: {  	_ =	shalt  }
0x6a: {  	_ =	shalt  }
0x6b: {  	_ =	shalt  }
0x6c: {  	_ =	shalt  }
0x6d: {  	_ =	shalt  }
0x6e: {  	_ =	shalt  }
0x6f: {  	_ =	shalt  }
0x70: {  	_ =	shalt  }
0x71: {  	_ =	shalt  }
0x72: {  	_ =	shalt  }
0x73: {  	_ =	shalt  }
0x74: {  	_ =	shalt  }
0x75: {  	_ =	shalt  }
0x76: {  	_ =	shalt  }
0x77: {  	_ =	shalt  }
0x78: {  	_ =	shalt  }
0x79: {  	_ =	shalt  }
0x7a: {  	_ =	shalt  }
0x7b: {  	_ =	shalt  }
0x7c: {  	_ =	shalt  }
0x7d: {  	_ =	shalt  }
0x7e: {  	_ =	shalt  }
0x7f: {  	_ =	shalt  }
0x80: {  	_ =	shalt  }
0x81: {  	_ =	shalt  }
0x82: {  	_ =	shalt  }
0x83: {  	_ =	shalt  }
0x84: {  	_ =	shalt  }
0x85: {  	_ =	shalt  }
0x86: {  	_ =	shalt  }
0x87: {  	_ =	shalt  }
.Lfunc_end0:
.L_simem_size_0:
called_computation.1_lowered:
.L_overlay_start_0:
0x88: {  	s2 =	sld [smem:$0x3FD9]  }
0x89: {  	s3 =	sld [smem:$0x3FFE];
	_ =	sdelay $0x1  }
0x8a: {  	s1 =	srdreg.scid  }
0x8b: {  	s0 =	sand.u32 $0x1, s1  }
0x8c: {  	s14 =	sshll.u32 s0, $0xA;
	s2 =	sadd.s32 s3, s2  }
0x8d: {  	s2 =	sadd.s32 s2, s14  }
0x8e: {  	[smem:$0x3FB7] =	sst s2  }
0x8f: {  	_ = 	snop  }
0x90: {  	s2 =	sld [smem:$0x3FD0];
	_ =	sdelay $0x2  }
0x91: {  	s15 =	simm.s32 $0xA;
	s4 =	simm.s32 $0x10  }
0x92: {  	[smem:s4], [sflag:s15] =	dma.local [hbm:s2], $0x1  }
0x93: {  	_ =	swait.eq [sflag:s15], $0x1  }
0x94: {  	[sflag:s15] =	ssyncset.done $0x0  }
0x95: {  	[sflag:s15] =	ssyncadd.s32 $0xFFFFFFFF  }
0x96: {  	s16 =	sld [smem:$0x10];
	(tm) =	ssettm $0x1  }
0x97: {  	s17 =	sld [smem:$0x3FFB];
	_ =	sdelay $0x3  }
0x98: {  	_ =	strace s17  }
0x99: {  	s3 =	sld [smem:$0x3FFC];
	_ =	sdelay $0x3  }
0x9a: {  	_ =	strace s3  }
0x9b: {  	s3 =	sld [smem:$0x3FFD];
	_ =	sdelay $0x3  }
0x9c: {  	_ =	strace s3  }
0x9d: {  	_ =	strace $0x8FFFFFFF  }
0x9e: {  	s18 =	sld [smem:$0x3FDB];
	_ =	sdelay $0x1  }
0x9f: {  	s19 =	simm.s32 $_scs_section_size  }
0xa0: {  	s5 =	simm.s32 $_size__tile_overlayer_lowered;
	s6 =	simm.s32 $_tile_overlayer_lowered  }
0xa1: {  	s22 =	simm.s32 $0x1BFF;
	s21 =	sshll.u32 s6, $0x1;
	s3 =	sadd.s32 s19, s18  }
0xa2: {  	s7 =	simm.s32 $0x0;
	s20 =	sshll.u32 s5, $0x1;
	s5 =	sadd.s32 s21, s3  }
0xa3: {  	[timem:s7], [sflag:s22] =	dma.local [hbm:s5], s20  }
0xa4: {  	_ =	swait.ge [sflag:s22], s20  }
0xa5: {  	s4 =	ssub.s32 $0x0, s20;
	[sflag:s22] =	ssyncset.done $0x0  }
0xa6: {  	[sflag:s22] =	ssyncadd.s32 s4;
	_ =	sdelay $0x1  }
0xa7: {  	s23 =	simm.s32 $0x1B8B  }
0xa8: {  	_ =	swait.ge [sflag:s23], $0x1  }
0xa9: {  	[sflag:s23] =	ssyncset.done $0x0  }
0xaa: {  	s25 =	simm.s32 $0x1B8E;
	s24 =	sld [smem:$0x3FFE];
	[sflag:s23] =	ssyncadd.s32 $0xFFFFFFFF  }
0xab: {  	s26 =	simm.s32 $execute0_lowered;
	[smem:$0x3FD2] =	sst s25  }
0xac: {  	s5 =	sshll.u32 s26, $0x1;
	_ =	strace $0x80000049;
	[dreg:$0x1] =	wrdreg $0xFFFFFFFF  }
0xad: {  	s28 =	simm.s32 $_size_execute0_lowered;
	s3 =	sadd.s32 s3, s5;
	[dreg:$0x0] =	wrdreg $0x0  }
0xae: {  	s5 =	sshll.u32 s28, $0x1;
	[dreg:$0x2] =	wrdreg s3  }
0xaf: {  	[dreg:$0x3] =	wrdreg s5  }
0xb0: {  	[dreg:$0x4] =	wrdreg $0xC0  }
0xb1: {  	_ =	task [dreg:s7], $0x5FFFF  }
0xb2: {  	[dreg:$0x1] =	wrdreg $0xFFFFFFFF  }
0xb3: {  	[dreg:$0x0] =	wrdreg $0x60  }
0xb4: {  	[dreg:$0x2] =	wrdreg s24  }
0xb5: {  	[dreg:$0x3] =	wrdreg s16  }
0xb6: {  	[dreg:$0x4] =	wrdreg $0x37700  }
0xb7: {  	[dreg:$0x5] =	wrdreg $0x9  }
0xb8: {  	_ =	task.clear_ibuf [dreg:s7], $0x6FFFF;
	_ =	strace $0x90000049  }
0xb9: {  	s29 =	simm.s32 $0x9;
	_ =	strace $0x8000004B  }
0xba: {  	_ =	swait.ge [sflag:s29], $0x1  }
0xbb: {  	[sflag:s29] =	ssyncadd.s32 $0xFFFFFFFF  }
0xbc: {  	_ =	strace $0x9000004B  }
0xbd: {  	_ =	sfence  }
0xbe: {  	s30 =	sld [smem:$0x0];
	_ =	sdelay $0x2  }
0xbf: {  	s31 =	sshll.u32 s1, $0xD;
	s1 =	sshrl.u32 s1, $0x2  }
0xc0: {  	s3 =	sand.u32 $0x4000, s31;
	s1 =	sadd.s32 s1, s30  }
0xc1: {  	s0 =	sor.u32 s3, s0;
	s1 =	sshll.u32 s1, $0x11  }
0xc2: {  	s0 =	sor.u32 s1, s0  }
0xc3: {  	s0 =	sadd.s32 $0x8F2B, s0  }
0xc4: {  	[sflag:s0] =	ssyncadd.remote.s32 $0x1  }
0xc5: {  	_ =	sfence.sel $0xFFFF  }
0xc6: {  	[dreg:$0x0] =	wrdreg $0xFFFFFFFF;
	(pc) =	sbr.abs _section_cstart, $3  }
0xc7: {  	[dreg:$0x1] =	wrdreg $0xFFFFFFFF  }
0xc8: {  	_ =	task.clear_ibuf [dreg:s7], $0x2FFFF;
	_ =	strace $0x9FFFFFFF  }
0xc9: {  	(tm) =	ssettm $0x7FFFFFFF  }
tec
execute0_lowered:
.L_overlay_start_1:
0x0: {  	(tag) =	ssettag $0x1  }
0x1: {  	s4 =	rddreg [dreg:$0x0]  }
0x2: {  	s1 =	srdreg.scid;
	s0 =	rddreg [dreg:$0x1]  }
0x3: {  	s14 =	stileid.u32;
	s2 =	rddreg [dreg:$0x2]  }
0x4: {  	s3 =	simm.s32 $0x0;
	s18 =	simm.s32 $0x60;
	s19 =	simm.s32 $0x1C70  }
0x5: {  	s20 =	simm.s32 $0xC0;
	s21 =	simm.s32 $0x1;
	s6 =	smul.u32 $0x620, s14  }
0x6: {  	s22 =	simm.s32 $0x2;
	s24 =	simm.s32 $0x120;
	s7 =	smul.u32 $0x6E400, s14  }
0x7: {  	s5 =	sand.u32 $0x1, s1;
	s1 =	rddreg [dreg:$0x3];
	s9 =	smul.u32 $0xC350, s14  }
0x8: {  	[smem:$0x7FF] =	sst s3;
	s12 =	sadd.s32 $0xA400, s4;
	s30 =	smul.u32 $0x6DDD0, s14  }
0x9: {  	s8 =	sadd.s32 $0xE6E00, s4;
	s28 =	sshll.u32 s14, $0x6;
	s17 =	smul.u32 $0x186A, s14  }
0xa: {  	s16 =	sadd.s32 $0x1B9000, s2;
	p0 =	sne.s32 s14, $0x0;
	s23 =	smul.u32 $0x6200, s5  }
0xb: {  	_ =	strace $0x8000004A;
	s5 =	ssub.s32 $0x2, s5;
	s16 =	sshrl.u32 @!p0 s16, $0x3  }
0xc: {  	s25 =	sshrl.u32 s5, $0x1;
	s26 =	sshrl.u32 s7, $0x2;
	s29 =	sshrl.u32 s9, $0x3  }
0xd: {  	s31 =	sadd.s32 $0x60, s9;
	s17 =	sadd.s32 s17, s12;
	s6 =	sadd.s32 s6, s23  }
0xe: {  	s13 =	ssub.s32 s5, s25;
	s15 =	sadd.s32 s26, s2;
	s5 =	sadd.s32 s12, s29  }
0xf: {  	s9 =	smul.u32 $0x9, s31;
	s7 =	sshrl.u32 s31, $0x3;
	v0 =	vmov s23;
	s23 =	simm.s32 $0x50  }
0x10: {  	s25 =	simm.s32 $0x0;
	s6 =	smul.u32 $0x9, s6;
	s7 =	sadd.s32 s12, s7  }
0x11: {  	s12 =	smax.u32 s13, $0x1;
	s13 =	sadd.s32 $0x24, s17;
	s14 =	sshrl.u32 s15, $0x3  }
0x12: {  	s15 =	simm.s32 $0x3;
	s17 =	simm.s32 $0x170;
	s11 =	sadd.s32 s6, s4  }
0x13: {  	s4 =	sor.u32 $0x1C03, s28;
	s6 =	sadd.s32 s8, s30;
	s8 =	sadd.s32 s8, s9  }
0x14: {  	s9 =	sadd.s32 $0x1860, s5;
	s10 =	sadd.s32 $0x6DB00, s6;
	s11 =	sadd.s32 $0x7C4C00, s11  }
.LBB2_1:
0x15: {  	[spmem:s14], [sflag:s4] =	dma.local [hbm:s0], $0x3720  }
0x16: {  	_ =	swait.ge [sflag:s15], $0x3720  }
0x17: {  	[sflag:s15] =	ssyncset.done $0x0  }
0x18: {  	s26 =	simm.s32 @!p0 $0x3;
	[sflag:s15] =	ssyncadd.s32 $0xFFFFC8E0  }
0x19: {  	[spmem:s16], [sflag:s4] =	dma.local @!p0 [hbm:s0], $0x9  }
0x1a: {  	_ =	swait.ge @!p0 [sflag:s26], $0x9  }
0x1b: {  	[sflag:s26] =	ssyncset.done @!p0 $0x0  }
0x1c: {  	[sflag:s26] =	ssyncadd.s32 @!p0 $0xFFFFFFF7  }
0x1d: {  	[bflag:$0x0] =	sbarrier.arrive $0xFFFF  }
0x1e: {  	[tilespmem:s3], [sflag:$0x3] =	stream.linear.gather [hbm4b:s5+s3], $0x60, $0x38;
	[tilespmem:$0x1F078] =	vst v63  }
0x1f: {  	_ =	swait.ge [sflag:s15], $0x60  }
0x20: {  	[sflag:s15] =	ssyncset.done $0x0  }
0x21: {  	[sflag:s15] =	ssyncadd.s32 $0xFFFFFFA0  }
0x22: {  	v1 =	vld [tilespmem:$0x0]  }
0x23: {  	v2 =	vld [tilespmem:$0x10]  }
0x24: {  	v3 =	vld [tilespmem:$0x20]  }
0x25: {  	v4 =	vld [tilespmem:$0x30]  }
0x26: {  	v5 =	vld [tilespmem:$0x40]  }
0x27: {  	v6 =	vld [tilespmem:$0x50];
	v1 =	vsub.s32 v1, v0  }
0x28: {  	v2 =	vsub.s32 v2, v0;
	v1 =	vmin.u32 v1, $0x6200  }
0x29: {  	[tilespmem:$0x60] =	vst v1;
	v1 =	vmin.u32 v2, $0x6200;
	v2 =	vsub.s32 v3, v0  }
0x2a: {  	[tilespmem:$0x70] =	vst v1;
	v1 =	vmin.u32 v2, $0x6200;
	v2 =	vsub.s32 v4, v0  }
0x2b: {  	[tilespmem:$0x80] =	vst v1;
	v1 =	vmin.u32 v2, $0x6200;
	v2 =	vsub.s32 v5, v0  }
0x2c: {  	[tilespmem:$0x90] =	vst v1;
	v1 =	vmin.u32 v2, $0x6200;
	v2 =	vsub.s32 v6, v0  }
0x2d: {  	[tilespmem:$0xA0] =	vst v1;
	v1 =	vmin.u32 v2, $0x6200  }
0x2e: {  	[tilespmem:$0xB0] =	vst v1  }
0x2f: {  	[tilespmem:s17], [sflag:$0x3] =	stream.linear.gather [hbm4b:s6+s3], $0x1B00, $0x38;
	[tilespmem:$0x1F078] =	vst v63  }
0x30: {  	_ =	swait.ge [sflag:s15], $0x1B00  }
0x31: {  	[sflag:s15] =	ssyncset.done $0x0  }
0x32: {  	[sflag:s15] =	ssyncadd.s32 $0xFFFFE500  }
0x33: {  	[spmem:s2] =	stream.indirect.scatter.add.f32 [tilespmem:s17], [sflag:$0x1], $0x48, s18, s18, $0xb8;
	[tilespmem:$0x1F078] =	vst v63  }
0x34: {  	_ = 	snop  }
0x35: {  	[tilespmem:s3], [sflag:$0x3] =	stream.linear.gather [hbm4b:s7+s3], $0x60, $0x38;
	[tilespmem:$0x1F078] =	vst v63  }
0x36: {  	_ =	swait.ge [sflag:s15], $0x60  }
0x37: {  	[sflag:s15] =	ssyncset.done $0x0  }
0x38: {  	[sflag:s15] =	ssyncadd.s32 $0xFFFFFFA0  }
0x39: {  	v1 =	vld [tilespmem:$0x0]  }
0x3a: {  	v2 =	vld [tilespmem:$0x10]  }
0x3b: {  	v3 =	vld [tilespmem:$0x20]  }
0x3c: {  	v4 =	vld [tilespmem:$0x30]  }
0x3d: {  	v5 =	vld [tilespmem:$0x40]  }
0x3e: {  	v6 =	vld [tilespmem:$0x50];
	v1 =	vsub.s32 v1, v0  }
0x3f: {  	v2 =	vsub.s32 v2, v0;
	v1 =	vmin.u32 v1, $0x6200  }
0x40: {  	[tilespmem:$0xC0] =	vst v1;
	v1 =	vmin.u32 v2, $0x6200;
	v2 =	vsub.s32 v3, v0  }
0x41: {  	[tilespmem:$0xD0] =	vst v1;
	v1 =	vmin.u32 v2, $0x6200;
	v2 =	vsub.s32 v4, v0  }
0x42: {  	[tilespmem:$0xE0] =	vst v1;
	v1 =	vmin.u32 v2, $0x6200;
	v2 =	vsub.s32 v5, v0  }
0x43: {  	[tilespmem:$0xF0] =	vst v1;
	v1 =	vmin.u32 v2, $0x6200;
	v2 =	vsub.s32 v6, v0  }
0x44: {  	[tilespmem:$0x100] =	vst v1;
	v1 =	vmin.u32 v2, $0x6200  }
0x45: {  	[tilespmem:$0x110] =	vst v1  }
0x46: {  	[tilespmem:s19], [sflag:$0x3] =	stream.linear.gather [hbm4b:s8+s3], $0x1B00, $0x38;
	[tilespmem:$0x1F078] =	vst v63  }
0x47: {  	_ =	swait.ge [sflag:s15], $0x1B00  }
0x48: {  	[sflag:s15] =	ssyncset.done $0x0  }
0x49: {  	[sflag:s15] =	ssyncadd.s32 $0xFFFFE500  }
0x4a: {  	[spmem:s2] =	stream.indirect.scatter.add.f32 [tilespmem:s19], [sflag:$0x2], $0x48, s20, s18, $0xb8;
	[tilespmem:$0x1F078] =	vst v63  }
0x4b: {  	_ =	swait.ge [sflag:s21], $0x1B00  }
0x4c: {  	[sflag:s21] =	ssyncset.done $0x0  }
0x4d: {  	s30 =	sadd.s32 $0xFFFFFFF4, s13;
	[sflag:s21] =	ssyncadd.s32 $0xFFFFE500  }
0x4e: {  	[tilespmem:s3], [sflag:$0x3] =	stream.linear.gather [hbm4b:s30+s3], $0x60, $0x38;
	[tilespmem:$0x1F078] =	vst v63  }
0x4f: {  	_ =	swait.ge [sflag:s15], $0x60  }
0x50: {  	[sflag:s15] =	ssyncset.done $0x0  }
0x51: {  	[sflag:s15] =	ssyncadd.s32 $0xFFFFFFA0  }
0x52: {  	v1 =	vld [tilespmem:$0x50]  }
0x53: {  	v2 =	vld [tilespmem:$0x30]  }
0x54: {  	v3 =	vld [tilespmem:$0x20]  }
0x55: {  	v4 =	vld [tilespmem:$0x10]  }
0x56: {  	v5 =	vld [tilespmem:$0x0]  }
0x57: {  	v6 =	vld [tilespmem:$0x40];
	v1 =	vsub.s32 v1, v0  }
0x58: {  	v2 =	vsub.s32 v2, v0;
	v1 =	vmin.u32 v1, $0x6200  }
0x59: {  	v3 =	vsub.s32 v3, v0;
	v2 =	vmin.u32 v2, $0x6200;
	[tilespmem:$0xB0] =	vst v1  }
0x5a: {  	v3 =	vmin.u32 v3, $0x6200;
	v1 =	vsub.s32 v4, v0;
	[tilespmem:$0x90] =	vst v2  }
0x5b: {  	v2 =	vsub.s32 v5, v0;
	[tilespmem:$0x80] =	vst v3;
	v1 =	vmin.u32 v1, $0x6200  }
0x5c: {  	v2 =	vmin.u32 v2, $0x6200;
	[tilespmem:$0x70] =	vst v1;
	v1 =	vsub.s32 v6, v0  }
0x5d: {  	s29 =	sadd.s32 $0x0, s6;
	[tilespmem:$0x60] =	vst v2;
	v1 =	vmin.u32 v1, $0x6200  }
0x5e: {  	s31 =	sadd.s32 $0x6C0, s29;
	[tilespmem:$0xA0] =	vst v1  }
0x5f: {  	[tilespmem:s17], [sflag:$0x3] =	stream.linear.gather [hbm4b:s31+s3], $0x1B00, $0x38;
	[tilespmem:$0x1F078] =	vst v63  }
0x60: {  	_ =	swait.ge [sflag:s15], $0x1B00  }
0x61: {  	[sflag:s15] =	ssyncset.done $0x0  }
0x62: {  	[sflag:s15] =	ssyncadd.s32 $0xFFFFE500  }
0x63: {  	[spmem:s2] =	stream.indirect.scatter.add.f32 [tilespmem:s17], [sflag:$0x1], $0x48, s18, s18, $0xb8;
	[tilespmem:$0x1F078] =	vst v63  }
0x64: {  	_ =	swait.ge [sflag:s22], $0x1B00  }
0x65: {  	[sflag:s22] =	ssyncset.done $0x0  }
0x66: {  	[sflag:s22] =	ssyncadd.s32 $0xFFFFE500  }
0x67: {  	[tilespmem:s3], [sflag:$0x3] =	stream.linear.gather [hbm4b:s13+s3], $0x60, $0x38;
	[tilespmem:$0x1F078] =	vst v63  }
0x68: {  	_ =	swait.ge [sflag:s15], $0x60  }
0x69: {  	[sflag:s15] =	ssyncset.done $0x0  }
0x6a: {  	[sflag:s15] =	ssyncadd.s32 $0xFFFFFFA0  }
0x6b: {  	v4 =	vld [tilespmem:$0x0]  }
0x6c: {  	v3 =	vld [tilespmem:$0x10]  }
0x6d: {  	v2 =	vld [tilespmem:$0x20]  }
0x6e: {  	s28 =	smov.u32 s13;
	s26 =	simm.s32 $0x6C0;
	v1 =	vld [tilespmem:$0x30]  }
.LBB2_2:
0x6f: {  	p1 =	sne.s32 s26, $0x6CD80  }
0x70: {  	v5 =	vld [tilespmem:$0x40];
	s28 =	sadd.s32 $0x18, s28;
	s30 =	smov.u32 s26;
	s26 =	sadd.s32 $0x6C0, s26  }
0x71: {  	v4 =	vsub.s32 v4, v0;
	v6 =	vld [tilespmem:$0x50]  }
0x72: {  	v4 =	vmin.u32 v4, $0x6200;
	v3 =	vsub.s32 v3, v0  }
0x73: {  	[tilespmem:$0xC0] =	vst v4;
	v3 =	vmin.u32 v3, $0x6200;
	v2 =	vsub.s32 v2, v0  }
0x74: {  	[tilespmem:$0xD0] =	vst v3;
	v2 =	vmin.u32 v2, $0x6200;
	v1 =	vsub.s32 v1, v0  }
0x75: {  	[tilespmem:$0xE0] =	vst v2;
	v1 =	vmin.u32 v1, $0x6200;
	v2 =	vsub.s32 v5, v0  }
0x76: {  	[tilespmem:$0xF0] =	vst v1;
	v1 =	vmin.u32 v2, $0x6200;
	v2 =	vsub.s32 v6, v0  }
0x77: {  	[tilespmem:$0x100] =	vst v1;
	v1 =	vmin.u32 v2, $0x6200  }
0x78: {  	s29 =	sadd.s32 $0xA20, s29;
	[tilespmem:$0x110] =	vst v1  }
0x79: {  	[tilespmem:s19], [sflag:$0x3] =	stream.linear.gather [hbm4b:s29+s3], $0x1B00, $0x38;
	[tilespmem:$0x1F078] =	vst v63  }
0x7a: {  	_ =	swait.ge [sflag:s15], $0x1B00  }
0x7b: {  	[sflag:s15] =	ssyncset.done $0x0  }
0x7c: {  	[sflag:s15] =	ssyncadd.s32 $0xFFFFE500  }
0x7d: {  	[spmem:s2] =	stream.indirect.scatter.add.f32 [tilespmem:s19], [sflag:$0x2], $0x48, s20, s18, $0xb8;
	[tilespmem:$0x1F078] =	vst v63  }
0x7e: {  	_ =	swait.ge [sflag:s21], $0x1B00  }
0x7f: {  	[sflag:s21] =	ssyncset.done $0x0  }
0x80: {  	s29 =	sadd.s32 $0xFFFFFFF4, s28;
	[sflag:s21] =	ssyncadd.s32 $0xFFFFE500  }
0x81: {  	[tilespmem:s3], [sflag:$0x3] =	stream.linear.gather [hbm4b:s29+s3], $0x60, $0x38;
	[tilespmem:$0x1F078] =	vst v63  }
0x82: {  	_ =	swait.ge [sflag:s15], $0x60  }
0x83: {  	[sflag:s15] =	ssyncset.done $0x0  }
0x84: {  	[sflag:s15] =	ssyncadd.s32 $0xFFFFFFA0  }
0x85: {  	v1 =	vld [tilespmem:$0x50]  }
0x86: {  	v2 =	vld [tilespmem:$0x30]  }
0x87: {  	v3 =	vld [tilespmem:$0x20]  }
0x88: {  	v4 =	vld [tilespmem:$0x10]  }
0x89: {  	v5 =	vld [tilespmem:$0x0]  }
0x8a: {  	v6 =	vld [tilespmem:$0x40];
	v1 =	vsub.s32 v1, v0  }
0x8b: {  	v2 =	vsub.s32 v2, v0;
	v1 =	vmin.u32 v1, $0x6200  }
0x8c: {  	v3 =	vsub.s32 v3, v0;
	v2 =	vmin.u32 v2, $0x6200;
	[tilespmem:$0xB0] =	vst v1  }
0x8d: {  	v1 =	vsub.s32 v4, v0;
	v3 =	vmin.u32 v3, $0x6200;
	[tilespmem:$0x90] =	vst v2  }
0x8e: {  	v2 =	vsub.s32 v5, v0;
	v1 =	vmin.u32 v1, $0x6200;
	[tilespmem:$0x80] =	vst v3  }
0x8f: {  	v2 =	vmin.u32 v2, $0x6200;
	[tilespmem:$0x70] =	vst v1;
	v1 =	vsub.s32 v6, v0  }
0x90: {  	s29 =	sadd.s32 s30, s6;
	[tilespmem:$0x60] =	vst v2;
	v1 =	vmin.u32 v1, $0x6200  }
0x91: {  	s30 =	sadd.s32 $0x6C0, s29;
	[tilespmem:$0xA0] =	vst v1  }
0x92: {  	[tilespmem:s17], [sflag:$0x3] =	stream.linear.gather [hbm4b:s30+s3], $0x1B00, $0x38;
	[tilespmem:$0x1F078] =	vst v63  }
0x93: {  	_ =	swait.ge [sflag:s15], $0x1B00  }
0x94: {  	[sflag:s15] =	ssyncset.done $0x0  }
0x95: {  	[sflag:s15] =	ssyncadd.s32 $0xFFFFE500  }
0x96: {  	[spmem:s2] =	stream.indirect.scatter.add.f32 [tilespmem:s17], [sflag:$0x1], $0x48, s18, s18, $0xb8;
	[tilespmem:$0x1F078] =	vst v63  }
0x97: {  	_ =	swait.ge [sflag:s22], $0x1B00  }
0x98: {  	[sflag:s22] =	ssyncset.done $0x0  }
0x99: {  	[sflag:s22] =	ssyncadd.s32 $0xFFFFE500  }
0x9a: {  	[tilespmem:s3], [sflag:$0x3] =	stream.linear.gather [hbm4b:s28+s3], $0x60, $0x38;
	[tilespmem:$0x1F078] =	vst v63  }
0x9b: {  	_ =	swait.ge [sflag:s15], $0x60  }
0x9c: {  	[sflag:s15] =	ssyncset.done $0x0  }
.Ltmp0:
0x9d: {  	[sflag:s15] =	ssyncadd.s32 $0xFFFFFFA0;
	(pc) =	sbr.rel @p1 .LBB2_2-.Ltmp0, $4  }
0x9e: {  	v4 =	vld [tilespmem:$0x0]  }
0x9f: {  	v3 =	vld [tilespmem:$0x10]  }
0xa0: {  	v2 =	vld [tilespmem:$0x20]  }
0xa1: {  	v1 =	vld [tilespmem:$0x30]  }
0xa2: {  	v5 =	vld [tilespmem:$0x40]  }
0xa3: {  	v6 =	vld [tilespmem:$0x50];
	v4 =	vsub.s32 v4, v0  }
0xa4: {  	v4 =	vmin.u32 v4, $0x6200;
	v3 =	vsub.s32 v3, v0  }
0xa5: {  	[tilespmem:$0xC0] =	vst v4;
	v3 =	vmin.u32 v3, $0x6200;
	v2 =	vsub.s32 v2, v0  }
0xa6: {  	[tilespmem:$0xD0] =	vst v3;
	v2 =	vmin.u32 v2, $0x6200;
	v1 =	vsub.s32 v1, v0  }
0xa7: {  	[tilespmem:$0xE0] =	vst v2;
	v1 =	vmin.u32 v1, $0x6200;
	v2 =	vsub.s32 v5, v0  }
0xa8: {  	[tilespmem:$0xF0] =	vst v1;
	v1 =	vmin.u32 v2, $0x6200;
	v2 =	vsub.s32 v6, v0  }
0xa9: {  	[tilespmem:$0x100] =	vst v1;
	v1 =	vmin.u32 v2, $0x6200  }
0xaa: {  	s26 =	sadd.s32 $0xA20, s29;
	[tilespmem:$0x110] =	vst v1  }
0xab: {  	[tilespmem:s19], [sflag:$0x3] =	stream.linear.gather [hbm4b:s26+s3], $0x1B00, $0x38;
	[tilespmem:$0x1F078] =	vst v63  }
0xac: {  	_ =	swait.ge [sflag:s15], $0x1B00  }
0xad: {  	[sflag:s15] =	ssyncset.done $0x0  }
0xae: {  	[sflag:s15] =	ssyncadd.s32 $0xFFFFE500  }
0xaf: {  	[spmem:s2] =	stream.indirect.scatter.add.f32 [tilespmem:s19], [sflag:$0x2], $0x48, s20, s18, $0xb8;
	[tilespmem:$0x1F078] =	vst v63  }
0xb0: {  	_ =	swait.ge [sflag:s21], $0x1B00  }
0xb1: {  	[sflag:s21] =	ssyncset.done $0x0  }
0xb2: {  	[sflag:s21] =	ssyncadd.s32 $0xFFFFE500  }
0xb3: {  	_ =	swait.ge [sflag:s22], $0x1B00  }
0xb4: {  	[sflag:s22] =	ssyncset.done $0x0  }
0xb5: {  	[sflag:s22] =	ssyncadd.s32 $0xFFFFE500  }
0xb6: {  	[tilespmem:s3], [sflag:$0x3] =	stream.linear.gather [hbm4b:s9+s3], $0x50, $0x38;
	[tilespmem:$0x1F078] =	vst v63  }
0xb7: {  	_ =	swait.ge [sflag:s15], $0x50  }
0xb8: {  	[sflag:s15] =	ssyncset.done $0x0  }
0xb9: {  	[sflag:s15] =	ssyncadd.s32 $0xFFFFFFB0  }
0xba: {  	v1 =	vld [tilespmem:$0x0]  }
0xbb: {  	v2 =	vld [tilespmem:$0x10]  }
0xbc: {  	v3 =	vld [tilespmem:$0x20]  }
0xbd: {  	v62 =	vld [tilespmem:$0x30]  }
0xbe: {  	v63 =	vld [tilespmem:$0x40]  }
0xbf: {  	v1 =	vsub.s32 v1, v0  }
0xc0: {  	v2 =	vsub.s32 v2, v0;
	v1 =	vmin.u32 v1, $0x6200  }
0xc1: {  	[tilespmem:$0x120] =	vst v1;
	v1 =	vmin.u32 v2, $0x6200;
	v2 =	vsub.s32 v3, v0  }
0xc2: {  	[tilespmem:$0x130] =	vst v1;
	v1 =	vmin.u32 v2, $0x6200;
	v2 =	vsub.s32 v62, v0  }
0xc3: {  	[tilespmem:$0x140] =	vst v1;
	v1 =	vmin.u32 v2, $0x6200;
	v2 =	vsub.s32 v63, v0  }
0xc4: {  	[tilespmem:$0x150] =	vst v1;
	v1 =	vmin.u32 v2, $0x6200  }
0xc5: {  	[tilespmem:$0x160] =	vst v1  }
0xc6: {  	[tilespmem:s17], [sflag:$0x3] =	stream.linear.gather [hbm4b:s10+s3], $0x1680, $0x38;
	[tilespmem:$0x1F078] =	vst v63  }
0xc7: {  	_ =	swait.ge [sflag:s15], $0x1680  }
0xc8: {  	[sflag:s15] =	ssyncset.done $0x0  }
0xc9: {  	[sflag:s15] =	ssyncadd.s32 $0xFFFFE980  }
0xca: {  	[spmem:s2] =	stream.indirect.scatter.add.f32 [tilespmem:s17], [sflag:$0x3], $0x48, s24, s23, $0xb8;
	[tilespmem:$0x1F078] =	vst v63  }
0xcb: {  	_ =	swait.ge [sflag:s15], $0x1680  }
0xcc: {  	s25 =	sadd.s32 $0x1, s25;
	[sflag:s15] =	ssyncset.done $0x0  }
0xcd: {  	p1 =	sne.s32 s25, s12;
	[sflag:s15] =	ssyncadd.s32 $0xFFFFE980  }
.Ltmp1:
0xce: {  	[bflag:$0x0] =	sbarrier.arrive $0xFFFF;
	(pc) =	sbr.rel @p1 .LBB2_1-.Ltmp1, $4  }
0xcf: {  	[hbm:s11], [sflag:s4] =	dma.local [spmem:s14], $0x3720  }
0xd0: {  	_ =	swait.ge [sflag:s15], $0x3720  }
0xd1: {  	[sflag:s15] =	ssyncset.done $0x0  }
0xd2: {  	[sflag:s15] =	ssyncadd.s32 $0xFFFFC8E0  }
0xd3: {  	_ =	sfence.sel $0x180000  }
0xd4: {  	[bflag:$0x0] =	sbarrier.arrive $0xFFFF  }
0xd5: {  	_ =	strace $0x9000004A  }
0xd6: {  	s0 =	sadd.s32 @!p0 $0x100000, s1;
	[bflag:$0x2] =	sbarrier.arrive $0xFFFF  }
0xd7: {  	[sflag:s0] =	ssyncadd.tile.s32 @!p0 $0x1;
	_ =	shalt  }
.Lfunc_end2:
_tile_overlayer_lowered:
.L_overlay_start_2:
0xd8: {  	(tag) =	ssettag $0x2  }
0xd9: {  	s0 =	rddreg [dreg:$0x0];
	s2 =	stileid.u32  }
0xda: {  	s1 =	rddreg [dreg:$0x1];
	p0 =	sne.s32 s2, $0x0  }
0xdb: {  	s3 =	rddreg [dreg:$0x2];
	[bflag:$0x3] =	sbarrier.arrive $0xFFFF;
	s2 =	simm.s32 @!p0 $0x1C03  }
0xdc: {  	[timem:s3], [sflag:s2] =	dma.local @!p0 [hbm:s0], s1  }
0xdd: {  	s0 =	simm.s32 @!p0 $0x3  }
0xde: {  	_ =	swait.ge @!p0 [sflag:s0], s1  }
0xdf: {  	s1 =	ssub.s32 @!p0 $0x0, s1;
	[sflag:s0] =	ssyncset.done @!p0 $0x0  }
0xe0: {  	[sflag:s0] =	ssyncadd.s32 @!p0 s1  }
0xe1: {  	[bflag:$0x3] =	sbarrier.arrive $0xFFFF  }
0xe2: {  	_ =	shalt  }

// kernel: kernel.9.cloned.1.call-start
scs
__scs_entry_jumppad:
0x0: {  	(pc) =	sbr.rel $0x88, $3  }
0x1: {  	(tag) =	ssettag $0x0;
	lr =	simm.s32 $0x1  }
0x2: {  	[smem:$0x3F90] =	sst lr;
	_ =	strace $0xD0000000  }
0x3: {  	_ = 	snop  }
0x4: {  	_ = 	snop  }
0x5: {  	_ = 	snop  }
0x6: {  	_ = 	snop  }
0x7: {  	_ = 	snop  }
__scs_overlays_trampoline_lowered:
0x8: {  	[smem:$0x3F9F] =	sst s0  }
0x9: {  	[smem:$0x3FA0] =	sst s1  }
0xa: {  	[smem:$0x3FA1] =	sst s2  }
0xb: {  	[smem:$0x3FA2] =	sst s3  }
0xc: {  	[smem:$0x3FA3] =	sst s4  }
0xd: {  	[smem:$0x3FA4] =	sst s5  }
0xe: {  	[smem:$0x3FA5] =	sst s6  }
0xf: {  	[smem:$0x3FA6] =	sst s7  }
0x10: {  	[smem:$0x3FA7] =	sst s8  }
0x11: {  	[smem:$0x3FA8] =	sst s9;
	s0 =	simm.s32 @!p0 $0x0  }
0x12: {  	s1 =	sld [smem:$0x3F8E];
	s0 =	simm.s32 @p0 $0x1  }
0x13: {  	[smem:$0x3FA9] =	sst s0;
	s0 =	simm.s32 @!p1 $0x0  }
0x14: {  	s2 =	sld [smem:$0x3F8D];
	s0 =	simm.s32 @p1 $0x1  }
0x15: {  	[smem:$0x3FAA] =	sst s0;
	s0 =	simm.s32 @!p2 $0x0  }
0x16: {  	s3 =	sld [smem:$0x3FDB];
	s0 =	simm.s32 @p2 $0x1  }
0x17: {  	s4 =	simm.s32 $0x1BF5;
	[smem:$0x3FAC] =	sst s0  }
0x18: {  	s0 =	sld [smem:$0x3F8F];
	_ =	swait.ge [sflag:s4], $0x0  }
0x19: {  	s7 =	sld [smem:$0x3F90]  }
0x1a: {  	s8 =	sadd.s32 $0xFFFFE003, lr  }
0x1b: {  	s9 =	sadd.s32 $0xFFFFFEF7, lr;
	s5 =	simm.s32 $0xFFFFFFFF;
	p2 =	slt.u32 s8, $0xFFFFF086  }
0x1c: {  	p1 =	slt.u32 s9, $0xF7A;
	s5 =	simm.s32 @!p2 $0x0  }
0x1d: {  	s5 =	simm.s32 @p1 $0x1;
	p0 =	seq.s32 s7, s2  }
0x1e: {  	s7 =	smul.u32 @!p0 $0xF7A, s2;
	p2 =	seq.s32 @!p0 s5, $0x0  }
0x1f: {  	s9 =	smul.u32 $0xF7A, s1;
	s8 =	simm.s32 @!p0 $0x1BF5;
	p2 =	por !p2, p0  }
0x20: {  	[sflag:s8] =	ssyncset.s32 @!p0 $0xFFFFF086;
	s6 =	sadd.s32 @!p0 s3, s7;
	s7 =	simm.s32 @!p0 $0x108  }
0x21: {  	s3 =	sadd.s32 s3, s9;
	s6 =	sadd.s32 @!p0 $0x88, s6;
	s7 =	simm.s32 @p2 $0x1082  }
0x22: {  	[simem:s7], [sflag:s8] =	dma.local @!p0 [hbm:s6], $0xF7A  }
0x23: {  	s9 =	sor.u32 $0xD0000000, s2;
	s6 =	simm.s32 $0x108;
	_ =	swait.ge @!p0 [sflag:s8], $0x0  }
0x24: {  	s3 =	sadd.s32 $0x88, s3;
	s6 =	simm.s32 @!p1 $0x1082;
	[sflag:s4] =	ssyncset.s32 $0xFFFFF086  }
0x25: {  	[simem:s6], [sflag:s4] =	dma.local [hbm:s3], $0xF7A  }
0x26: {  	[smem:$0x3F90] =	sst s1;
	(tag) =	ssettag s2;
	_ =	strace s9  }
0x27: {  	s1 =	sld [smem:$0x3FA0]  }
0x28: {  	s2 =	sld [smem:$0x3FA1]  }
0x29: {  	s4 =	sld [smem:$0x3FA3]  }
0x2a: {  	p0 =	seq.s32 s5, $0x0;
	s5 =	sld [smem:$0x3FA4]  }
0x2b: {  	s6 =	sld [smem:$0x3FA5]  }
0x2c: {  	s7 =	sld [smem:$0x3FA6]  }
0x2d: {  	s3 =	simm.s32 $0x108;
	s8 =	sld [smem:$0x3FA7]  }
0x2e: {  	s3 =	simm.s32 @!p0 $0x1082;
	s9 =	sld [smem:$0x3FA8]  }
0x2f: {  	lr =	sadd.s32 s0, s3;
	s0 =	sld [smem:$0x3F9F]  }
0x30: {  	s3 =	sld [smem:$0x3FA2]  }
0x31: {  	[smem:$0x3FAB] =	sst s10  }
0x32: {  	s10 =	sld [smem:$0x3FA9];
	_ =	sdelay $0x3  }
0x33: {  	p0 =	seq.s32 s10, $0x1;
	s10 =	sld [smem:$0x3FAB];
	_ =	sdelay $0x3  }
0x34: {  	[smem:$0x3FAB] =	sst s10  }
0x35: {  	s10 =	sld [smem:$0x3FAA];
	_ =	sdelay $0x3  }
0x36: {  	p1 =	seq.s32 s10, $0x1;
	s10 =	sld [smem:$0x3FAB];
	_ =	sdelay $0x3  }
0x37: {  	[smem:$0x3FAB] =	sst s10  }
0x38: {  	s10 =	sld [smem:$0x3FAC]  }
0x39: {  	_ = 	snop;
	(pc) =	sbr.ind lr, $3  }
0x3a: {  	_ = 	snop  }
0x3b: {  	_ = 	snop  }
0x3c: {  	p2 =	seq.s32 s10, $0x1;
	s10 =	sld [smem:$0x3FAB]  }
0x3d: {  	_ =	shalt  }
0x3e: {  	_ =	shalt  }
0x3f: {  	_ =	shalt  }
0x40: {  	_ =	shalt  }
0x41: {  	_ =	shalt  }
0x42: {  	_ =	shalt  }
0x43: {  	_ =	shalt  }
0x44: {  	_ =	shalt  }
0x45: {  	_ =	shalt  }
0x46: {  	_ =	shalt  }
0x47: {  	_ =	shalt  }
0x48: {  	_ =	shalt  }
0x49: {  	_ =	shalt  }
0x4a: {  	_ =	shalt  }
0x4b: {  	_ =	shalt  }
0x4c: {  	_ =	shalt  }
0x4d: {  	_ =	shalt  }
0x4e: {  	_ =	shalt  }
0x4f: {  	_ =	shalt  }
0x50: {  	_ =	shalt  }
0x51: {  	_ =	shalt  }
0x52: {  	_ =	shalt  }
0x53: {  	_ =	shalt  }
0x54: {  	_ =	shalt  }
0x55: {  	_ =	shalt  }
0x56: {  	_ =	shalt  }
0x57: {  	_ =	shalt  }
0x58: {  	_ =	shalt  }
0x59: {  	_ =	shalt  }
0x5a: {  	_ =	shalt  }
0x5b: {  	_ =	shalt  }
0x5c: {  	_ =	shalt  }
0x5d: {  	_ =	shalt  }
0x5e: {  	_ =	shalt  }
0x5f: {  	_ =	shalt  }
0x60: {  	_ =	shalt  }
0x61: {  	_ =	shalt  }
0x62: {  	_ =	shalt  }
0x63: {  	_ =	shalt  }
0x64: {  	_ =	shalt  }
0x65: {  	_ =	shalt  }
0x66: {  	_ =	shalt  }
0x67: {  	_ =	shalt  }
0x68: {  	_ =	shalt  }
0x69: {  	_ =	shalt  }
0x6a: {  	_ =	shalt  }
0x6b: {  	_ =	shalt  }
0x6c: {  	_ =	shalt  }
0x6d: {  	_ =	shalt  }
0x6e: {  	_ =	shalt  }
0x6f: {  	_ =	shalt  }
0x70: {  	_ =	shalt  }
0x71: {  	_ =	shalt  }
0x72: {  	_ =	shalt  }
0x73: {  	_ =	shalt  }
0x74: {  	_ =	shalt  }
0x75: {  	_ =	shalt  }
0x76: {  	_ =	shalt  }
0x77: {  	_ =	shalt  }
0x78: {  	_ =	shalt  }
0x79: {  	_ =	shalt  }
0x7a: {  	_ =	shalt  }
0x7b: {  	_ =	shalt  }
0x7c: {  	_ =	shalt  }
0x7d: {  	_ =	shalt  }
0x7e: {  	_ =	shalt  }
0x7f: {  	_ =	shalt  }
0x80: {  	_ =	shalt  }
0x81: {  	_ =	shalt  }
0x82: {  	_ =	shalt  }
0x83: {  	_ =	shalt  }
0x84: {  	_ =	shalt  }
0x85: {  	_ =	shalt  }
0x86: {  	_ =	shalt  }
0x87: {  	_ =	shalt  }
.Lfunc_end0:
.L_simem_size_0:
called_computation_lowered:
.L_overlay_start_0:
0x88: {  	s2 =	sld [smem:$0x3FD9]  }
0x89: {  	s3 =	sld [smem:$0x3FFE];
	_ =	sdelay $0x1  }
0x8a: {  	s1 =	srdreg.scid  }
0x8b: {  	s0 =	sand.u32 $0x1, s1  }
0x8c: {  	s14 =	sshll.u32 s0, $0xA;
	s2 =	sadd.s32 s3, s2  }
0x8d: {  	s2 =	sadd.s32 s2, s14  }
0x8e: {  	[smem:$0x3FB7] =	sst s2  }
0x8f: {  	_ = 	snop  }
0x90: {  	s2 =	sld [smem:$0x3FD0];
	_ =	sdelay $0x2  }
0x91: {  	s15 =	simm.s32 $0xA;
	s4 =	simm.s32 $0x10  }
0x92: {  	[smem:s4], [sflag:s15] =	dma.local [hbm:s2], $0x1  }
0x93: {  	_ =	swait.eq [sflag:s15], $0x1  }
0x94: {  	[sflag:s15] =	ssyncset.done $0x0  }
0x95: {  	s16 =	sld [smem:$0x10];
	[sflag:s15] =	ssyncadd.s32 $0xFFFFFFFF  }
0x96: {  	s17 =	sld [smem:$0x11];
	(tm) =	ssettm $0x1  }
0x97: {  	s18 =	sld [smem:$0x3FFB];
	_ =	sdelay $0x3  }
0x98: {  	_ =	strace s18  }
0x99: {  	s4 =	sld [smem:$0x3FFC];
	_ =	sdelay $0x3  }
0x9a: {  	_ =	strace s4  }
0x9b: {  	s4 =	sld [smem:$0x3FFD];
	_ =	sdelay $0x3  }
0x9c: {  	_ =	strace s4  }
0x9d: {  	_ =	strace $0x8FFFFFFF  }
0x9e: {  	s19 =	sld [smem:$0x3FDB];
	_ =	sdelay $0x1  }
0x9f: {  	s5 =	simm.s32 $_scs_section_size  }
0xa0: {  	s6 =	simm.s32 $_size__tile_overlayer_lowered;
	s7 =	simm.s32 $_tile_overlayer_lowered  }
0xa1: {  	s22 =	simm.s32 $0x1BFF;
	s21 =	sshll.u32 s7, $0x1;
	s4 =	sadd.s32 s5, s19  }
0xa2: {  	s8 =	simm.s32 $0x0;
	s20 =	sshll.u32 s6, $0x1;
	s6 =	sadd.s32 s21, s4  }
0xa3: {  	[timem:s8], [sflag:s22] =	dma.local [hbm:s6], s20  }
0xa4: {  	_ =	swait.ge [sflag:s22], s20  }
0xa5: {  	s5 =	ssub.s32 $0x0, s20;
	[sflag:s22] =	ssyncset.done $0x0  }
0xa6: {  	[sflag:s22] =	ssyncadd.s32 s5;
	_ =	sdelay $0x1  }
0xa7: {  	s23 =	simm.s32 $0x1B8B  }
0xa8: {  	_ =	swait.ge [sflag:s23], $0x1  }
0xa9: {  	[sflag:s23] =	ssyncset.done $0x0  }
0xaa: {  	s25 =	simm.s32 $0x1B8E;
	s24 =	sld [smem:$0x3FFE];
	[sflag:s23] =	ssyncadd.s32 $0xFFFFFFFF  }
0xab: {  	s26 =	simm.s32 $execute0_lowered;
	[smem:$0x3FD2] =	sst s25  }
0xac: {  	s6 =	sshll.u32 s26, $0x1;
	_ =	strace $0x80000046;
	[dreg:$0x1] =	wrdreg $0xFFFFFFFF  }
0xad: {  	s28 =	simm.s32 $_size_execute0_lowered;
	s4 =	sadd.s32 s4, s6;
	[dreg:$0x0] =	wrdreg $0x0  }
0xae: {  	s6 =	sshll.u32 s28, $0x1;
	[dreg:$0x2] =	wrdreg s4  }
0xaf: {  	[dreg:$0x3] =	wrdreg s6  }
0xb0: {  	[dreg:$0x4] =	wrdreg $0xC0  }
0xb1: {  	_ =	task [dreg:s8], $0x5FFFF  }
0xb2: {  	[dreg:$0x1] =	wrdreg $0xFFFFFFFF  }
0xb3: {  	[dreg:$0x0] =	wrdreg $0x60  }
0xb4: {  	[dreg:$0x2] =	wrdreg s16  }
0xb5: {  	[dreg:$0x3] =	wrdreg s17  }
0xb6: {  	[dreg:$0x4] =	wrdreg s24  }
0xb7: {  	[dreg:$0x5] =	wrdreg $0x9  }
0xb8: {  	_ =	task.clear_ibuf [dreg:s8], $0x6FFFF;
	_ =	strace $0x90000046  }
0xb9: {  	s29 =	simm.s32 $0x9;
	_ =	strace $0x80000048  }
0xba: {  	_ =	swait.ge [sflag:s29], $0x1  }
0xbb: {  	[sflag:s29] =	ssyncadd.s32 $0xFFFFFFFF  }
0xbc: {  	_ =	strace $0x90000048  }
0xbd: {  	_ =	sfence  }
0xbe: {  	s30 =	sld [smem:$0x0];
	_ =	sdelay $0x2  }
0xbf: {  	s31 =	sshll.u32 s1, $0xD;
	s1 =	sshrl.u32 s1, $0x2  }
0xc0: {  	s3 =	sand.u32 $0x4000, s31;
	s1 =	sadd.s32 s1, s30  }
0xc1: {  	s0 =	sor.u32 s3, s0;
	s1 =	sshll.u32 s1, $0x11  }
0xc2: {  	s0 =	sor.u32 s1, s0  }
0xc3: {  	s0 =	sadd.s32 $0x8F2B, s0  }
0xc4: {  	[sflag:s0] =	ssyncadd.remote.s32 $0x1  }
0xc5: {  	_ =	sfence.sel $0xFFFF  }
0xc6: {  	[dreg:$0x0] =	wrdreg $0xFFFFFFFF;
	(pc) =	sbr.abs _section_cstart, $3  }
0xc7: {  	[dreg:$0x1] =	wrdreg $0xFFFFFFFF  }
0xc8: {  	_ =	task.clear_ibuf [dreg:s8], $0x2FFFF;
	_ =	strace $0x9FFFFFFF  }
0xc9: {  	(tm) =	ssettm $0x7FFFFFFF  }
tec
execute0_lowered:
.L_overlay_start_1:
0x0: {  	(tag) =	ssettag $0x1  }
0x1: {  	s0 =	rddreg [dreg:$0x0]  }
0x2: {  	s2 =	rddreg [dreg:$0x1];
	s1 =	srdreg.scid  }
0x3: {  	s12 =	stileid.u32;
	s4 =	rddreg [dreg:$0x2];
	s3 =	simm.s32 $0x0  }
0x4: {  	s13 =	simm.s32 $0x61A8;
	s14 =	simm.s32 $0x85A8;
	s16 =	simm.s32 $0xA9A8  }
0x5: {  	s18 =	simm.s32 $0xCDA8;
	s20 =	simm.s32 $0xF1A8;
	s28 =	simm.s32 $0x6100  }
0x6: {  	s29 =	simm.s32 $0x6028;
	s30 =	simm.s32 $0x60A8;
	s31 =	simm.s32 $0x6128  }
0x7: {  	s1 =	sand.u32 $0x1, s1;
	s5 =	sshll.u32 s12, $0x1;
	s23 =	smul.u32 $0x6DDD0, s12  }
0x8: {  	s5 =	sor.u32 s1, s5;
	s6 =	ssub.s32 $0x2, s1;
	s1 =	smul.u32 $0x36EE8, s1  }
0x9: {  	[smem:$0x7FF] =	sst s3;
	s10 =	sadd.s32 $0xE6E00, s4;
	s7 =	smul.u32 $0x61A8, s5  }
0xa: {  	s12 =	simm.s32 $0x80;
	_ =	strace $0x80000047;
	s9 =	smul.u32 $0x1B7740, s5  }
0xb: {  	s8 =	sshrl.u32 s6, $0x1;
	s11 =	smul.u32 $0x36EE8, s5;
	s25 =	sadd.s32 s23, s10  }
0xc: {  	s23 =	simm.s32 $0x1;
	s8 =	ssub.s32 s6, s8;
	s21 =	sshrl.u32 s7, $0x3  }
0xd: {  	s22 =	sshrl.u32 s9, $0x3;
	s7 =	smax.u32 s8, $0x1;
	s26 =	sadd.s32 s10, s11  }
0xe: {  	s11 =	simm.s32 $0x3;
	s4 =	sadd.s32 s0, s21;
	s24 =	sadd.s32 s10, s22  }
0xf: {  	s0 =	sadd.s32 s1, s25;
	s8 =	sadd.s32 $0x34500, s26;
	s9 =	sadd.s32 $0x35280, s26  }
0x10: {  	s21 =	simm.s32 $0x280;
	s22 =	simm.s32 $0x115A8;
	s25 =	simm.s32 $0x6000  }
0x11: {  	s26 =	simm.s32 $0x6080;
	s1 =	simm.s32 $0x0;
	s5 =	sadd.s32 $0x36000, s24  }
0x12: {  	s6 =	sadd.s32 $0x36168, s24;
	s10 =	sadd.s32 $0xD80, s0;
	s24 =	simm.s32 $0x2  }
.LBB2_1:
0x13: {  	[tilespmem:s3], [sflag:$0x3] =	stream.linear.gather [hbm4b:s4+s3], $0x61A8, $0x38;
	[tilespmem:$0x139A8] =	vst v63  }
0x14: {  	_ =	swait.ge [sflag:s11], $0x61A8  }
0x15: {  	[sflag:s11] =	ssyncset.done $0x0  }
0x16: {  	[sflag:s11] =	ssyncadd.s32 $0xFFFF9E58  }
0x17: {  	[tilespmem:s13], [sflag:$0x1] =	stream.indirect.gather [hbm4b:s2+s12], $0x48, s3, s12, $0xb8;
	[tilespmem:$0x139A8] =	vst v63  }
0x18: {  	_ = 	snop  }
0x19: {  	[tilespmem:s14], [sflag:$0x1] =	stream.indirect.gather [hbm4b:s2+s12], $0x48, s12, s12, $0xb8;
	[tilespmem:$0x139A8] =	vst v63  }
0x1a: {  	s0 =	simm.s32 $0x100  }
0x1b: {  	[tilespmem:s16], [sflag:$0x1] =	stream.indirect.gather [hbm4b:s2+s12], $0x48, s0, s12, $0xb8;
	[tilespmem:$0x139A8] =	vst v63  }
0x1c: {  	s17 =	simm.s32 $0x180  }
0x1d: {  	[tilespmem:s18], [sflag:$0x2] =	stream.indirect.gather [hbm4b:s2+s12], $0x48, s17, s12, $0xb8;
	[tilespmem:$0x139A8] =	vst v63  }
0x1e: {  	s19 =	simm.s32 $0x200  }
0x1f: {  	[tilespmem:s20], [sflag:$0x2] =	stream.indirect.gather [hbm4b:s2+s12], $0x48, s19, s12, $0xb8;
	[tilespmem:$0x139A8] =	vst v63  }
0x20: {  	_ = 	snop  }
0x21: {  	[tilespmem:s22], [sflag:$0x2] =	stream.indirect.gather [hbm4b:s2+s12], $0x48, s21, s12, $0xb8;
	[tilespmem:$0x139A8] =	vst v63  }
0x22: {  	_ =	swait.ge [sflag:s23], $0x6C00  }
0x23: {  	[sflag:s23] =	ssyncset.done $0x0  }
0x24: {  	s15 =	sadd.s32 $0xFFFFF280, s10;
	[sflag:s23] =	ssyncadd.s32 $0xFFFF9400  }
0x25: {  	[hbm4b:s15+s3] =	stream.linear.scatter [tilespmem:s13], [sflag:$0x3], $0x6C00, $0x38;
	[tilespmem:$0x139A8] =	vst v63  }
0x26: {  	_ =	swait.ge [sflag:s11], $0x6C00  }
0x27: {  	[sflag:s11] =	ssyncset.done $0x0  }
0x28: {  	s17 =	simm.s32 $0x300;
	[sflag:s11] =	ssyncadd.s32 $0xFFFF9400  }
0x29: {  	[tilespmem:s13], [sflag:$0x1] =	stream.indirect.gather [hbm4b:s2+s12], $0x48, s17, s12, $0xb8;
	[tilespmem:$0x139A8] =	vst v63  }
0x2a: {  	s19 =	simm.s32 $0x380  }
0x2b: {  	[tilespmem:s14], [sflag:$0x1] =	stream.indirect.gather [hbm4b:s2+s12], $0x48, s19, s12, $0xb8;
	[tilespmem:$0x139A8] =	vst v63  }
0x2c: {  	s15 =	simm.s32 $0x400  }
0x2d: {  	[tilespmem:s16], [sflag:$0x1] =	stream.indirect.gather [hbm4b:s2+s12], $0x48, s15, s12, $0xb8;
	[tilespmem:$0x139A8] =	vst v63  }
0x2e: {  	_ =	swait.ge [sflag:s24], $0x6C00  }
0x2f: {  	[sflag:s24] =	ssyncset.done $0x0  }
0x30: {  	[sflag:s24] =	ssyncadd.s32 $0xFFFF9400  }
0x31: {  	[hbm4b:s10+s3] =	stream.linear.scatter [tilespmem:s18], [sflag:$0x3], $0x6C00, $0x38;
	[tilespmem:$0x139A8] =	vst v63  }
0x32: {  	_ =	swait.ge [sflag:s11], $0x6C00  }
0x33: {  	[sflag:s11] =	ssyncset.done $0x0  }
0x34: {  	s0 =	simm.s32 $0xC00;
	s17 =	simm.s32 $0x480;
	[sflag:s11] =	ssyncadd.s32 $0xFFFF9400  }
0x35: {  	[tilespmem:s18], [sflag:$0x2] =	stream.indirect.gather [hbm4b:s2+s12], $0x48, s17, s12, $0xb8;
	[tilespmem:$0x139A8] =	vst v63  }
0x36: {  	s19 =	simm.s32 $0x500;
	s15 =	sadd.s32 $0x1B00, s10;
	s17 =	simm.s32 $0x580  }
0x37: {  	[tilespmem:s20], [sflag:$0x2] =	stream.indirect.gather [hbm4b:s2+s12], $0x48, s19, s12, $0xb8;
	[tilespmem:$0x139A8] =	vst v63  }
.LBB2_2:
0x38: {  	[tilespmem:s22], [sflag:$0x2] =	stream.indirect.gather [hbm4b:s2+s12], $0x48, s17, s12, $0xb8;
	[tilespmem:$0x139A8] =	vst v63  }
0x39: {  	s17 =	smov.u32 s0  }
0x3a: {  	p0 =	sne.s32 s0, $0x16800;
	s0 =	sadd.s32 $0xC00, s0;
	_ =	swait.ge [sflag:s23], $0x6C00  }
0x3b: {  	[sflag:s23] =	ssyncset.done $0x0  }
0x3c: {  	s19 =	sadd.s32 $0xFFFFF280, s15;
	[sflag:s23] =	ssyncadd.s32 $0xFFFF9400  }
0x3d: {  	[hbm4b:s19+s3] =	stream.linear.scatter [tilespmem:s13], [sflag:$0x3], $0x6C00, $0x38;
	[tilespmem:$0x139A8] =	vst v63  }
0x3e: {  	_ =	swait.ge [sflag:s11], $0x6C00  }
0x3f: {  	s17 =	sshra.s32 s17, $0x2;
	[sflag:s11] =	ssyncset.done $0x0  }
0x40: {  	s19 =	sadd.s32 $0x300, s17;
	[sflag:s11] =	ssyncadd.s32 $0xFFFF9400  }
0x41: {  	[tilespmem:s13], [sflag:$0x1] =	stream.indirect.gather [hbm4b:s2+s12], $0x48, s19, s12, $0xb8;
	[tilespmem:$0x139A8] =	vst v63  }
0x42: {  	s19 =	sadd.s32 $0x380, s17  }
0x43: {  	[tilespmem:s14], [sflag:$0x1] =	stream.indirect.gather [hbm4b:s2+s12], $0x48, s19, s12, $0xb8;
	[tilespmem:$0x139A8] =	vst v63  }
0x44: {  	s19 =	sadd.s32 $0x400, s17  }
0x45: {  	[tilespmem:s16], [sflag:$0x1] =	stream.indirect.gather [hbm4b:s2+s12], $0x48, s19, s12, $0xb8;
	[tilespmem:$0x139A8] =	vst v63  }
0x46: {  	_ =	swait.ge [sflag:s24], $0x6C00  }
0x47: {  	[sflag:s24] =	ssyncset.done $0x0  }
0x48: {  	[sflag:s24] =	ssyncadd.s32 $0xFFFF9400  }
0x49: {  	[hbm4b:s15+s3] =	stream.linear.scatter [tilespmem:s18], [sflag:$0x3], $0x6C00, $0x38;
	[tilespmem:$0x139A8] =	vst v63  }
0x4a: {  	_ =	swait.ge [sflag:s11], $0x6C00  }
0x4b: {  	[sflag:s11] =	ssyncset.done $0x0  }
.Ltmp0:
0x4c: {  	s19 =	sadd.s32 $0x480, s17;
	[sflag:s11] =	ssyncadd.s32 $0xFFFF9400;
	(pc) =	sbr.rel @p0 .LBB2_2-.Ltmp0, $4  }
0x4d: {  	[tilespmem:s18], [sflag:$0x2] =	stream.indirect.gather [hbm4b:s2+s12], $0x48, s19, s12, $0xb8;
	[tilespmem:$0x139A8] =	vst v63  }
0x4e: {  	s19 =	sadd.s32 $0x500, s17  }
0x4f: {  	[tilespmem:s20], [sflag:$0x2] =	stream.indirect.gather [hbm4b:s2+s12], $0x48, s19, s12, $0xb8;
	[tilespmem:$0x139A8] =	vst v63  }
0x50: {  	s15 =	sadd.s32 $0x1B00, s15;
	s17 =	sadd.s32 $0x580, s17  }
0x51: {  	[tilespmem:s22], [sflag:$0x2] =	stream.indirect.gather [hbm4b:s2+s12], $0x48, s17, s12, $0xb8;
	[tilespmem:$0x139A8] =	vst v63  }
0x52: {  	_ =	swait.ge [sflag:s23], $0x6C00  }
0x53: {  	[sflag:s23] =	ssyncset.done $0x0  }
0x54: {  	[sflag:s23] =	ssyncadd.s32 $0xFFFF9400  }
0x55: {  	[hbm4b:s8+s3] =	stream.linear.scatter [tilespmem:s13], [sflag:$0x3], $0x6C00, $0x38;
	[tilespmem:$0x139A8] =	vst v63  }
0x56: {  	_ =	swait.ge [sflag:s11], $0x6C00  }
0x57: {  	[sflag:s11] =	ssyncset.done $0x0  }
0x58: {  	[sflag:s11] =	ssyncadd.s32 $0xFFFF9400  }
0x59: {  	[tilespmem:s13], [sflag:$0x1] =	stream.indirect.gather [hbm4b:s2+s12], $0x48, s25, s12, $0xb8;
	[tilespmem:$0x139A8] =	vst v63  }
0x5a: {  	_ = 	snop  }
0x5b: {  	[tilespmem:s14], [sflag:$0x1] =	stream.indirect.gather [hbm4b:s2+s12], $0x48, s26, s12, $0xb8;
	[tilespmem:$0x139A8] =	vst v63  }
0x5c: {  	_ = 	snop  }
0x5d: {  	[tilespmem:s16], [sflag:$0x1] =	stream.indirect.gather [hbm4b:s2+s12], $0x48, s28, s12, $0xb8;
	[tilespmem:$0x139A8] =	vst v63  }
0x5e: {  	_ =	swait.ge [sflag:s24], $0x6C00  }
0x5f: {  	[sflag:s24] =	ssyncset.done $0x0  }
0x60: {  	[sflag:s24] =	ssyncadd.s32 $0xFFFF9400  }
0x61: {  	[hbm4b:s9+s3] =	stream.linear.scatter [tilespmem:s18], [sflag:$0x3], $0x6C00, $0x38;
	[tilespmem:$0x139A8] =	vst v63  }
0x62: {  	_ =	swait.ge [sflag:s11], $0x6C00  }
0x63: {  	[sflag:s11] =	ssyncset.done $0x0  }
0x64: {  	[sflag:s11] =	ssyncadd.s32 $0xFFFF9400  }
0x65: {  	[tilespmem:s18], [sflag:$0x2] =	stream.indirect.gather [hbm4b:s2+s12], $0x48, s29, s12, $0xb8;
	[tilespmem:$0x139A8] =	vst v63  }
0x66: {  	_ = 	snop  }
0x67: {  	[tilespmem:s20], [sflag:$0x2] =	stream.indirect.gather [hbm4b:s2+s12], $0x48, s30, s12, $0xb8;
	[tilespmem:$0x139A8] =	vst v63  }
0x68: {  	_ = 	snop  }
0x69: {  	[tilespmem:s22], [sflag:$0x2] =	stream.indirect.gather [hbm4b:s2+s12], $0x48, s31, s12, $0xb8;
	[tilespmem:$0x139A8] =	vst v63  }
0x6a: {  	_ =	swait.ge [sflag:s23], $0x6C00  }
0x6b: {  	[sflag:s23] =	ssyncset.done $0x0  }
0x6c: {  	[sflag:s23] =	ssyncadd.s32 $0xFFFF9400  }
0x6d: {  	[hbm4b:s5+s3] =	stream.linear.scatter [tilespmem:s13], [sflag:$0x3], $0x6C00, $0x38;
	[tilespmem:$0x139A8] =	vst v63  }
0x6e: {  	_ =	swait.ge [sflag:s11], $0x6C00  }
0x6f: {  	[sflag:s11] =	ssyncset.done $0x0  }
0x70: {  	[sflag:s11] =	ssyncadd.s32 $0xFFFF9400  }
0x71: {  	s1 =	sadd.s32 $0x1, s1;
	_ =	swait.ge [sflag:s24], $0x6C00  }
0x72: {  	p0 =	sne.s32 s1, s7;
	[sflag:s24] =	ssyncset.done $0x0  }
.Ltmp1:
0x73: {  	[sflag:s24] =	ssyncadd.s32 $0xFFFF9400;
	(pc) =	sbr.rel @p0 .LBB2_1-.Ltmp1, $4  }
0x74: {  	[hbm4b:s6+s3] =	stream.linear.scatter [tilespmem:s18], [sflag:$0x3], $0x6C00, $0x38;
	[tilespmem:$0x139A8] =	vst v63  }
0x75: {  	_ =	swait.ge [sflag:s11], $0x6C00  }
0x76: {  	[sflag:s11] =	ssyncset.done $0x0  }
0x77: {  	[sflag:s11] =	ssyncadd.s32 $0xFFFF9400  }
0x78: {  	_ =	sfence.sel $0x180000  }
0x79: {  	[bflag:$0x0] =	sbarrier.arrive $0xFFFF  }
0x7a: {  	_ =	strace $0x90000047  }
0x7b: {  	s0 =	stileid.u32;
	[bflag:$0x2] =	sbarrier.arrive $0xFFFF  }
0x7c: {  	p0 =	sne.s32 s0, $0x0;
	s0 =	rddreg [dreg:$0x3]  }
0x7d: {  	s0 =	sadd.s32 @!p0 $0x100000, s0  }
0x7e: {  	[sflag:s0] =	ssyncadd.tile.s32 @!p0 $0x1;
	_ =	shalt  }
.Lfunc_end2:
_tile_overlayer_lowered:
.L_overlay_start_2:
0x7f: {  	(tag) =	ssettag $0x2  }
0x80: {  	s0 =	rddreg [dreg:$0x0];
	s2 =	stileid.u32  }
0x81: {  	s1 =	rddreg [dreg:$0x1];
	p0 =	sne.s32 s2, $0x0  }
0x82: {  	s3 =	rddreg [dreg:$0x2];
	[bflag:$0x3] =	sbarrier.arrive $0xFFFF;
	s2 =	simm.s32 @!p0 $0x1C03  }
0x83: {  	[timem:s3], [sflag:s2] =	dma.local @!p0 [hbm:s0], s1  }
0x84: {  	s0 =	simm.s32 @!p0 $0x3  }
0x85: {  	_ =	swait.ge @!p0 [sflag:s0], s1  }
0x86: {  	s1 =	ssub.s32 @!p0 $0x0, s1;
	[sflag:s0] =	ssyncset.done @!p0 $0x0  }
0x87: {  	[sflag:s0] =	ssyncadd.s32 @!p0 s1  }
0x88: {  	[bflag:$0x3] =	sbarrier.arrive $0xFFFF  }
0x89: {  	_ =	shalt  }

</sc_bundles>
